<compile_context>
chip_gen: v7x
topology: tpu7x:2x2x1
jax: 0.10.2.dev20260603
libtpu: 0.0.44.dev20260713+nightly
codegen_flags: <defaults>
</compile_context>

<pallas_src>
import functools

import jax
import jax.numpy as jnp
from jax import lax
from jax.experimental import pallas as pl
from jax.experimental.pallas import tpu as pltpu
from jax.experimental.pallas import tpu_sc as plsc

_B, _C, _H, _W = 16, 96, 224, 224
_F = _C * _H * _W
_K = 4
_NC, _NS, _L = 2, 16, 16
_NW = _NC * _NS
_PER_TILE = _F // _NW
_NCHUNK = 4
_CHUNK = _PER_TILE // _NCHUNK
_VREGS = _CHUNK // _L
_CAND = _K * _L


def _insert(v, ix, carry):
    r1, r2, r3, r4, q1, q2, q3, q4 = carry
    m1 = v > r1
    nr1 = jnp.where(m1, v, r1)
    nq1 = jnp.where(m1, ix, q1)
    dv = jnp.where(m1, r1, v)
    dq = jnp.where(m1, q1, ix)
    m2 = dv > r2
    nr2 = jnp.where(m2, dv, r2)
    nq2 = jnp.where(m2, dq, q2)
    dv2 = jnp.where(m2, r2, dv)
    dq2 = jnp.where(m2, q2, dq)
    m3 = dv2 > r3
    nr3 = jnp.where(m3, dv2, r3)
    nq3 = jnp.where(m3, dq2, q3)
    dv3 = jnp.where(m3, r3, dv2)
    dq3 = jnp.where(m3, q3, dq2)
    m4 = dv3 > r4
    nr4 = jnp.where(m4, dv3, r4)
    nq4 = jnp.where(m4, dq3, q4)
    return (nr1, nr2, nr3, nr4, nq1, nq2, nq3, nq4)


_G = 24
_F2 = _F // _NC
_CPB = 4
_CHUNK_SC = _F2 // _CPB
_SLICE = _CHUNK_SC // _NS
_NGROUP = _SLICE // (_G * _L)
_T = _B * _CPB


def _sc_scan_body(x_hbm, vals_hbm, idx_hbm, sp0, sp1, tilebuf, stage_v,
                  stage_i, sem0, sem1):
    cid = lax.axis_index("c")
    sid = lax.axis_index("s")
    wid = sid * _NC + cid
    lane = lax.iota(jnp.int32, _L)
    neg = jnp.full((_L,), -jnp.inf, jnp.float32)
    zero_i = jnp.zeros((_L,), jnp.int32)
    sc_base = cid * _F2

    def src(t):
        b = t // _CPB
        c = t % _CPB
        return x_hbm.at[pl.ds(b * _F + sc_base + c * _CHUNK_SC, _CHUNK_SC)]

    def process_chunk(t):
        base_idx = sc_base + (t % _CPB) * _CHUNK_SC + sid * _SLICE

        def group_body(g, _):
            off = g * (_G * _L)
            vs = [tilebuf[pl.ds(off + j * _L, _L)] for j in range(_G)]
            gm = vs[0]
            for j in range(1, _G):
                gm = jnp.maximum(gm, vs[j])
            r4 = stage_v[pl.ds(3 * _L, _L)]
            cnt = plsc.all_reduce_population_count(gm > r4)
            hit = cnt[0]

            @pl.when(hit > 0)
            def _():
                cr = (stage_v[pl.ds(0 * _L, _L)],
                      stage_v[pl.ds(1 * _L, _L)],
                      stage_v[pl.ds(2 * _L, _L)],
                      stage_v[pl.ds(3 * _L, _L)],
                      stage_i[pl.ds(0 * _L, _L)],
                      stage_i[pl.ds(1 * _L, _L)],
                      stage_i[pl.ds(2 * _L, _L)],
                      stage_i[pl.ds(3 * _L, _L)])
                for j in range(_G):
                    cr = _insert(vs[j], lane + (base_idx + off + j * _L), cr)
                stage_v[pl.ds(0 * _L, _L)] = cr[0]
                stage_v[pl.ds(1 * _L, _L)] = cr[1]
                stage_v[pl.ds(2 * _L, _L)] = cr[2]
                stage_v[pl.ds(3 * _L, _L)] = cr[3]
                stage_i[pl.ds(0 * _L, _L)] = cr[4]
                stage_i[pl.ds(1 * _L, _L)] = cr[5]
                stage_i[pl.ds(2 * _L, _L)] = cr[6]
                stage_i[pl.ds(3 * _L, _L)] = cr[7]

            return 0

        lax.fori_loop(0, _NGROUP, group_body, 0)

    def handle_chunk(sp, sem, t):
        @pl.when((t % _CPB) == 0)
        def _():
            for j in range(_K):
                stage_v[pl.ds(j * _L, _L)] = neg
                stage_i[pl.ds(j * _L, _L)] = zero_i

        @pl.when(sid == 0)
        def _():
            pltpu.make_async_copy(src(t), sp, sem).wait()

        plsc.subcore_barrier()
        pltpu.sync_copy(sp.at[pl.ds(sid * _SLICE, _SLICE)], tilebuf)
        plsc.subcore_barrier()

        @pl.when(sid == 0)
        def _():
            pltpu.make_async_copy(src(jnp.minimum(t + 2, _T - 1)), sp,
                                  sem).start()

        process_chunk(t)

        @pl.when((t % _CPB) == (_CPB - 1))
        def _():
            b = t // _CPB
            pltpu.sync_copy(stage_v, vals_hbm.at[b, wid])
            pltpu.sync_copy(stage_i, idx_hbm.at[b, wid])

    @pl.when(sid == 0)
    def _():
        pltpu.make_async_copy(src(0), sp0, sem0).start()
        pltpu.make_async_copy(src(1), sp1, sem1).start()

    def pair_body(p, _):
        handle_chunk(sp0, sem0, 2 * p)
        handle_chunk(sp1, sem1, 2 * p + 1)
        return 0

    lax.fori_loop(0, _T // 2, pair_body, 0)

    @pl.when(sid == 0)
    def _():
        pltpu.make_async_copy(src(_T - 1), sp0, sem0).wait()
        pltpu.make_async_copy(src(_T - 1), sp1, sem1).wait()


_sc_scan = functools.partial(
    pl.kernel,
    out_type=[
        jax.ShapeDtypeStruct((_B, _NW, _CAND), jnp.float32),
        jax.ShapeDtypeStruct((_B, _NW, _CAND), jnp.int32),
    ],
    mesh=plsc.VectorSubcoreMesh(core_axis_name="c", subcore_axis_name="s"),
    compiler_params=pltpu.CompilerParams(needs_layout_passes=False),
    scratch_types=[
        pltpu.VMEM_SHARED((_CHUNK_SC,), jnp.float32),
        pltpu.VMEM_SHARED((_CHUNK_SC,), jnp.float32),
        pltpu.VMEM((_SLICE,), jnp.float32),
        pltpu.VMEM((_CAND,), jnp.float32),
        pltpu.VMEM((_CAND,), jnp.int32),
        pltpu.SemaphoreType.DMA,
        pltpu.SemaphoreType.DMA,
    ],
)(_sc_scan_body)


def _merge_body(vals_ref, idx_ref, out_ref):
    vals = vals_ref[...]
    idxs = idx_ref[...]
    big = jnp.int32(2**31 - 1)
    sel_v = []
    sel_i = []
    for _ in range(_K):
        m = jnp.max(vals, axis=1, keepdims=True)
        eq = vals == m
        mi = jnp.where(eq, idxs, big)
        si = jnp.min(mi, axis=1, keepdims=True)
        sel_v.append(m)
        sel_i.append(si)
        kill = eq & (idxs == si)
        vals = jnp.where(kill, -jnp.inf, vals)
    v = jnp.concatenate(sel_v, axis=1)
    i = jnp.concatenate(sel_i, axis=1)
    fm = i // (_H * _W)
    rem = i % (_H * _W)
    xf = (rem % _W).astype(jnp.float32) / (_W - 1)
    yf = (rem // _W).astype(jnp.float32) / (_H - 1)
    ci = lax.broadcasted_iota(jnp.int32, (_B, _K, _C + 3), 2)
    out = (ci == fm[:, :, None]).astype(jnp.float32)
    out = jnp.where(ci == _C, v[:, :, None], out)
    out = jnp.where(ci == _C + 1, xf[:, :, None], out)
    out = jnp.where(ci == _C + 2, yf[:, :, None], out)
    out_ref[...] = out


def kernel(x):
    xf = x.reshape(_B * _F)
    vals, idxs = _sc_scan(xf)
    out = pl.pallas_call(
        _merge_body,
        out_shape=jax.ShapeDtypeStruct((_B, _K, _C + 3), jnp.float32),
    )(vals.reshape(_B, _NW * _CAND), idxs.reshape(_B, _NW * _CAND))
    return out

# --- scband reference (transcript-rebuilt; emitter-appended) ---
"""Pipeline reference for scband-feature-extraction-layer-523986010290 (READ-ONLY COPY).

The authoritative reference and input builder live on the scoring server;
editing this copy changes nothing except your own understanding.
"""

import jax, jax.numpy as jnp
import numpy as np


def setup_inputs(seed: int = 0) -> dict:
    key = jax.random.key(seed)
    x = jax.random.uniform(key, (16, 96, 224, 224), dtype=jnp.float32)
    return {"x": x}


def reference(x):
    B, C, H, W = x.shape
    k = 4
    flat = x.reshape(B, -1)
    values, indices = jax.lax.top_k(flat, k)
    fm_indices = indices // (H * W)
    y_idx = (indices % (H * W)) // W
    x_idx = (indices % (H * W)) % W
    xf = x_idx.astype(jnp.float32) / (W - 1)
    yf = y_idx.astype(jnp.float32) / (H - 1)
    out = jnp.zeros((B, k, C + 3), dtype=jnp.float32)
    bi = jnp.arange(B)[:, None]
    oi = jnp.arange(k)[None, :]
    out = out.at[bi, oi, fm_indices].set(1.0)
    out = out.at[:, :, C].set(values)
    out = out.at[:, :, C + 1].set(xf)
    out = out.at[:, :, C + 2].set(yf)
    return out

if __name__ == "__main__":
    import jax
    _d = setup_inputs()
    print(jax.jit(kernel)(*tuple(_d.values())))

</pallas_src>

<mosaic_0001>
#map = affine_map<(d0, d1) -> (0)>
#map1 = affine_map<(d0, d1) -> (0, 0, 0)>
module attributes {stable_mosaic.version = 14 : i64} {
  func.func @_sc_scan_body(%arg0: i32, %arg1: i32, %arg2: memref<77070336xf32, #tpu.memory_space<hbm>>, %arg3: memref<16x32x64xf32, #tpu.memory_space<hbm>>, %arg4: memref<16x32x64xi32, #tpu.memory_space<hbm>>, %arg5: memref<602112xf32, #tpu.memory_space<vmem_shared>>, %arg6: memref<602112xf32, #tpu.memory_space<vmem_shared>>, %arg7: memref<37632xf32, #tpu.memory_space<vmem>>, %arg8: memref<64xf32, #tpu.memory_space<vmem>>, %arg9: memref<64xi32, #tpu.memory_space<vmem>>, %arg10: memref<!tpu.dma_semaphore, #tpu.memory_space<semaphore_mem>>, %arg11: memref<!tpu.dma_semaphore, #tpu.memory_space<semaphore_mem>>) attributes {dimension_semantics = [#tpu.dimension_semantics<core_parallel>, #tpu.dimension_semantics<subcore_parallel>], iteration_bounds = array<i64: 2, 16>, scalar_prefetch = 0 : i64, scratch_operands = 7 : i64, tpu.core_type = #tpu.core_type<sc_vector_subcore>, window_params = [{transform_indices = #map}, {transform_indices = #map1}, {transform_indices = #map1}]} {
    %mul3A = arith.constant 2 : i32
    %mul3A_0 = arith.muli %arg1, %mul3A : i32
    %add3A = arith.addi %mul3A_0, %arg0 : i32
    %iota3A = tpu.iota {dimensions = array<i32: 0>} : vector<16xi32>
    %broadcast_in_dim3A = arith.constant 0xFF800000 : f32
    %broadcast_in_dim3A_1 = vector.broadcast %broadcast_in_dim3A : f32 to vector<16xf32>
    %broadcast_in_dim3A_2 = arith.constant 0 : i32
    %broadcast_in_dim3A_3 = vector.broadcast %broadcast_in_dim3A_2 : i32 to vector<16xi32>
    %mul3A_4 = arith.constant 2408448 : i32
    %mul3A_5 = arith.muli %arg0, %mul3A_4 : i32
    %eq3A = arith.constant 0 : i32
    %eq3A_6 = arith.cmpi eq, %arg1, %eq3A : i32
    %convert_element_type3A = arith.extui %eq3A_6 : i1 to i32
    %cond3A = arith.constant 0 : i32
    %cond3A_7 = arith.cmpi ne, %convert_element_type3A, %cond3A : i32
    scf.if %cond3A_7 {
      %add3A_19 = arith.constant 0 : i32
      %add3A_20 = arith.addi %add3A_19, %mul3A_5 : i32
      %add3A_21 = arith.constant 0 : i32
      %add3A_22 = arith.addi %add3A_20, %add3A_21 : i32
      %dma_start3A = tpu.memref_slice %arg2[%add3A_22] : memref<77070336xf32, #tpu.memory_space<hbm>> -> memref<602112xf32, #tpu.memory_space<hbm>>
      tpu.enqueue_dma source(%dma_start3A : memref<602112xf32, #tpu.memory_space<hbm>>) target(%arg5 : memref<602112xf32, #tpu.memory_space<vmem_shared>>) target_semaphore(%arg10 : memref<!tpu.dma_semaphore, #tpu.memory_space<semaphore_mem>>)
      %add3A_23 = arith.constant 0 : i32
      %add3A_24 = arith.addi %add3A_23, %mul3A_5 : i32
      %add3A_25 = arith.constant 602112 : i32
      %add3A_26 = arith.addi %add3A_24, %add3A_25 : i32
      %dma_start3A_27 = tpu.memref_slice %arg2[%add3A_26] : memref<77070336xf32, #tpu.memory_space<hbm>> -> memref<602112xf32, #tpu.memory_space<hbm>>
      tpu.enqueue_dma source(%dma_start3A_27 : memref<602112xf32, #tpu.memory_space<hbm>>) target(%arg6 : memref<602112xf32, #tpu.memory_space<vmem_shared>>) target_semaphore(%arg11 : memref<!tpu.dma_semaphore, #tpu.memory_space<semaphore_mem>>)
    } else {
    }
    %scan3A = arith.constant 0 : i32
    %scan3A_8 = arith.constant 0 : i32
    %scan3A_9 = arith.constant 32 : i32
    %scan3A_10 = arith.addi %scan3A_8, %scan3A_9 : i32
    %scan3A_11 = arith.constant 1 : i32
    %scan3A_12 = scf.for %scan3A_19 = %scan3A_8 to %scan3A_10 step %scan3A_11 iter_args(%scan3A_20 = %scan3A) -> (i32)  : i32 {
      %mul3A_21 = arith.constant 2 : i32
      %mul3A_22 = arith.muli %mul3A_21, %scan3A_19 : i32
      %jit3A = arith.constant 4 : i32
      %eq3A_23 = arith.constant 0 : i32
      %eq3A_24 = arith.cmpi eq, %jit3A, %eq3A_23 : i32
      %jit3A_25 = arith.constant 1 : i32
      %select_n3A = arith.select %eq3A_24, %jit3A_25, %jit3A : i32
      %rem3A = arith.remsi %mul3A_22, %select_n3A : i32
      %ne3A = arith.constant 0 : i32
      %ne3A_26 = arith.cmpi ne, %rem3A, %ne3A : i32
      %lt3A = arith.constant 0 : i32
      %lt3A_27 = arith.cmpi slt, %rem3A, %lt3A : i32
      %lt3A_28 = arith.constant 0 : i32
      %lt3A_29 = arith.cmpi slt, %select_n3A, %lt3A_28 : i32
      %ne3A_30 = arith.xori %lt3A_27, %lt3A_29 : i1
      %and3A = arith.andi %ne3A_30, %ne3A_26 : i1
      %add3A_31 = arith.addi %rem3A, %select_n3A : i32
      %select_n3A_32 = arith.select %and3A, %add3A_31, %rem3A : i32
      %eq3A_33 = arith.constant 0 : i32
      %eq3A_34 = arith.cmpi eq, %select_n3A_32, %eq3A_33 : i32
      %convert_element_type3A_35 = arith.extui %eq3A_34 : i1 to i32
      %cond3A_36 = arith.constant 0 : i32
      %cond3A_37 = arith.cmpi ne, %convert_element_type3A_35, %cond3A_36 : i32
      scf.if %cond3A_37 {
        %swap3A = arith.constant 0 : index
        %swap3A_191 = tpu.vector_load %arg8[%swap3A] {strides = array<i32>} : memref<64xf32, #tpu.memory_space<vmem>>, vector<16xf32>,
        tpu.vector_store %arg8[%swap3A], %broadcast_in_dim3A_1 {strides = array<i32>} : memref<64xf32, #tpu.memory_space<vmem>>, vector<16xf32>,
        %swap3A_192 = arith.constant 0 : index
        %swap3A_193 = tpu.vector_load %arg9[%swap3A_192] {strides = array<i32>} : memref<64xi32, #tpu.memory_space<vmem>>, vector<16xi32>,
        tpu.vector_store %arg9[%swap3A_192], %broadcast_in_dim3A_3 {strides = array<i32>} : memref<64xi32, #tpu.memory_space<vmem>>, vector<16xi32>,
        %swap3A_194 = arith.constant 16 : index
        %swap3A_195 = tpu.vector_load %arg8[%swap3A_194] {strides = array<i32>} : memref<64xf32, #tpu.memory_space<vmem>>, vector<16xf32>,
        tpu.vector_store %arg8[%swap3A_194], %broadcast_in_dim3A_1 {strides = array<i32>} : memref<64xf32, #tpu.memory_space<vmem>>, vector<16xf32>,
        %swap3A_196 = arith.constant 16 : index
        %swap3A_197 = tpu.vector_load %arg9[%swap3A_196] {strides = array<i32>} : memref<64xi32, #tpu.memory_space<vmem>>, vector<16xi32>,
        tpu.vector_store %arg9[%swap3A_196], %broadcast_in_dim3A_3 {strides = array<i32>} : memref<64xi32, #tpu.memory_space<vmem>>, vector<16xi32>,
        %swap3A_198 = arith.constant 32 : index
        %swap3A_199 = tpu.vector_load %arg8[%swap3A_198] {strides = array<i32>} : memref<64xf32, #tpu.memory_space<vmem>>, vector<16xf32>,
        tpu.vector_store %arg8[%swap3A_198], %broadcast_in_dim3A_1 {strides = array<i32>} : memref<64xf32, #tpu.memory_space<vmem>>, vector<16xf32>,
        %swap3A_200 = arith.constant 32 : index
        %swap3A_201 = tpu.vector_load %arg9[%swap3A_200] {strides = array<i32>} : memref<64xi32, #tpu.memory_space<vmem>>, vector<16xi32>,
        tpu.vector_store %arg9[%swap3A_200], %broadcast_in_dim3A_3 {strides = array<i32>} : memref<64xi32, #tpu.memory_space<vmem>>, vector<16xi32>,
        %swap3A_202 = arith.constant 48 : index
        %swap3A_203 = tpu.vector_load %arg8[%swap3A_202] {strides = array<i32>} : memref<64xf32, #tpu.memory_space<vmem>>, vector<16xf32>,
        tpu.vector_store %arg8[%swap3A_202], %broadcast_in_dim3A_1 {strides = array<i32>} : memref<64xf32, #tpu.memory_space<vmem>>, vector<16xf32>,
        %swap3A_204 = arith.constant 48 : index
        %swap3A_205 = tpu.vector_load %arg9[%swap3A_204] {strides = array<i32>} : memref<64xi32, #tpu.memory_space<vmem>>, vector<16xi32>,
        tpu.vector_store %arg9[%swap3A_204], %broadcast_in_dim3A_3 {strides = array<i32>} : memref<64xi32, #tpu.memory_space<vmem>>, vector<16xi32>,
      } else {
      }
      %eq3A_38 = arith.constant 0 : i32
      %eq3A_39 = arith.cmpi eq, %arg1, %eq3A_38 : i32
      %convert_element_type3A_40 = arith.extui %eq3A_39 : i1 to i32
      %cond3A_41 = arith.constant 0 : i32
      %cond3A_42 = arith.cmpi ne, %convert_element_type3A_40, %cond3A_41 : i32
      scf.if %cond3A_42 {
        %jit3A_191 = arith.constant 4 : i32
        %div3A = arith.divsi %mul3A_22, %jit3A_191 : i32
        %sign3A = arith.constant 0 : i32
        %sign3A_192 = arith.cmpi sgt, %mul3A_22, %sign3A : i32
        %sign3A_193 = arith.extui %sign3A_192 : i1 to i32
        %sign3A_194 = arith.constant 0 : i32
        %sign3A_195 = arith.cmpi slt, %mul3A_22, %sign3A_194 : i32
        %sign3A_196 = arith.extui %sign3A_195 : i1 to i32
        %sign3A_197 = arith.subi %sign3A_193, %sign3A_196 : i32
        %sign3A_198 = arith.constant 0 : i32
        %sign3A_199 = arith.cmpi sgt, %jit3A_191, %sign3A_198 : i32
        %sign3A_200 = arith.extui %sign3A_199 : i1 to i32
        %sign3A_201 = arith.constant 0 : i32
        %sign3A_202 = arith.cmpi slt, %jit3A_191, %sign3A_201 : i32
        %sign3A_203 = arith.extui %sign3A_202 : i1 to i32
        %sign3A_204 = arith.subi %sign3A_200, %sign3A_203 : i32
        %ne3A_205 = arith.cmpi ne, %sign3A_197, %sign3A_204 : i32
        %rem3A_206 = arith.remsi %mul3A_22, %jit3A_191 : i32
        %ne3A_207 = arith.constant 0 : i32
        %ne3A_208 = arith.cmpi ne, %rem3A_206, %ne3A_207 : i32
        %and3A_209 = arith.andi %ne3A_205, %ne3A_208 : i1
        %sub3A = arith.constant 1 : i32
        %sub3A_210 = arith.subi %div3A, %sub3A : i32
        %select_n3A_211 = arith.select %and3A_209, %sub3A_210, %div3A : i32
        %jit3A_212 = arith.constant 4 : i32
        %eq3A_213 = arith.constant 0 : i32
        %eq3A_214 = arith.cmpi eq, %jit3A_212, %eq3A_213 : i32
        %jit3A_215 = arith.constant 1 : i32
        %select_n3A_216 = arith.select %eq3A_214, %jit3A_215, %jit3A_212 : i32
        %rem3A_217 = arith.remsi %mul3A_22, %select_n3A_216 : i32
        %ne3A_218 = arith.constant 0 : i32
        %ne3A_219 = arith.cmpi ne, %rem3A_217, %ne3A_218 : i32
        %lt3A_220 = arith.constant 0 : i32
        %lt3A_221 = arith.cmpi slt, %rem3A_217, %lt3A_220 : i32
        %lt3A_222 = arith.constant 0 : i32
        %lt3A_223 = arith.cmpi slt, %select_n3A_216, %lt3A_222 : i32
        %ne3A_224 = arith.xori %lt3A_221, %lt3A_223 : i1
        %and3A_225 = arith.andi %ne3A_224, %ne3A_219 : i1
        %add3A_226 = arith.addi %rem3A_217, %select_n3A_216 : i32
        %select_n3A_227 = arith.select %and3A_225, %add3A_226, %rem3A_217 : i32
        %mul3A_228 = arith.constant 4816896 : i32
        %mul3A_229 = arith.muli %select_n3A_211, %mul3A_228 : i32
        %add3A_230 = arith.addi %mul3A_229, %mul3A_5 : i32
        %mul3A_231 = arith.constant 602112 : i32
        %mul3A_232 = arith.muli %select_n3A_227, %mul3A_231 : i32
        %add3A_233 = arith.addi %add3A_230, %mul3A_232 : i32
        %dma_wait3A = tpu.memref_slice %arg2[%add3A_233] : memref<77070336xf32, #tpu.memory_space<hbm>> -> memref<602112xf32, #tpu.memory_space<hbm>>
        tpu.wait_dma2 semaphore(%arg10 : memref<!tpu.dma_semaphore, #tpu.memory_space<semaphore_mem>>) src(%dma_wait3A : memref<602112xf32, #tpu.memory_space<hbm>>) dst(%arg5 : memref<602112xf32, #tpu.memory_space<vmem_shared>>)
      } else {
      }
      %barrier3A = arith.constant 0 : index
      tpu.barrier barrier_id(%barrier3A)
      %mul3A_43 = arith.constant 37632 : i32
      %mul3A_44 = arith.muli %arg1, %mul3A_43 : i32
      "tpu.region"() ({
        %run_scoped3A = tpu.sem_alloc : memref<!tpu.dma_semaphore, #tpu.memory_space<semaphore_mem>>
        %dma_start3A = tpu.memref_slice %arg5[%mul3A_44] : memref<602112xf32, #tpu.memory_space<vmem_shared>> -> memref<37632xf32, #tpu.memory_space<vmem_shared>>
        %dma_start3A_191 = tpu.memref_slice %arg5[%mul3A_44] : memref<602112xf32, #tpu.memory_space<vmem_shared>> -> memref<37632xf32, #tpu.memory_space<vmem_shared>>
        tpu.enqueue_dma source(%dma_start3A_191 : memref<37632xf32, #tpu.memory_space<vmem_shared>>) target(%arg7 : memref<37632xf32, #tpu.memory_space<vmem>>) target_semaphore(%run_scoped3A : memref<!tpu.dma_semaphore, #tpu.memory_space<semaphore_mem>>)
        %dma_wait3A = tpu.memref_slice %arg5[%mul3A_44] : memref<602112xf32, #tpu.memory_space<vmem_shared>> -> memref<37632xf32, #tpu.memory_space<vmem_shared>>
        %dma_wait3A_192 = tpu.memref_slice %arg5[%mul3A_44] : memref<602112xf32, #tpu.memory_space<vmem_shared>> -> memref<37632xf32, #tpu.memory_space<vmem_shared>>
        tpu.wait_dma2 semaphore(%run_scoped3A : memref<!tpu.dma_semaphore, #tpu.memory_space<semaphore_mem>>) src(%dma_wait3A_192 : memref<37632xf32, #tpu.memory_space<vmem_shared>>) dst(%arg7 : memref<37632xf32, #tpu.memory_space<vmem>>)
        tpu.yield
      }) : () -> ()
      %barrier3A_45 = arith.constant 0 : index
      tpu.barrier barrier_id(%barrier3A_45)
      %eq3A_46 = arith.constant 0 : i32
      %eq3A_47 = arith.cmpi eq, %arg1, %eq3A_46 : i32
      %convert_element_type3A_48 = arith.extui %eq3A_47 : i1 to i32
      %cond3A_49 = arith.constant 0 : i32
      %cond3A_50 = arith.cmpi ne, %convert_element_type3A_48, %cond3A_49 : i32
      scf.if %cond3A_50 {
        %add3A_191 = arith.constant 2 : i32
        %add3A_192 = arith.addi %mul3A_22, %add3A_191 : i32
        %min3A = arith.constant 63 : i32
        %min3A_193 = arith.minsi %add3A_192, %min3A : i32
        %jit3A_194 = arith.constant 4 : i32
        %div3A = arith.divsi %min3A_193, %jit3A_194 : i32
        %sign3A = arith.constant 0 : i32
        %sign3A_195 = arith.cmpi sgt, %min3A_193, %sign3A : i32
        %sign3A_196 = arith.extui %sign3A_195 : i1 to i32
        %sign3A_197 = arith.constant 0 : i32
        %sign3A_198 = arith.cmpi slt, %min3A_193, %sign3A_197 : i32
        %sign3A_199 = arith.extui %sign3A_198 : i1 to i32
        %sign3A_200 = arith.subi %sign3A_196, %sign3A_199 : i32
        %sign3A_201 = arith.constant 0 : i32
        %sign3A_202 = arith.cmpi sgt, %jit3A_194, %sign3A_201 : i32
        %sign3A_203 = arith.extui %sign3A_202 : i1 to i32
        %sign3A_204 = arith.constant 0 : i32
        %sign3A_205 = arith.cmpi slt, %jit3A_194, %sign3A_204 : i32
        %sign3A_206 = arith.extui %sign3A_205 : i1 to i32
        %sign3A_207 = arith.subi %sign3A_203, %sign3A_206 : i32
        %ne3A_208 = arith.cmpi ne, %sign3A_200, %sign3A_207 : i32
        %rem3A_209 = arith.remsi %min3A_193, %jit3A_194 : i32
        %ne3A_210 = arith.constant 0 : i32
        %ne3A_211 = arith.cmpi ne, %rem3A_209, %ne3A_210 : i32
        %and3A_212 = arith.andi %ne3A_208, %ne3A_211 : i1
        %sub3A = arith.constant 1 : i32
        %sub3A_213 = arith.subi %div3A, %sub3A : i32
        %select_n3A_214 = arith.select %and3A_212, %sub3A_213, %div3A : i32
        %jit3A_215 = arith.constant 4 : i32
        %eq3A_216 = arith.constant 0 : i32
        %eq3A_217 = arith.cmpi eq, %jit3A_215, %eq3A_216 : i32
        %jit3A_218 = arith.constant 1 : i32
        %select_n3A_219 = arith.select %eq3A_217, %jit3A_218, %jit3A_215 : i32
        %rem3A_220 = arith.remsi %min3A_193, %select_n3A_219 : i32
        %ne3A_221 = arith.constant 0 : i32
        %ne3A_222 = arith.cmpi ne, %rem3A_220, %ne3A_221 : i32
        %lt3A_223 = arith.constant 0 : i32
        %lt3A_224 = arith.cmpi slt, %rem3A_220, %lt3A_223 : i32
        %lt3A_225 = arith.constant 0 : i32
        %lt3A_226 = arith.cmpi slt, %select_n3A_219, %lt3A_225 : i32
        %ne3A_227 = arith.xori %lt3A_224, %lt3A_226 : i1
        %and3A_228 = arith.andi %ne3A_227, %ne3A_222 : i1
        %add3A_229 = arith.addi %rem3A_220, %select_n3A_219 : i32
        %select_n3A_230 = arith.select %and3A_228, %add3A_229, %rem3A_220 : i32
        %mul3A_231 = arith.constant 4816896 : i32
        %mul3A_232 = arith.muli %select_n3A_214, %mul3A_231 : i32
        %add3A_233 = arith.addi %mul3A_232, %mul3A_5 : i32
        %mul3A_234 = arith.constant 602112 : i32
        %mul3A_235 = arith.muli %select_n3A_230, %mul3A_234 : i32
        %add3A_236 = arith.addi %add3A_233, %mul3A_235 : i32
        %dma_start3A = tpu.memref_slice %arg2[%add3A_236] : memref<77070336xf32, #tpu.memory_space<hbm>> -> memref<602112xf32, #tpu.memory_space<hbm>>
        tpu.enqueue_dma source(%dma_start3A : memref<602112xf32, #tpu.memory_space<hbm>>) target(%arg5 : memref<602112xf32, #tpu.memory_space<vmem_shared>>) target_semaphore(%arg10 : memref<!tpu.dma_semaphore, #tpu.memory_space<semaphore_mem>>)
      } else {
      }
      %jit3A_51 = arith.constant 4 : i32
      %eq3A_52 = arith.constant 0 : i32
      %eq3A_53 = arith.cmpi eq, %jit3A_51, %eq3A_52 : i32
      %jit3A_54 = arith.constant 1 : i32
      %select_n3A_55 = arith.select %eq3A_53, %jit3A_54, %jit3A_51 : i32
      %rem3A_56 = arith.remsi %mul3A_22, %select_n3A_55 : i32
      %ne3A_57 = arith.constant 0 : i32
      %ne3A_58 = arith.cmpi ne, %rem3A_56, %ne3A_57 : i32
      %lt3A_59 = arith.constant 0 : i32
      %lt3A_60 = arith.cmpi slt, %rem3A_56, %lt3A_59 : i32
      %lt3A_61 = arith.constant 0 : i32
      %lt3A_62 = arith.cmpi slt, %select_n3A_55, %lt3A_61 : i32
      %ne3A_63 = arith.xori %lt3A_60, %lt3A_62 : i1
      %and3A_64 = arith.andi %ne3A_63, %ne3A_58 : i1
      %add3A_65 = arith.addi %rem3A_56, %select_n3A_55 : i32
      %select_n3A_66 = arith.select %and3A_64, %add3A_65, %rem3A_56 : i32
      %mul3A_67 = arith.constant 602112 : i32
      %mul3A_68 = arith.muli %select_n3A_66, %mul3A_67 : i32
      %add3A_69 = arith.addi %mul3A_5, %mul3A_68 : i32
      %mul3A_70 = arith.constant 37632 : i32
      %mul3A_71 = arith.muli %arg1, %mul3A_70 : i32
      %add3A_72 = arith.addi %add3A_69, %mul3A_71 : i32
      %scan3A_73 = arith.constant 0 : i32
      %scan3A_74 = arith.constant 0 : i32
      %scan3A_75 = arith.constant 98 : i32
      %scan3A_76 = arith.addi %scan3A_74, %scan3A_75 : i32
      %scan3A_77 = arith.constant 1 : i32
      %scan3A_78 = scf.for %scan3A_191 = %scan3A_74 to %scan3A_76 step %scan3A_77 iter_args(%scan3A_192 = %scan3A_73) -> (i32)  : i32 {
        %mul3A_193 = arith.constant 384 : i32
        %mul3A_194 = arith.muli %scan3A_191, %mul3A_193 : i32
        %add3A_195 = arith.constant 0 : i32
        %add3A_196 = arith.addi %mul3A_194, %add3A_195 : i32
        %get3A = arith.index_cast %add3A_196 : i32 to index
        %get3A_197 = tpu.vector_load %arg7[%get3A] {strides = array<i32>} : memref<37632xf32, #tpu.memory_space<vmem>>, vector<16xf32>,
        %add3A_198 = arith.constant 16 : i32
        %add3A_199 = arith.addi %mul3A_194, %add3A_198 : i32
        %get3A_200 = arith.index_cast %add3A_199 : i32 to index
        %get3A_201 = tpu.vector_load %arg7[%get3A_200] {strides = array<i32>} : memref<37632xf32, #tpu.memory_space<vmem>>, vector<16xf32>,
        %add3A_202 = arith.constant 32 : i32
        %add3A_203 = arith.addi %mul3A_194, %add3A_202 : i32
        %get3A_204 = arith.index_cast %add3A_203 : i32 to index
        %get3A_205 = tpu.vector_load %arg7[%get3A_204] {strides = array<i32>} : memref<37632xf32, #tpu.memory_space<vmem>>, vector<16xf32>,
        %add3A_206 = arith.constant 48 : i32
        %add3A_207 = arith.addi %mul3A_194, %add3A_206 : i32
        %get3A_208 = arith.index_cast %add3A_207 : i32 to index
        %get3A_209 = tpu.vector_load %arg7[%get3A_208] {strides = array<i32>} : memref<37632xf32, #tpu.memory_space<vmem>>, vector<16xf32>,
        %add3A_210 = arith.constant 64 : i32
        %add3A_211 = arith.addi %mul3A_194, %add3A_210 : i32
        %get3A_212 = arith.index_cast %add3A_211 : i32 to index
        %get3A_213 = tpu.vector_load %arg7[%get3A_212] {strides = array<i32>} : memref<37632xf32, #tpu.memory_space<vmem>>, vector<16xf32>,
        %add3A_214 = arith.constant 80 : i32
        %add3A_215 = arith.addi %mul3A_194, %add3A_214 : i32
        %get3A_216 = arith.index_cast %add3A_215 : i32 to index
        %get3A_217 = tpu.vector_load %arg7[%get3A_216] {strides = array<i32>} : memref<37632xf32, #tpu.memory_space<vmem>>, vector<16xf32>,
        %add3A_218 = arith.constant 96 : i32
        %add3A_219 = arith.addi %mul3A_194, %add3A_218 : i32
        %get3A_220 = arith.index_cast %add3A_219 : i32 to index
        %get3A_221 = tpu.vector_load %arg7[%get3A_220] {strides = array<i32>} : memref<37632xf32, #tpu.memory_space<vmem>>, vector<16xf32>,
        %add3A_222 = arith.constant 112 : i32
        %add3A_223 = arith.addi %mul3A_194, %add3A_222 : i32
        %get3A_224 = arith.index_cast %add3A_223 : i32 to index
        %get3A_225 = tpu.vector_load %arg7[%get3A_224] {strides = array<i32>} : memref<37632xf32, #tpu.memory_space<vmem>>, vector<16xf32>,
        %add3A_226 = arith.constant 128 : i32
        %add3A_227 = arith.addi %mul3A_194, %add3A_226 : i32
        %get3A_228 = arith.index_cast %add3A_227 : i32 to index
        %get3A_229 = tpu.vector_load %arg7[%get3A_228] {strides = array<i32>} : memref<37632xf32, #tpu.memory_space<vmem>>, vector<16xf32>,
        %add3A_230 = arith.constant 144 : i32
        %add3A_231 = arith.addi %mul3A_194, %add3A_230 : i32
        %get3A_232 = arith.index_cast %add3A_231 : i32 to index
        %get3A_233 = tpu.vector_load %arg7[%get3A_232] {strides = array<i32>} : memref<37632xf32, #tpu.memory_space<vmem>>, vector<16xf32>,
        %add3A_234 = arith.constant 160 : i32
        %add3A_235 = arith.addi %mul3A_194, %add3A_234 : i32
        %get3A_236 = arith.index_cast %add3A_235 : i32 to index
        %get3A_237 = tpu.vector_load %arg7[%get3A_236] {strides = array<i32>} : memref<37632xf32, #tpu.memory_space<vmem>>, vector<16xf32>,
        %add3A_238 = arith.constant 176 : i32
        %add3A_239 = arith.addi %mul3A_194, %add3A_238 : i32
        %get3A_240 = arith.index_cast %add3A_239 : i32 to index
        %get3A_241 = tpu.vector_load %arg7[%get3A_240] {strides = array<i32>} : memref<37632xf32, #tpu.memory_space<vmem>>, vector<16xf32>,
        %add3A_242 = arith.constant 192 : i32
        %add3A_243 = arith.addi %mul3A_194, %add3A_242 : i32
        %get3A_244 = arith.index_cast %add3A_243 : i32 to index
        %get3A_245 = tpu.vector_load %arg7[%get3A_244] {strides = array<i32>} : memref<37632xf32, #tpu.memory_space<vmem>>, vector<16xf32>,
        %add3A_246 = arith.constant 208 : i32
        %add3A_247 = arith.addi %mul3A_194, %add3A_246 : i32
        %get3A_248 = arith.index_cast %add3A_247 : i32 to index
        %get3A_249 = tpu.vector_load %arg7[%get3A_248] {strides = array<i32>} : memref<37632xf32, #tpu.memory_space<vmem>>, vector<16xf32>,
        %add3A_250 = arith.constant 224 : i32
        %add3A_251 = arith.addi %mul3A_194, %add3A_250 : i32
        %get3A_252 = arith.index_cast %add3A_251 : i32 to index
        %get3A_253 = tpu.vector_load %arg7[%get3A_252] {strides = array<i32>} : memref<37632xf32, #tpu.memory_space<vmem>>, vector<16xf32>,
        %add3A_254 = arith.constant 240 : i32
        %add3A_255 = arith.addi %mul3A_194, %add3A_254 : i32
        %get3A_256 = arith.index_cast %add3A_255 : i32 to index
        %get3A_257 = tpu.vector_load %arg7[%get3A_256] {strides = array<i32>} : memref<37632xf32, #tpu.memory_space<vmem>>, vector<16xf32>,
        %add3A_258 = arith.constant 256 : i32
        %add3A_259 = arith.addi %mul3A_194, %add3A_258 : i32
        %get3A_260 = arith.index_cast %add3A_259 : i32 to index
        %get3A_261 = tpu.vector_load %arg7[%get3A_260] {strides = array<i32>} : memref<37632xf32, #tpu.memory_space<vmem>>, vector<16xf32>,
        %add3A_262 = arith.constant 272 : i32
        %add3A_263 = arith.addi %mul3A_194, %add3A_262 : i32
        %get3A_264 = arith.index_cast %add3A_263 : i32 to index
        %get3A_265 = tpu.vector_load %arg7[%get3A_264] {strides = array<i32>} : memref<37632xf32, #tpu.memory_space<vmem>>, vector<16xf32>,
        %add3A_266 = arith.constant 288 : i32
        %add3A_267 = arith.addi %mul3A_194, %add3A_266 : i32
        %get3A_268 = arith.index_cast %add3A_267 : i32 to index
        %get3A_269 = tpu.vector_load %arg7[%get3A_268] {strides = array<i32>} : memref<37632xf32, #tpu.memory_space<vmem>>, vector<16xf32>,
        %add3A_270 = arith.constant 304 : i32
        %add3A_271 = arith.addi %mul3A_194, %add3A_270 : i32
        %get3A_272 = arith.index_cast %add3A_271 : i32 to index
        %get3A_273 = tpu.vector_load %arg7[%get3A_272] {strides = array<i32>} : memref<37632xf32, #tpu.memory_space<vmem>>, vector<16xf32>,
        %add3A_274 = arith.constant 320 : i32
        %add3A_275 = arith.addi %mul3A_194, %add3A_274 : i32
        %get3A_276 = arith.index_cast %add3A_275 : i32 to index
        %get3A_277 = tpu.vector_load %arg7[%get3A_276] {strides = array<i32>} : memref<37632xf32, #tpu.memory_space<vmem>>, vector<16xf32>,
        %add3A_278 = arith.constant 336 : i32
        %add3A_279 = arith.addi %mul3A_194, %add3A_278 : i32
        %get3A_280 = arith.index_cast %add3A_279 : i32 to index
        %get3A_281 = tpu.vector_load %arg7[%get3A_280] {strides = array<i32>} : memref<37632xf32, #tpu.memory_space<vmem>>, vector<16xf32>,
        %add3A_282 = arith.constant 352 : i32
        %add3A_283 = arith.addi %mul3A_194, %add3A_282 : i32
        %get3A_284 = arith.index_cast %add3A_283 : i32 to index
        %get3A_285 = tpu.vector_load %arg7[%get3A_284] {strides = array<i32>} : memref<37632xf32, #tpu.memory_space<vmem>>, vector<16xf32>,
        %add3A_286 = arith.constant 368 : i32
        %add3A_287 = arith.addi %mul3A_194, %add3A_286 : i32
        %get3A_288 = arith.index_cast %add3A_287 : i32 to index
        %get3A_289 = tpu.vector_load %arg7[%get3A_288] {strides = array<i32>} : memref<37632xf32, #tpu.memory_space<vmem>>, vector<16xf32>,
        %max3A = arith.maximumf %get3A_197, %get3A_201 : vector<16xf32>
        %max3A_290 = arith.maximumf %max3A, %get3A_205 : vector<16xf32>
        %max3A_291 = arith.maximumf %max3A_290, %get3A_209 : vector<16xf32>
        %max3A_292 = arith.maximumf %max3A_291, %get3A_213 : vector<16xf32>
        %max3A_293 = arith.maximumf %max3A_292, %get3A_217 : vector<16xf32>
        %max3A_294 = arith.maximumf %max3A_293, %get3A_221 : vector<16xf32>
        %max3A_295 = arith.maximumf %max3A_294, %get3A_225 : vector<16xf32>
        %max3A_296 = arith.maximumf %max3A_295, %get3A_229 : vector<16xf32>
        %max3A_297 = arith.maximumf %max3A_296, %get3A_233 : vector<16xf32>
        %max3A_298 = arith.maximumf %max3A_297, %get3A_237 : vector<16xf32>
        %max3A_299 = arith.maximumf %max3A_298, %get3A_241 : vector<16xf32>
        %max3A_300 = arith.maximumf %max3A_299, %get3A_245 : vector<16xf32>
        %max3A_301 = arith.maximumf %max3A_300, %get3A_249 : vector<16xf32>
        %max3A_302 = arith.maximumf %max3A_301, %get3A_253 : vector<16xf32>
        %max3A_303 = arith.maximumf %max3A_302, %get3A_257 : vector<16xf32>
        %max3A_304 = arith.maximumf %max3A_303, %get3A_261 : vector<16xf32>
        %max3A_305 = arith.maximumf %max3A_304, %get3A_265 : vector<16xf32>
        %max3A_306 = arith.maximumf %max3A_305, %get3A_269 : vector<16xf32>
        %max3A_307 = arith.maximumf %max3A_306, %get3A_273 : vector<16xf32>
        %max3A_308 = arith.maximumf %max3A_307, %get3A_277 : vector<16xf32>
        %max3A_309 = arith.maximumf %max3A_308, %get3A_281 : vector<16xf32>
        %max3A_310 = arith.maximumf %max3A_309, %get3A_285 : vector<16xf32>
        %max3A_311 = arith.maximumf %max3A_310, %get3A_289 : vector<16xf32>
        %get3A_312 = arith.constant 48 : index
        %get3A_313 = tpu.vector_load %arg8[%get3A_312] {strides = array<i32>} : memref<64xf32, #tpu.memory_space<vmem>>, vector<16xf32>,
        %gt3A = arith.cmpf ogt, %max3A_311, %get3A_313 : vector<16xf32>
        %all_reduce_population_count3A = tpu.all_reduce %gt3A {dim = 0 : i64, kind = #tpu.reduction_kind<sum>} : vector<16xi1> -> vector<16xi32>
        %slice3A = vector.extract_strided_slice %all_reduce_population_count3A {offsets = [0], sizes = [1], strides = [1]} : vector<16xi32> to vector<1xi32>
        %squeeze3A = vector.extract %slice3A[0] : i32 from vector<1xi32>
        %gt3A_314 = arith.constant 0 : i32
        %gt3A_315 = arith.cmpi sgt, %squeeze3A, %gt3A_314 : i32
        %convert_element_type3A_316 = arith.extui %gt3A_315 : i1 to i32
        %cond3A_317 = arith.constant 0 : i32
        %cond3A_318 = arith.cmpi ne, %convert_element_type3A_316, %cond3A_317 : i32
        scf.if %cond3A_318 {
          %get3A_320 = arith.constant 0 : index
          %get3A_321 = tpu.vector_load %arg8[%get3A_320] {strides = array<i32>} : memref<64xf32, #tpu.memory_space<vmem>>, vector<16xf32>,
          %get3A_322 = arith.constant 16 : index
          %get3A_323 = tpu.vector_load %arg8[%get3A_322] {strides = array<i32>} : memref<64xf32, #tpu.memory_space<vmem>>, vector<16xf32>,
          %get3A_324 = arith.constant 32 : index
          %get3A_325 = tpu.vector_load %arg8[%get3A_324] {strides = array<i32>} : memref<64xf32, #tpu.memory_space<vmem>>, vector<16xf32>,
          %get3A_326 = arith.constant 48 : index
          %get3A_327 = tpu.vector_load %arg8[%get3A_326] {strides = array<i32>} : memref<64xf32, #tpu.memory_space<vmem>>, vector<16xf32>,
          %get3A_328 = arith.constant 0 : index
          %get3A_329 = tpu.vector_load %arg9[%get3A_328] {strides = array<i32>} : memref<64xi32, #tpu.memory_space<vmem>>, vector<16xi32>,
          %get3A_330 = arith.constant 16 : index
          %get3A_331 = tpu.vector_load %arg9[%get3A_330] {strides = array<i32>} : memref<64xi32, #tpu.memory_space<vmem>>, vector<16xi32>,
          %get3A_332 = arith.constant 32 : index
          %get3A_333 = tpu.vector_load %arg9[%get3A_332] {strides = array<i32>} : memref<64xi32, #tpu.memory_space<vmem>>, vector<16xi32>,
          %get3A_334 = arith.constant 48 : index
          %get3A_335 = tpu.vector_load %arg9[%get3A_334] {strides = array<i32>} : memref<64xi32, #tpu.memory_space<vmem>>, vector<16xi32>,
          %add3A_336 = arith.addi %add3A_72, %mul3A_194 : i32
          %add3A_337 = arith.constant 0 : i32
          %add3A_338 = arith.addi %add3A_336, %add3A_337 : i32
          %add3A_339 = vector.broadcast %add3A_338 : i32 to vector<16xi32>
          %add3A_340 = arith.addi %iota3A, %add3A_339 : vector<16xi32>
          %gt3A_341 = arith.cmpf ogt, %get3A_197, %get3A_321 : vector<16xf32>
          %select_n3A_342 = arith.select %gt3A_341, %get3A_197, %get3A_321 : vector<16xi1>, vector<16xf32>
          %select_n3A_343 = arith.select %gt3A_341, %add3A_340, %get3A_329 : vector<16xi1>, vector<16xi32>
          %select_n3A_344 = arith.select %gt3A_341, %get3A_321, %get3A_197 : vector<16xi1>, vector<16xf32>
          %select_n3A_345 = arith.select %gt3A_341, %get3A_329, %add3A_340 : vector<16xi1>, vector<16xi32>
          %gt3A_346 = arith.cmpf ogt, %select_n3A_344, %get3A_323 : vector<16xf32>
          %select_n3A_347 = arith.select %gt3A_346, %select_n3A_344, %get3A_323 : vector<16xi1>, vector<16xf32>
          %select_n3A_348 = arith.select %gt3A_346, %select_n3A_345, %get3A_331 : vector<16xi1>, vector<16xi32>
          %select_n3A_349 = arith.select %gt3A_346, %get3A_323, %select_n3A_344 : vector<16xi1>, vector<16xf32>
          %select_n3A_350 = arith.select %gt3A_346, %get3A_331, %select_n3A_345 : vector<16xi1>, vector<16xi32>
          %gt3A_351 = arith.cmpf ogt, %select_n3A_349, %get3A_325 : vector<16xf32>
          %select_n3A_352 = arith.select %gt3A_351, %select_n3A_349, %get3A_325 : vector<16xi1>, vector<16xf32>
          %select_n3A_353 = arith.select %gt3A_351, %select_n3A_350, %get3A_333 : vector<16xi1>, vector<16xi32>
          %select_n3A_354 = arith.select %gt3A_351, %get3A_325, %select_n3A_349 : vector<16xi1>, vector<16xf32>
          %select_n3A_355 = arith.select %gt3A_351, %get3A_333, %select_n3A_350 : vector<16xi1>, vector<16xi32>
          %gt3A_356 = arith.cmpf ogt, %select_n3A_354, %get3A_327 : vector<16xf32>
          %select_n3A_357 = arith.select %gt3A_356, %select_n3A_354, %get3A_327 : vector<16xi1>, vector<16xf32>
          %select_n3A_358 = arith.select %gt3A_356, %select_n3A_355, %get3A_335 : vector<16xi1>, vector<16xi32>
          %add3A_359 = arith.addi %add3A_72, %mul3A_194 : i32
          %add3A_360 = arith.constant 16 : i32
          %add3A_361 = arith.addi %add3A_359, %add3A_360 : i32
          %add3A_362 = vector.broadcast %add3A_361 : i32 to vector<16xi32>
          %add3A_363 = arith.addi %iota3A, %add3A_362 : vector<16xi32>
          %gt3A_364 = arith.cmpf ogt, %get3A_201, %select_n3A_342 : vector<16xf32>
          %select_n3A_365 = arith.select %gt3A_364, %get3A_201, %select_n3A_342 : vector<16xi1>, vector<16xf32>
          %select_n3A_366 = arith.select %gt3A_364, %add3A_363, %select_n3A_343 : vector<16xi1>, vector<16xi32>
          %select_n3A_367 = arith.select %gt3A_364, %select_n3A_342, %get3A_201 : vector<16xi1>, vector<16xf32>
          %select_n3A_368 = arith.select %gt3A_364, %select_n3A_343, %add3A_363 : vector<16xi1>, vector<16xi32>
          %gt3A_369 = arith.cmpf ogt, %select_n3A_367, %select_n3A_347 : vector<16xf32>
          %select_n3A_370 = arith.select %gt3A_369, %select_n3A_367, %select_n3A_347 : vector<16xi1>, vector<16xf32>
          %select_n3A_371 = arith.select %gt3A_369, %select_n3A_368, %select_n3A_348 : vector<16xi1>, vector<16xi32>
          %select_n3A_372 = arith.select %gt3A_369, %select_n3A_347, %select_n3A_367 : vector<16xi1>, vector<16xf32>
          %select_n3A_373 = arith.select %gt3A_369, %select_n3A_348, %select_n3A_368 : vector<16xi1>, vector<16xi32>
          %gt3A_374 = arith.cmpf ogt, %select_n3A_372, %select_n3A_352 : vector<16xf32>
          %select_n3A_375 = arith.select %gt3A_374, %select_n3A_372, %select_n3A_352 : vector<16xi1>, vector<16xf32>
          %select_n3A_376 = arith.select %gt3A_374, %select_n3A_373, %select_n3A_353 : vector<16xi1>, vector<16xi32>
          %select_n3A_377 = arith.select %gt3A_374, %select_n3A_352, %select_n3A_372 : vector<16xi1>, vector<16xf32>
          %select_n3A_378 = arith.select %gt3A_374, %select_n3A_353, %select_n3A_373 : vector<16xi1>, vector<16xi32>
          %gt3A_379 = arith.cmpf ogt, %select_n3A_377, %select_n3A_357 : vector<16xf32>
          %select_n3A_380 = arith.select %gt3A_379, %select_n3A_377, %select_n3A_357 : vector<16xi1>, vector<16xf32>
          %select_n3A_381 = arith.select %gt3A_379, %select_n3A_378, %select_n3A_358 : vector<16xi1>, vector<16xi32>
          %add3A_382 = arith.addi %add3A_72, %mul3A_194 : i32
          %add3A_383 = arith.constant 32 : i32
          %add3A_384 = arith.addi %add3A_382, %add3A_383 : i32
          %add3A_385 = vector.broadcast %add3A_384 : i32 to vector<16xi32>
          %add3A_386 = arith.addi %iota3A, %add3A_385 : vector<16xi32>
          %gt3A_387 = arith.cmpf ogt, %get3A_205, %select_n3A_365 : vector<16xf32>
          %select_n3A_388 = arith.select %gt3A_387, %get3A_205, %select_n3A_365 : vector<16xi1>, vector<16xf32>
          %select_n3A_389 = arith.select %gt3A_387, %add3A_386, %select_n3A_366 : vector<16xi1>, vector<16xi32>
          %select_n3A_390 = arith.select %gt3A_387, %select_n3A_365, %get3A_205 : vector<16xi1>, vector<16xf32>
          %select_n3A_391 = arith.select %gt3A_387, %select_n3A_366, %add3A_386 : vector<16xi1>, vector<16xi32>
          %gt3A_392 = arith.cmpf ogt, %select_n3A_390, %select_n3A_370 : vector<16xf32>
          %select_n3A_393 = arith.select %gt3A_392, %select_n3A_390, %select_n3A_370 : vector<16xi1>, vector<16xf32>
          %select_n3A_394 = arith.select %gt3A_392, %select_n3A_391, %select_n3A_371 : vector<16xi1>, vector<16xi32>
          %select_n3A_395 = arith.select %gt3A_392, %select_n3A_370, %select_n3A_390 : vector<16xi1>, vector<16xf32>
          %select_n3A_396 = arith.select %gt3A_392, %select_n3A_371, %select_n3A_391 : vector<16xi1>, vector<16xi32>
          %gt3A_397 = arith.cmpf ogt, %select_n3A_395, %select_n3A_375 : vector<16xf32>
          %select_n3A_398 = arith.select %gt3A_397, %select_n3A_395, %select_n3A_375 : vector<16xi1>, vector<16xf32>
          %select_n3A_399 = arith.select %gt3A_397, %select_n3A_396, %select_n3A_376 : vector<16xi1>, vector<16xi32>
          %select_n3A_400 = arith.select %gt3A_397, %select_n3A_375, %select_n3A_395 : vector<16xi1>, vector<16xf32>
          %select_n3A_401 = arith.select %gt3A_397, %select_n3A_376, %select_n3A_396 : vector<16xi1>, vector<16xi32>
          %gt3A_402 = arith.cmpf ogt, %select_n3A_400, %select_n3A_380 : vector<16xf32>
          %select_n3A_403 = arith.select %gt3A_402, %select_n3A_400, %select_n3A_380 : vector<16xi1>, vector<16xf32>
          %select_n3A_404 = arith.select %gt3A_402, %select_n3A_401, %select_n3A_381 : vector<16xi1>, vector<16xi32>
          %add3A_405 = arith.addi %add3A_72, %mul3A_194 : i32
          %add3A_406 = arith.constant 48 : i32
          %add3A_407 = arith.addi %add3A_405, %add3A_406 : i32
          %add3A_408 = vector.broadcast %add3A_407 : i32 to vector<16xi32>
          %add3A_409 = arith.addi %iota3A, %add3A_408 : vector<16xi32>
          %gt3A_410 = arith.cmpf ogt, %get3A_209, %select_n3A_388 : vector<16xf32>
          %select_n3A_411 = arith.select %gt3A_410, %get3A_209, %select_n3A_388 : vector<16xi1>, vector<16xf32>
          %select_n3A_412 = arith.select %gt3A_410, %add3A_409, %select_n3A_389 : vector<16xi1>, vector<16xi32>
          %select_n3A_413 = arith.select %gt3A_410, %select_n3A_388, %get3A_209 : vector<16xi1>, vector<16xf32>
          %select_n3A_414 = arith.select %gt3A_410, %select_n3A_389, %add3A_409 : vector<16xi1>, vector<16xi32>
          %gt3A_415 = arith.cmpf ogt, %select_n3A_413, %select_n3A_393 : vector<16xf32>
          %select_n3A_416 = arith.select %gt3A_415, %select_n3A_413, %select_n3A_393 : vector<16xi1>, vector<16xf32>
          %select_n3A_417 = arith.select %gt3A_415, %select_n3A_414, %select_n3A_394 : vector<16xi1>, vector<16xi32>
          %select_n3A_418 = arith.select %gt3A_415, %select_n3A_393, %select_n3A_413 : vector<16xi1>, vector<16xf32>
          %select_n3A_419 = arith.select %gt3A_415, %select_n3A_394, %select_n3A_414 : vector<16xi1>, vector<16xi32>
          %gt3A_420 = arith.cmpf ogt, %select_n3A_418, %select_n3A_398 : vector<16xf32>
          %select_n3A_421 = arith.select %gt3A_420, %select_n3A_418, %select_n3A_398 : vector<16xi1>, vector<16xf32>
          %select_n3A_422 = arith.select %gt3A_420, %select_n3A_419, %select_n3A_399 : vector<16xi1>, vector<16xi32>
          %select_n3A_423 = arith.select %gt3A_420, %select_n3A_398, %select_n3A_418 : vector<16xi1>, vector<16xf32>
          %select_n3A_424 = arith.select %gt3A_420, %select_n3A_399, %select_n3A_419 : vector<16xi1>, vector<16xi32>
          %gt3A_425 = arith.cmpf ogt, %select_n3A_423, %select_n3A_403 : vector<16xf32>
          %select_n3A_426 = arith.select %gt3A_425, %select_n3A_423, %select_n3A_403 : vector<16xi1>, vector<16xf32>
          %select_n3A_427 = arith.select %gt3A_425, %select_n3A_424, %select_n3A_404 : vector<16xi1>, vector<16xi32>
          %add3A_428 = arith.addi %add3A_72, %mul3A_194 : i32
          %add3A_429 = arith.constant 64 : i32
          %add3A_430 = arith.addi %add3A_428, %add3A_429 : i32
          %add3A_431 = vector.broadcast %add3A_430 : i32 to vector<16xi32>
          %add3A_432 = arith.addi %iota3A, %add3A_431 : vector<16xi32>
          %gt3A_433 = arith.cmpf ogt, %get3A_213, %select_n3A_411 : vector<16xf32>
          %select_n3A_434 = arith.select %gt3A_433, %get3A_213, %select_n3A_411 : vector<16xi1>, vector<16xf32>
          %select_n3A_435 = arith.select %gt3A_433, %add3A_432, %select_n3A_412 : vector<16xi1>, vector<16xi32>
          %select_n3A_436 = arith.select %gt3A_433, %select_n3A_411, %get3A_213 : vector<16xi1>, vector<16xf32>
          %select_n3A_437 = arith.select %gt3A_433, %select_n3A_412, %add3A_432 : vector<16xi1>, vector<16xi32>
          %gt3A_438 = arith.cmpf ogt, %select_n3A_436, %select_n3A_416 : vector<16xf32>
          %select_n3A_439 = arith.select %gt3A_438, %select_n3A_436, %select_n3A_416 : vector<16xi1>, vector<16xf32>
          %select_n3A_440 = arith.select %gt3A_438, %select_n3A_437, %select_n3A_417 : vector<16xi1>, vector<16xi32>
          %select_n3A_441 = arith.select %gt3A_438, %select_n3A_416, %select_n3A_436 : vector<16xi1>, vector<16xf32>
          %select_n3A_442 = arith.select %gt3A_438, %select_n3A_417, %select_n3A_437 : vector<16xi1>, vector<16xi32>
          %gt3A_443 = arith.cmpf ogt, %select_n3A_441, %select_n3A_421 : vector<16xf32>
          %select_n3A_444 = arith.select %gt3A_443, %select_n3A_441, %select_n3A_421 : vector<16xi1>, vector<16xf32>
          %select_n3A_445 = arith.select %gt3A_443, %select_n3A_442, %select_n3A_422 : vector<16xi1>, vector<16xi32>
          %select_n3A_446 = arith.select %gt3A_443, %select_n3A_421, %select_n3A_441 : vector<16xi1>, vector<16xf32>
          %select_n3A_447 = arith.select %gt3A_443, %select_n3A_422, %select_n3A_442 : vector<16xi1>, vector<16xi32>
          %gt3A_448 = arith.cmpf ogt, %select_n3A_446, %select_n3A_426 : vector<16xf32>
          %select_n3A_449 = arith.select %gt3A_448, %select_n3A_446, %select_n3A_426 : vector<16xi1>, vector<16xf32>
          %select_n3A_450 = arith.select %gt3A_448, %select_n3A_447, %select_n3A_427 : vector<16xi1>, vector<16xi32>
          %add3A_451 = arith.addi %add3A_72, %mul3A_194 : i32
          %add3A_452 = arith.constant 80 : i32
          %add3A_453 = arith.addi %add3A_451, %add3A_452 : i32
          %add3A_454 = vector.broadcast %add3A_453 : i32 to vector<16xi32>
          %add3A_455 = arith.addi %iota3A, %add3A_454 : vector<16xi32>
          %gt3A_456 = arith.cmpf ogt, %get3A_217, %select_n3A_434 : vector<16xf32>
          %select_n3A_457 = arith.select %gt3A_456, %get3A_217, %select_n3A_434 : vector<16xi1>, vector<16xf32>
          %select_n3A_458 = arith.select %gt3A_456, %add3A_455, %select_n3A_435 : vector<16xi1>, vector<16xi32>
          %select_n3A_459 = arith.select %gt3A_456, %select_n3A_434, %get3A_217 : vector<16xi1>, vector<16xf32>
          %select_n3A_460 = arith.select %gt3A_456, %select_n3A_435, %add3A_455 : vector<16xi1>, vector<16xi32>
          %gt3A_461 = arith.cmpf ogt, %select_n3A_459, %select_n3A_439 : vector<16xf32>
          %select_n3A_462 = arith.select %gt3A_461, %select_n3A_459, %select_n3A_439 : vector<16xi1>, vector<16xf32>
          %select_n3A_463 = arith.select %gt3A_461, %select_n3A_460, %select_n3A_440 : vector<16xi1>, vector<16xi32>
          %select_n3A_464 = arith.select %gt3A_461, %select_n3A_439, %select_n3A_459 : vector<16xi1>, vector<16xf32>
          %select_n3A_465 = arith.select %gt3A_461, %select_n3A_440, %select_n3A_460 : vector<16xi1>, vector<16xi32>
          %gt3A_466 = arith.cmpf ogt, %select_n3A_464, %select_n3A_444 : vector<16xf32>
          %select_n3A_467 = arith.select %gt3A_466, %select_n3A_464, %select_n3A_444 : vector<16xi1>, vector<16xf32>
          %select_n3A_468 = arith.select %gt3A_466, %select_n3A_465, %select_n3A_445 : vector<16xi1>, vector<16xi32>
          %select_n3A_469 = arith.select %gt3A_466, %select_n3A_444, %select_n3A_464 : vector<16xi1>, vector<16xf32>
          %select_n3A_470 = arith.select %gt3A_466, %select_n3A_445, %select_n3A_465 : vector<16xi1>, vector<16xi32>
          %gt3A_471 = arith.cmpf ogt, %select_n3A_469, %select_n3A_449 : vector<16xf32>
          %select_n3A_472 = arith.select %gt3A_471, %select_n3A_469, %select_n3A_449 : vector<16xi1>, vector<16xf32>
          %select_n3A_473 = arith.select %gt3A_471, %select_n3A_470, %select_n3A_450 : vector<16xi1>, vector<16xi32>
          %add3A_474 = arith.addi %add3A_72, %mul3A_194 : i32
          %add3A_475 = arith.constant 96 : i32
          %add3A_476 = arith.addi %add3A_474, %add3A_475 : i32
          %add3A_477 = vector.broadcast %add3A_476 : i32 to vector<16xi32>
          %add3A_478 = arith.addi %iota3A, %add3A_477 : vector<16xi32>
          %gt3A_479 = arith.cmpf ogt, %get3A_221, %select_n3A_457 : vector<16xf32>
          %select_n3A_480 = arith.select %gt3A_479, %get3A_221, %select_n3A_457 : vector<16xi1>, vector<16xf32>
          %select_n3A_481 = arith.select %gt3A_479, %add3A_478, %select_n3A_458 : vector<16xi1>, vector<16xi32>
          %select_n3A_482 = arith.select %gt3A_479, %select_n3A_457, %get3A_221 : vector<16xi1>, vector<16xf32>
          %select_n3A_483 = arith.select %gt3A_479, %select_n3A_458, %add3A_478 : vector<16xi1>, vector<16xi32>
          %gt3A_484 = arith.cmpf ogt, %select_n3A_482, %select_n3A_462 : vector<16xf32>
          %select_n3A_485 = arith.select %gt3A_484, %select_n3A_482, %select_n3A_462 : vector<16xi1>, vector<16xf32>
          %select_n3A_486 = arith.select %gt3A_484, %select_n3A_483, %select_n3A_463 : vector<16xi1>, vector<16xi32>
          %select_n3A_487 = arith.select %gt3A_484, %select_n3A_462, %select_n3A_482 : vector<16xi1>, vector<16xf32>
          %select_n3A_488 = arith.select %gt3A_484, %select_n3A_463, %select_n3A_483 : vector<16xi1>, vector<16xi32>
          %gt3A_489 = arith.cmpf ogt, %select_n3A_487, %select_n3A_467 : vector<16xf32>
          %select_n3A_490 = arith.select %gt3A_489, %select_n3A_487, %select_n3A_467 : vector<16xi1>, vector<16xf32>
          %select_n3A_491 = arith.select %gt3A_489, %select_n3A_488, %select_n3A_468 : vector<16xi1>, vector<16xi32>
          %select_n3A_492 = arith.select %gt3A_489, %select_n3A_467, %select_n3A_487 : vector<16xi1>, vector<16xf32>
          %select_n3A_493 = arith.select %gt3A_489, %select_n3A_468, %select_n3A_488 : vector<16xi1>, vector<16xi32>
          %gt3A_494 = arith.cmpf ogt, %select_n3A_492, %select_n3A_472 : vector<16xf32>
          %select_n3A_495 = arith.select %gt3A_494, %select_n3A_492, %select_n3A_472 : vector<16xi1>, vector<16xf32>
          %select_n3A_496 = arith.select %gt3A_494, %select_n3A_493, %select_n3A_473 : vector<16xi1>, vector<16xi32>
          %add3A_497 = arith.addi %add3A_72, %mul3A_194 : i32
          %add3A_498 = arith.constant 112 : i32
          %add3A_499 = arith.addi %add3A_497, %add3A_498 : i32
          %add3A_500 = vector.broadcast %add3A_499 : i32 to vector<16xi32>
          %add3A_501 = arith.addi %iota3A, %add3A_500 : vector<16xi32>
          %gt3A_502 = arith.cmpf ogt, %get3A_225, %select_n3A_480 : vector<16xf32>
          %select_n3A_503 = arith.select %gt3A_502, %get3A_225, %select_n3A_480 : vector<16xi1>, vector<16xf32>
          %select_n3A_504 = arith.select %gt3A_502, %add3A_501, %select_n3A_481 : vector<16xi1>, vector<16xi32>
          %select_n3A_505 = arith.select %gt3A_502, %select_n3A_480, %get3A_225 : vector<16xi1>, vector<16xf32>
          %select_n3A_506 = arith.select %gt3A_502, %select_n3A_481, %add3A_501 : vector<16xi1>, vector<16xi32>
          %gt3A_507 = arith.cmpf ogt, %select_n3A_505, %select_n3A_485 : vector<16xf32>
          %select_n3A_508 = arith.select %gt3A_507, %select_n3A_505, %select_n3A_485 : vector<16xi1>, vector<16xf32>
          %select_n3A_509 = arith.select %gt3A_507, %select_n3A_506, %select_n3A_486 : vector<16xi1>, vector<16xi32>
          %select_n3A_510 = arith.select %gt3A_507, %select_n3A_485, %select_n3A_505 : vector<16xi1>, vector<16xf32>
          %select_n3A_511 = arith.select %gt3A_507, %select_n3A_486, %select_n3A_506 : vector<16xi1>, vector<16xi32>
          %gt3A_512 = arith.cmpf ogt, %select_n3A_510, %select_n3A_490 : vector<16xf32>
          %select_n3A_513 = arith.select %gt3A_512, %select_n3A_510, %select_n3A_490 : vector<16xi1>, vector<16xf32>
          %select_n3A_514 = arith.select %gt3A_512, %select_n3A_511, %select_n3A_491 : vector<16xi1>, vector<16xi32>
          %select_n3A_515 = arith.select %gt3A_512, %select_n3A_490, %select_n3A_510 : vector<16xi1>, vector<16xf32>
          %select_n3A_516 = arith.select %gt3A_512, %select_n3A_491, %select_n3A_511 : vector<16xi1>, vector<16xi32>
          %gt3A_517 = arith.cmpf ogt, %select_n3A_515, %select_n3A_495 : vector<16xf32>
          %select_n3A_518 = arith.select %gt3A_517, %select_n3A_515, %select_n3A_495 : vector<16xi1>, vector<16xf32>
          %select_n3A_519 = arith.select %gt3A_517, %select_n3A_516, %select_n3A_496 : vector<16xi1>, vector<16xi32>
          %add3A_520 = arith.addi %add3A_72, %mul3A_194 : i32
          %add3A_521 = arith.constant 128 : i32
          %add3A_522 = arith.addi %add3A_520, %add3A_521 : i32
          %add3A_523 = vector.broadcast %add3A_522 : i32 to vector<16xi32>
          %add3A_524 = arith.addi %iota3A, %add3A_523 : vector<16xi32>
          %gt3A_525 = arith.cmpf ogt, %get3A_229, %select_n3A_503 : vector<16xf32>
          %select_n3A_526 = arith.select %gt3A_525, %get3A_229, %select_n3A_503 : vector<16xi1>, vector<16xf32>
          %select_n3A_527 = arith.select %gt3A_525, %add3A_524, %select_n3A_504 : vector<16xi1>, vector<16xi32>
          %select_n3A_528 = arith.select %gt3A_525, %select_n3A_503, %get3A_229 : vector<16xi1>, vector<16xf32>
          %select_n3A_529 = arith.select %gt3A_525, %select_n3A_504, %add3A_524 : vector<16xi1>, vector<16xi32>
          %gt3A_530 = arith.cmpf ogt, %select_n3A_528, %select_n3A_508 : vector<16xf32>
          %select_n3A_531 = arith.select %gt3A_530, %select_n3A_528, %select_n3A_508 : vector<16xi1>, vector<16xf32>
          %select_n3A_532 = arith.select %gt3A_530, %select_n3A_529, %select_n3A_509 : vector<16xi1>, vector<16xi32>
          %select_n3A_533 = arith.select %gt3A_530, %select_n3A_508, %select_n3A_528 : vector<16xi1>, vector<16xf32>
          %select_n3A_534 = arith.select %gt3A_530, %select_n3A_509, %select_n3A_529 : vector<16xi1>, vector<16xi32>
          %gt3A_535 = arith.cmpf ogt, %select_n3A_533, %select_n3A_513 : vector<16xf32>
          %select_n3A_536 = arith.select %gt3A_535, %select_n3A_533, %select_n3A_513 : vector<16xi1>, vector<16xf32>
          %select_n3A_537 = arith.select %gt3A_535, %select_n3A_534, %select_n3A_514 : vector<16xi1>, vector<16xi32>
          %select_n3A_538 = arith.select %gt3A_535, %select_n3A_513, %select_n3A_533 : vector<16xi1>, vector<16xf32>
          %select_n3A_539 = arith.select %gt3A_535, %select_n3A_514, %select_n3A_534 : vector<16xi1>, vector<16xi32>
          %gt3A_540 = arith.cmpf ogt, %select_n3A_538, %select_n3A_518 : vector<16xf32>
          %select_n3A_541 = arith.select %gt3A_540, %select_n3A_538, %select_n3A_518 : vector<16xi1>, vector<16xf32>
          %select_n3A_542 = arith.select %gt3A_540, %select_n3A_539, %select_n3A_519 : vector<16xi1>, vector<16xi32>
          %add3A_543 = arith.addi %add3A_72, %mul3A_194 : i32
          %add3A_544 = arith.constant 144 : i32
          %add3A_545 = arith.addi %add3A_543, %add3A_544 : i32
          %add3A_546 = vector.broadcast %add3A_545 : i32 to vector<16xi32>
          %add3A_547 = arith.addi %iota3A, %add3A_546 : vector<16xi32>
          %gt3A_548 = arith.cmpf ogt, %get3A_233, %select_n3A_526 : vector<16xf32>
          %select_n3A_549 = arith.select %gt3A_548, %get3A_233, %select_n3A_526 : vector<16xi1>, vector<16xf32>
          %select_n3A_550 = arith.select %gt3A_548, %add3A_547, %select_n3A_527 : vector<16xi1>, vector<16xi32>
          %select_n3A_551 = arith.select %gt3A_548, %select_n3A_526, %get3A_233 : vector<16xi1>, vector<16xf32>
          %select_n3A_552 = arith.select %gt3A_548, %select_n3A_527, %add3A_547 : vector<16xi1>, vector<16xi32>
          %gt3A_553 = arith.cmpf ogt, %select_n3A_551, %select_n3A_531 : vector<16xf32>
          %select_n3A_554 = arith.select %gt3A_553, %select_n3A_551, %select_n3A_531 : vector<16xi1>, vector<16xf32>
          %select_n3A_555 = arith.select %gt3A_553, %select_n3A_552, %select_n3A_532 : vector<16xi1>, vector<16xi32>
          %select_n3A_556 = arith.select %gt3A_553, %select_n3A_531, %select_n3A_551 : vector<16xi1>, vector<16xf32>
          %select_n3A_557 = arith.select %gt3A_553, %select_n3A_532, %select_n3A_552 : vector<16xi1>, vector<16xi32>
          %gt3A_558 = arith.cmpf ogt, %select_n3A_556, %select_n3A_536 : vector<16xf32>
          %select_n3A_559 = arith.select %gt3A_558, %select_n3A_556, %select_n3A_536 : vector<16xi1>, vector<16xf32>
          %select_n3A_560 = arith.select %gt3A_558, %select_n3A_557, %select_n3A_537 : vector<16xi1>, vector<16xi32>
          %select_n3A_561 = arith.select %gt3A_558, %select_n3A_536, %select_n3A_556 : vector<16xi1>, vector<16xf32>
          %select_n3A_562 = arith.select %gt3A_558, %select_n3A_537, %select_n3A_557 : vector<16xi1>, vector<16xi32>
          %gt3A_563 = arith.cmpf ogt, %select_n3A_561, %select_n3A_541 : vector<16xf32>
          %select_n3A_564 = arith.select %gt3A_563, %select_n3A_561, %select_n3A_541 : vector<16xi1>, vector<16xf32>
          %select_n3A_565 = arith.select %gt3A_563, %select_n3A_562, %select_n3A_542 : vector<16xi1>, vector<16xi32>
          %add3A_566 = arith.addi %add3A_72, %mul3A_194 : i32
          %add3A_567 = arith.constant 160 : i32
          %add3A_568 = arith.addi %add3A_566, %add3A_567 : i32
          %add3A_569 = vector.broadcast %add3A_568 : i32 to vector<16xi32>
          %add3A_570 = arith.addi %iota3A, %add3A_569 : vector<16xi32>
          %gt3A_571 = arith.cmpf ogt, %get3A_237, %select_n3A_549 : vector<16xf32>
          %select_n3A_572 = arith.select %gt3A_571, %get3A_237, %select_n3A_549 : vector<16xi1>, vector<16xf32>
          %select_n3A_573 = arith.select %gt3A_571, %add3A_570, %select_n3A_550 : vector<16xi1>, vector<16xi32>
          %select_n3A_574 = arith.select %gt3A_571, %select_n3A_549, %get3A_237 : vector<16xi1>, vector<16xf32>
          %select_n3A_575 = arith.select %gt3A_571, %select_n3A_550, %add3A_570 : vector<16xi1>, vector<16xi32>
          %gt3A_576 = arith.cmpf ogt, %select_n3A_574, %select_n3A_554 : vector<16xf32>
          %select_n3A_577 = arith.select %gt3A_576, %select_n3A_574, %select_n3A_554 : vector<16xi1>, vector<16xf32>
          %select_n3A_578 = arith.select %gt3A_576, %select_n3A_575, %select_n3A_555 : vector<16xi1>, vector<16xi32>
          %select_n3A_579 = arith.select %gt3A_576, %select_n3A_554, %select_n3A_574 : vector<16xi1>, vector<16xf32>
          %select_n3A_580 = arith.select %gt3A_576, %select_n3A_555, %select_n3A_575 : vector<16xi1>, vector<16xi32>
          %gt3A_581 = arith.cmpf ogt, %select_n3A_579, %select_n3A_559 : vector<16xf32>
          %select_n3A_582 = arith.select %gt3A_581, %select_n3A_579, %select_n3A_559 : vector<16xi1>, vector<16xf32>
          %select_n3A_583 = arith.select %gt3A_581, %select_n3A_580, %select_n3A_560 : vector<16xi1>, vector<16xi32>
          %select_n3A_584 = arith.select %gt3A_581, %select_n3A_559, %select_n3A_579 : vector<16xi1>, vector<16xf32>
          %select_n3A_585 = arith.select %gt3A_581, %select_n3A_560, %select_n3A_580 : vector<16xi1>, vector<16xi32>
          %gt3A_586 = arith.cmpf ogt, %select_n3A_584, %select_n3A_564 : vector<16xf32>
          %select_n3A_587 = arith.select %gt3A_586, %select_n3A_584, %select_n3A_564 : vector<16xi1>, vector<16xf32>
          %select_n3A_588 = arith.select %gt3A_586, %select_n3A_585, %select_n3A_565 : vector<16xi1>, vector<16xi32>
          %add3A_589 = arith.addi %add3A_72, %mul3A_194 : i32
          %add3A_590 = arith.constant 176 : i32
          %add3A_591 = arith.addi %add3A_589, %add3A_590 : i32
          %add3A_592 = vector.broadcast %add3A_591 : i32 to vector<16xi32>
          %add3A_593 = arith.addi %iota3A, %add3A_592 : vector<16xi32>
          %gt3A_594 = arith.cmpf ogt, %get3A_241, %select_n3A_572 : vector<16xf32>
          %select_n3A_595 = arith.select %gt3A_594, %get3A_241, %select_n3A_572 : vector<16xi1>, vector<16xf32>
          %select_n3A_596 = arith.select %gt3A_594, %add3A_593, %select_n3A_573 : vector<16xi1>, vector<16xi32>
          %select_n3A_597 = arith.select %gt3A_594, %select_n3A_572, %get3A_241 : vector<16xi1>, vector<16xf32>
          %select_n3A_598 = arith.select %gt3A_594, %select_n3A_573, %add3A_593 : vector<16xi1>, vector<16xi32>
          %gt3A_599 = arith.cmpf ogt, %select_n3A_597, %select_n3A_577 : vector<16xf32>
          %select_n3A_600 = arith.select %gt3A_599, %select_n3A_597, %select_n3A_577 : vector<16xi1>, vector<16xf32>
          %select_n3A_601 = arith.select %gt3A_599, %select_n3A_598, %select_n3A_578 : vector<16xi1>, vector<16xi32>
          %select_n3A_602 = arith.select %gt3A_599, %select_n3A_577, %select_n3A_597 : vector<16xi1>, vector<16xf32>
          %select_n3A_603 = arith.select %gt3A_599, %select_n3A_578, %select_n3A_598 : vector<16xi1>, vector<16xi32>
          %gt3A_604 = arith.cmpf ogt, %select_n3A_602, %select_n3A_582 : vector<16xf32>
          %select_n3A_605 = arith.select %gt3A_604, %select_n3A_602, %select_n3A_582 : vector<16xi1>, vector<16xf32>
          %select_n3A_606 = arith.select %gt3A_604, %select_n3A_603, %select_n3A_583 : vector<16xi1>, vector<16xi32>
          %select_n3A_607 = arith.select %gt3A_604, %select_n3A_582, %select_n3A_602 : vector<16xi1>, vector<16xf32>
          %select_n3A_608 = arith.select %gt3A_604, %select_n3A_583, %select_n3A_603 : vector<16xi1>, vector<16xi32>
          %gt3A_609 = arith.cmpf ogt, %select_n3A_607, %select_n3A_587 : vector<16xf32>
          %select_n3A_610 = arith.select %gt3A_609, %select_n3A_607, %select_n3A_587 : vector<16xi1>, vector<16xf32>
          %select_n3A_611 = arith.select %gt3A_609, %select_n3A_608, %select_n3A_588 : vector<16xi1>, vector<16xi32>
          %add3A_612 = arith.addi %add3A_72, %mul3A_194 : i32
          %add3A_613 = arith.constant 192 : i32
          %add3A_614 = arith.addi %add3A_612, %add3A_613 : i32
          %add3A_615 = vector.broadcast %add3A_614 : i32 to vector<16xi32>
          %add3A_616 = arith.addi %iota3A, %add3A_615 : vector<16xi32>
          %gt3A_617 = arith.cmpf ogt, %get3A_245, %select_n3A_595 : vector<16xf32>
          %select_n3A_618 = arith.select %gt3A_617, %get3A_245, %select_n3A_595 : vector<16xi1>, vector<16xf32>
          %select_n3A_619 = arith.select %gt3A_617, %add3A_616, %select_n3A_596 : vector<16xi1>, vector<16xi32>
          %select_n3A_620 = arith.select %gt3A_617, %select_n3A_595, %get3A_245 : vector<16xi1>, vector<16xf32>
          %select_n3A_621 = arith.select %gt3A_617, %select_n3A_596, %add3A_616 : vector<16xi1>, vector<16xi32>
          %gt3A_622 = arith.cmpf ogt, %select_n3A_620, %select_n3A_600 : vector<16xf32>
          %select_n3A_623 = arith.select %gt3A_622, %select_n3A_620, %select_n3A_600 : vector<16xi1>, vector<16xf32>
          %select_n3A_624 = arith.select %gt3A_622, %select_n3A_621, %select_n3A_601 : vector<16xi1>, vector<16xi32>
          %select_n3A_625 = arith.select %gt3A_622, %select_n3A_600, %select_n3A_620 : vector<16xi1>, vector<16xf32>
          %select_n3A_626 = arith.select %gt3A_622, %select_n3A_601, %select_n3A_621 : vector<16xi1>, vector<16xi32>
          %gt3A_627 = arith.cmpf ogt, %select_n3A_625, %select_n3A_605 : vector<16xf32>
          %select_n3A_628 = arith.select %gt3A_627, %select_n3A_625, %select_n3A_605 : vector<16xi1>, vector<16xf32>
          %select_n3A_629 = arith.select %gt3A_627, %select_n3A_626, %select_n3A_606 : vector<16xi1>, vector<16xi32>
          %select_n3A_630 = arith.select %gt3A_627, %select_n3A_605, %select_n3A_625 : vector<16xi1>, vector<16xf32>
          %select_n3A_631 = arith.select %gt3A_627, %select_n3A_606, %select_n3A_626 : vector<16xi1>, vector<16xi32>
          %gt3A_632 = arith.cmpf ogt, %select_n3A_630, %select_n3A_610 : vector<16xf32>
          %select_n3A_633 = arith.select %gt3A_632, %select_n3A_630, %select_n3A_610 : vector<16xi1>, vector<16xf32>
          %select_n3A_634 = arith.select %gt3A_632, %select_n3A_631, %select_n3A_611 : vector<16xi1>, vector<16xi32>
          %add3A_635 = arith.addi %add3A_72, %mul3A_194 : i32
          %add3A_636 = arith.constant 208 : i32
          %add3A_637 = arith.addi %add3A_635, %add3A_636 : i32
          %add3A_638 = vector.broadcast %add3A_637 : i32 to vector<16xi32>
          %add3A_639 = arith.addi %iota3A, %add3A_638 : vector<16xi32>
          %gt3A_640 = arith.cmpf ogt, %get3A_249, %select_n3A_618 : vector<16xf32>
          %select_n3A_641 = arith.select %gt3A_640, %get3A_249, %select_n3A_618 : vector<16xi1>, vector<16xf32>
          %select_n3A_642 = arith.select %gt3A_640, %add3A_639, %select_n3A_619 : vector<16xi1>, vector<16xi32>
          %select_n3A_643 = arith.select %gt3A_640, %select_n3A_618, %get3A_249 : vector<16xi1>, vector<16xf32>
          %select_n3A_644 = arith.select %gt3A_640, %select_n3A_619, %add3A_639 : vector<16xi1>, vector<16xi32>
          %gt3A_645 = arith.cmpf ogt, %select_n3A_643, %select_n3A_623 : vector<16xf32>
          %select_n3A_646 = arith.select %gt3A_645, %select_n3A_643, %select_n3A_623 : vector<16xi1>, vector<16xf32>
          %select_n3A_647 = arith.select %gt3A_645, %select_n3A_644, %select_n3A_624 : vector<16xi1>, vector<16xi32>
          %select_n3A_648 = arith.select %gt3A_645, %select_n3A_623, %select_n3A_643 : vector<16xi1>, vector<16xf32>
          %select_n3A_649 = arith.select %gt3A_645, %select_n3A_624, %select_n3A_644 : vector<16xi1>, vector<16xi32>
          %gt3A_650 = arith.cmpf ogt, %select_n3A_648, %select_n3A_628 : vector<16xf32>
          %select_n3A_651 = arith.select %gt3A_650, %select_n3A_648, %select_n3A_628 : vector<16xi1>, vector<16xf32>
          %select_n3A_652 = arith.select %gt3A_650, %select_n3A_649, %select_n3A_629 : vector<16xi1>, vector<16xi32>
          %select_n3A_653 = arith.select %gt3A_650, %select_n3A_628, %select_n3A_648 : vector<16xi1>, vector<16xf32>
          %select_n3A_654 = arith.select %gt3A_650, %select_n3A_629, %select_n3A_649 : vector<16xi1>, vector<16xi32>
          %gt3A_655 = arith.cmpf ogt, %select_n3A_653, %select_n3A_633 : vector<16xf32>
          %select_n3A_656 = arith.select %gt3A_655, %select_n3A_653, %select_n3A_633 : vector<16xi1>, vector<16xf32>
          %select_n3A_657 = arith.select %gt3A_655, %select_n3A_654, %select_n3A_634 : vector<16xi1>, vector<16xi32>
          %add3A_658 = arith.addi %add3A_72, %mul3A_194 : i32
          %add3A_659 = arith.constant 224 : i32
          %add3A_660 = arith.addi %add3A_658, %add3A_659 : i32
          %add3A_661 = vector.broadcast %add3A_660 : i32 to vector<16xi32>
          %add3A_662 = arith.addi %iota3A, %add3A_661 : vector<16xi32>
          %gt3A_663 = arith.cmpf ogt, %get3A_253, %select_n3A_641 : vector<16xf32>
          %select_n3A_664 = arith.select %gt3A_663, %get3A_253, %select_n3A_641 : vector<16xi1>, vector<16xf32>
          %select_n3A_665 = arith.select %gt3A_663, %add3A_662, %select_n3A_642 : vector<16xi1>, vector<16xi32>
          %select_n3A_666 = arith.select %gt3A_663, %select_n3A_641, %get3A_253 : vector<16xi1>, vector<16xf32>
          %select_n3A_667 = arith.select %gt3A_663, %select_n3A_642, %add3A_662 : vector<16xi1>, vector<16xi32>
          %gt3A_668 = arith.cmpf ogt, %select_n3A_666, %select_n3A_646 : vector<16xf32>
          %select_n3A_669 = arith.select %gt3A_668, %select_n3A_666, %select_n3A_646 : vector<16xi1>, vector<16xf32>
          %select_n3A_670 = arith.select %gt3A_668, %select_n3A_667, %select_n3A_647 : vector<16xi1>, vector<16xi32>
          %select_n3A_671 = arith.select %gt3A_668, %select_n3A_646, %select_n3A_666 : vector<16xi1>, vector<16xf32>
          %select_n3A_672 = arith.select %gt3A_668, %select_n3A_647, %select_n3A_667 : vector<16xi1>, vector<16xi32>
          %gt3A_673 = arith.cmpf ogt, %select_n3A_671, %select_n3A_651 : vector<16xf32>
          %select_n3A_674 = arith.select %gt3A_673, %select_n3A_671, %select_n3A_651 : vector<16xi1>, vector<16xf32>
          %select_n3A_675 = arith.select %gt3A_673, %select_n3A_672, %select_n3A_652 : vector<16xi1>, vector<16xi32>
          %select_n3A_676 = arith.select %gt3A_673, %select_n3A_651, %select_n3A_671 : vector<16xi1>, vector<16xf32>
          %select_n3A_677 = arith.select %gt3A_673, %select_n3A_652, %select_n3A_672 : vector<16xi1>, vector<16xi32>
          %gt3A_678 = arith.cmpf ogt, %select_n3A_676, %select_n3A_656 : vector<16xf32>
          %select_n3A_679 = arith.select %gt3A_678, %select_n3A_676, %select_n3A_656 : vector<16xi1>, vector<16xf32>
          %select_n3A_680 = arith.select %gt3A_678, %select_n3A_677, %select_n3A_657 : vector<16xi1>, vector<16xi32>
          %add3A_681 = arith.addi %add3A_72, %mul3A_194 : i32
          %add3A_682 = arith.constant 240 : i32
          %add3A_683 = arith.addi %add3A_681, %add3A_682 : i32
          %add3A_684 = vector.broadcast %add3A_683 : i32 to vector<16xi32>
          %add3A_685 = arith.addi %iota3A, %add3A_684 : vector<16xi32>
          %gt3A_686 = arith.cmpf ogt, %get3A_257, %select_n3A_664 : vector<16xf32>
          %select_n3A_687 = arith.select %gt3A_686, %get3A_257, %select_n3A_664 : vector<16xi1>, vector<16xf32>
          %select_n3A_688 = arith.select %gt3A_686, %add3A_685, %select_n3A_665 : vector<16xi1>, vector<16xi32>
          %select_n3A_689 = arith.select %gt3A_686, %select_n3A_664, %get3A_257 : vector<16xi1>, vector<16xf32>
          %select_n3A_690 = arith.select %gt3A_686, %select_n3A_665, %add3A_685 : vector<16xi1>, vector<16xi32>
          %gt3A_691 = arith.cmpf ogt, %select_n3A_689, %select_n3A_669 : vector<16xf32>
          %select_n3A_692 = arith.select %gt3A_691, %select_n3A_689, %select_n3A_669 : vector<16xi1>, vector<16xf32>
          %select_n3A_693 = arith.select %gt3A_691, %select_n3A_690, %select_n3A_670 : vector<16xi1>, vector<16xi32>
          %select_n3A_694 = arith.select %gt3A_691, %select_n3A_669, %select_n3A_689 : vector<16xi1>, vector<16xf32>
          %select_n3A_695 = arith.select %gt3A_691, %select_n3A_670, %select_n3A_690 : vector<16xi1>, vector<16xi32>
          %gt3A_696 = arith.cmpf ogt, %select_n3A_694, %select_n3A_674 : vector<16xf32>
          %select_n3A_697 = arith.select %gt3A_696, %select_n3A_694, %select_n3A_674 : vector<16xi1>, vector<16xf32>
          %select_n3A_698 = arith.select %gt3A_696, %select_n3A_695, %select_n3A_675 : vector<16xi1>, vector<16xi32>
          %select_n3A_699 = arith.select %gt3A_696, %select_n3A_674, %select_n3A_694 : vector<16xi1>, vector<16xf32>
          %select_n3A_700 = arith.select %gt3A_696, %select_n3A_675, %select_n3A_695 : vector<16xi1>, vector<16xi32>
          %gt3A_701 = arith.cmpf ogt, %select_n3A_699, %select_n3A_679 : vector<16xf32>
          %select_n3A_702 = arith.select %gt3A_701, %select_n3A_699, %select_n3A_679 : vector<16xi1>, vector<16xf32>
          %select_n3A_703 = arith.select %gt3A_701, %select_n3A_700, %select_n3A_680 : vector<16xi1>, vector<16xi32>
          %add3A_704 = arith.addi %add3A_72, %mul3A_194 : i32
          %add3A_705 = arith.constant 256 : i32
          %add3A_706 = arith.addi %add3A_704, %add3A_705 : i32
          %add3A_707 = vector.broadcast %add3A_706 : i32 to vector<16xi32>
          %add3A_708 = arith.addi %iota3A, %add3A_707 : vector<16xi32>
          %gt3A_709 = arith.cmpf ogt, %get3A_261, %select_n3A_687 : vector<16xf32>
          %select_n3A_710 = arith.select %gt3A_709, %get3A_261, %select_n3A_687 : vector<16xi1>, vector<16xf32>
          %select_n3A_711 = arith.select %gt3A_709, %add3A_708, %select_n3A_688 : vector<16xi1>, vector<16xi32>
          %select_n3A_712 = arith.select %gt3A_709, %select_n3A_687, %get3A_261 : vector<16xi1>, vector<16xf32>
          %select_n3A_713 = arith.select %gt3A_709, %select_n3A_688, %add3A_708 : vector<16xi1>, vector<16xi32>
          %gt3A_714 = arith.cmpf ogt, %select_n3A_712, %select_n3A_692 : vector<16xf32>
          %select_n3A_715 = arith.select %gt3A_714, %select_n3A_712, %select_n3A_692 : vector<16xi1>, vector<16xf32>
          %select_n3A_716 = arith.select %gt3A_714, %select_n3A_713, %select_n3A_693 : vector<16xi1>, vector<16xi32>
          %select_n3A_717 = arith.select %gt3A_714, %select_n3A_692, %select_n3A_712 : vector<16xi1>, vector<16xf32>
          %select_n3A_718 = arith.select %gt3A_714, %select_n3A_693, %select_n3A_713 : vector<16xi1>, vector<16xi32>
          %gt3A_719 = arith.cmpf ogt, %select_n3A_717, %select_n3A_697 : vector<16xf32>
          %select_n3A_720 = arith.select %gt3A_719, %select_n3A_717, %select_n3A_697 : vector<16xi1>, vector<16xf32>
          %select_n3A_721 = arith.select %gt3A_719, %select_n3A_718, %select_n3A_698 : vector<16xi1>, vector<16xi32>
          %select_n3A_722 = arith.select %gt3A_719, %select_n3A_697, %select_n3A_717 : vector<16xi1>, vector<16xf32>
          %select_n3A_723 = arith.select %gt3A_719, %select_n3A_698, %select_n3A_718 : vector<16xi1>, vector<16xi32>
          %gt3A_724 = arith.cmpf ogt, %select_n3A_722, %select_n3A_702 : vector<16xf32>
          %select_n3A_725 = arith.select %gt3A_724, %select_n3A_722, %select_n3A_702 : vector<16xi1>, vector<16xf32>
          %select_n3A_726 = arith.select %gt3A_724, %select_n3A_723, %select_n3A_703 : vector<16xi1>, vector<16xi32>
          %add3A_727 = arith.addi %add3A_72, %mul3A_194 : i32
          %add3A_728 = arith.constant 272 : i32
          %add3A_729 = arith.addi %add3A_727, %add3A_728 : i32
          %add3A_730 = vector.broadcast %add3A_729 : i32 to vector<16xi32>
          %add3A_731 = arith.addi %iota3A, %add3A_730 : vector<16xi32>
          %gt3A_732 = arith.cmpf ogt, %get3A_265, %select_n3A_710 : vector<16xf32>
          %select_n3A_733 = arith.select %gt3A_732, %get3A_265, %select_n3A_710 : vector<16xi1>, vector<16xf32>
          %select_n3A_734 = arith.select %gt3A_732, %add3A_731, %select_n3A_711 : vector<16xi1>, vector<16xi32>
          %select_n3A_735 = arith.select %gt3A_732, %select_n3A_710, %get3A_265 : vector<16xi1>, vector<16xf32>
          %select_n3A_736 = arith.select %gt3A_732, %select_n3A_711, %add3A_731 : vector<16xi1>, vector<16xi32>
          %gt3A_737 = arith.cmpf ogt, %select_n3A_735, %select_n3A_715 : vector<16xf32>
          %select_n3A_738 = arith.select %gt3A_737, %select_n3A_735, %select_n3A_715 : vector<16xi1>, vector<16xf32>
          %select_n3A_739 = arith.select %gt3A_737, %select_n3A_736, %select_n3A_716 : vector<16xi1>, vector<16xi32>
          %select_n3A_740 = arith.select %gt3A_737, %select_n3A_715, %select_n3A_735 : vector<16xi1>, vector<16xf32>
          %select_n3A_741 = arith.select %gt3A_737, %select_n3A_716, %select_n3A_736 : vector<16xi1>, vector<16xi32>
          %gt3A_742 = arith.cmpf ogt, %select_n3A_740, %select_n3A_720 : vector<16xf32>
          %select_n3A_743 = arith.select %gt3A_742, %select_n3A_740, %select_n3A_720 : vector<16xi1>, vector<16xf32>
          %select_n3A_744 = arith.select %gt3A_742, %select_n3A_741, %select_n3A_721 : vector<16xi1>, vector<16xi32>
          %select_n3A_745 = arith.select %gt3A_742, %select_n3A_720, %select_n3A_740 : vector<16xi1>, vector<16xf32>
          %select_n3A_746 = arith.select %gt3A_742, %select_n3A_721, %select_n3A_741 : vector<16xi1>, vector<16xi32>
          %gt3A_747 = arith.cmpf ogt, %select_n3A_745, %select_n3A_725 : vector<16xf32>
          %select_n3A_748 = arith.select %gt3A_747, %select_n3A_745, %select_n3A_725 : vector<16xi1>, vector<16xf32>
          %select_n3A_749 = arith.select %gt3A_747, %select_n3A_746, %select_n3A_726 : vector<16xi1>, vector<16xi32>
          %add3A_750 = arith.addi %add3A_72, %mul3A_194 : i32
          %add3A_751 = arith.constant 288 : i32
          %add3A_752 = arith.addi %add3A_750, %add3A_751 : i32
          %add3A_753 = vector.broadcast %add3A_752 : i32 to vector<16xi32>
          %add3A_754 = arith.addi %iota3A, %add3A_753 : vector<16xi32>
          %gt3A_755 = arith.cmpf ogt, %get3A_269, %select_n3A_733 : vector<16xf32>
          %select_n3A_756 = arith.select %gt3A_755, %get3A_269, %select_n3A_733 : vector<16xi1>, vector<16xf32>
          %select_n3A_757 = arith.select %gt3A_755, %add3A_754, %select_n3A_734 : vector<16xi1>, vector<16xi32>
          %select_n3A_758 = arith.select %gt3A_755, %select_n3A_733, %get3A_269 : vector<16xi1>, vector<16xf32>
          %select_n3A_759 = arith.select %gt3A_755, %select_n3A_734, %add3A_754 : vector<16xi1>, vector<16xi32>
          %gt3A_760 = arith.cmpf ogt, %select_n3A_758, %select_n3A_738 : vector<16xf32>
          %select_n3A_761 = arith.select %gt3A_760, %select_n3A_758, %select_n3A_738 : vector<16xi1>, vector<16xf32>
          %select_n3A_762 = arith.select %gt3A_760, %select_n3A_759, %select_n3A_739 : vector<16xi1>, vector<16xi32>
          %select_n3A_763 = arith.select %gt3A_760, %select_n3A_738, %select_n3A_758 : vector<16xi1>, vector<16xf32>
          %select_n3A_764 = arith.select %gt3A_760, %select_n3A_739, %select_n3A_759 : vector<16xi1>, vector<16xi32>
          %gt3A_765 = arith.cmpf ogt, %select_n3A_763, %select_n3A_743 : vector<16xf32>
          %select_n3A_766 = arith.select %gt3A_765, %select_n3A_763, %select_n3A_743 : vector<16xi1>, vector<16xf32>
          %select_n3A_767 = arith.select %gt3A_765, %select_n3A_764, %select_n3A_744 : vector<16xi1>, vector<16xi32>
          %select_n3A_768 = arith.select %gt3A_765, %select_n3A_743, %select_n3A_763 : vector<16xi1>, vector<16xf32>
          %select_n3A_769 = arith.select %gt3A_765, %select_n3A_744, %select_n3A_764 : vector<16xi1>, vector<16xi32>
          %gt3A_770 = arith.cmpf ogt, %select_n3A_768, %select_n3A_748 : vector<16xf32>
          %select_n3A_771 = arith.select %gt3A_770, %select_n3A_768, %select_n3A_748 : vector<16xi1>, vector<16xf32>
          %select_n3A_772 = arith.select %gt3A_770, %select_n3A_769, %select_n3A_749 : vector<16xi1>, vector<16xi32>
          %add3A_773 = arith.addi %add3A_72, %mul3A_194 : i32
          %add3A_774 = arith.constant 304 : i32
          %add3A_775 = arith.addi %add3A_773, %add3A_774 : i32
          %add3A_776 = vector.broadcast %add3A_775 : i32 to vector<16xi32>
          %add3A_777 = arith.addi %iota3A, %add3A_776 : vector<16xi32>
          %gt3A_778 = arith.cmpf ogt, %get3A_273, %select_n3A_756 : vector<16xf32>
          %select_n3A_779 = arith.select %gt3A_778, %get3A_273, %select_n3A_756 : vector<16xi1>, vector<16xf32>
          %select_n3A_780 = arith.select %gt3A_778, %add3A_777, %select_n3A_757 : vector<16xi1>, vector<16xi32>
          %select_n3A_781 = arith.select %gt3A_778, %select_n3A_756, %get3A_273 : vector<16xi1>, vector<16xf32>
          %select_n3A_782 = arith.select %gt3A_778, %select_n3A_757, %add3A_777 : vector<16xi1>, vector<16xi32>
          %gt3A_783 = arith.cmpf ogt, %select_n3A_781, %select_n3A_761 : vector<16xf32>
          %select_n3A_784 = arith.select %gt3A_783, %select_n3A_781, %select_n3A_761 : vector<16xi1>, vector<16xf32>
          %select_n3A_785 = arith.select %gt3A_783, %select_n3A_782, %select_n3A_762 : vector<16xi1>, vector<16xi32>
          %select_n3A_786 = arith.select %gt3A_783, %select_n3A_761, %select_n3A_781 : vector<16xi1>, vector<16xf32>
          %select_n3A_787 = arith.select %gt3A_783, %select_n3A_762, %select_n3A_782 : vector<16xi1>, vector<16xi32>
          %gt3A_788 = arith.cmpf ogt, %select_n3A_786, %select_n3A_766 : vector<16xf32>
          %select_n3A_789 = arith.select %gt3A_788, %select_n3A_786, %select_n3A_766 : vector<16xi1>, vector<16xf32>
          %select_n3A_790 = arith.select %gt3A_788, %select_n3A_787, %select_n3A_767 : vector<16xi1>, vector<16xi32>
          %select_n3A_791 = arith.select %gt3A_788, %select_n3A_766, %select_n3A_786 : vector<16xi1>, vector<16xf32>
          %select_n3A_792 = arith.select %gt3A_788, %select_n3A_767, %select_n3A_787 : vector<16xi1>, vector<16xi32>
          %gt3A_793 = arith.cmpf ogt, %select_n3A_791, %select_n3A_771 : vector<16xf32>
          %select_n3A_794 = arith.select %gt3A_793, %select_n3A_791, %select_n3A_771 : vector<16xi1>, vector<16xf32>
          %select_n3A_795 = arith.select %gt3A_793, %select_n3A_792, %select_n3A_772 : vector<16xi1>, vector<16xi32>
          %add3A_796 = arith.addi %add3A_72, %mul3A_194 : i32
          %add3A_797 = arith.constant 320 : i32
          %add3A_798 = arith.addi %add3A_796, %add3A_797 : i32
          %add3A_799 = vector.broadcast %add3A_798 : i32 to vector<16xi32>
          %add3A_800 = arith.addi %iota3A, %add3A_799 : vector<16xi32>
          %gt3A_801 = arith.cmpf ogt, %get3A_277, %select_n3A_779 : vector<16xf32>
          %select_n3A_802 = arith.select %gt3A_801, %get3A_277, %select_n3A_779 : vector<16xi1>, vector<16xf32>
          %select_n3A_803 = arith.select %gt3A_801, %add3A_800, %select_n3A_780 : vector<16xi1>, vector<16xi32>
          %select_n3A_804 = arith.select %gt3A_801, %select_n3A_779, %get3A_277 : vector<16xi1>, vector<16xf32>
          %select_n3A_805 = arith.select %gt3A_801, %select_n3A_780, %add3A_800 : vector<16xi1>, vector<16xi32>
          %gt3A_806 = arith.cmpf ogt, %select_n3A_804, %select_n3A_784 : vector<16xf32>
          %select_n3A_807 = arith.select %gt3A_806, %select_n3A_804, %select_n3A_784 : vector<16xi1>, vector<16xf32>
          %select_n3A_808 = arith.select %gt3A_806, %select_n3A_805, %select_n3A_785 : vector<16xi1>, vector<16xi32>
          %select_n3A_809 = arith.select %gt3A_806, %select_n3A_784, %select_n3A_804 : vector<16xi1>, vector<16xf32>
          %select_n3A_810 = arith.select %gt3A_806, %select_n3A_785, %select_n3A_805 : vector<16xi1>, vector<16xi32>
          %gt3A_811 = arith.cmpf ogt, %select_n3A_809, %select_n3A_789 : vector<16xf32>
          %select_n3A_812 = arith.select %gt3A_811, %select_n3A_809, %select_n3A_789 : vector<16xi1>, vector<16xf32>
          %select_n3A_813 = arith.select %gt3A_811, %select_n3A_810, %select_n3A_790 : vector<16xi1>, vector<16xi32>
          %select_n3A_814 = arith.select %gt3A_811, %select_n3A_789, %select_n3A_809 : vector<16xi1>, vector<16xf32>
          %select_n3A_815 = arith.select %gt3A_811, %select_n3A_790, %select_n3A_810 : vector<16xi1>, vector<16xi32>
          %gt3A_816 = arith.cmpf ogt, %select_n3A_814, %select_n3A_794 : vector<16xf32>
          %select_n3A_817 = arith.select %gt3A_816, %select_n3A_814, %select_n3A_794 : vector<16xi1>, vector<16xf32>
          %select_n3A_818 = arith.select %gt3A_816, %select_n3A_815, %select_n3A_795 : vector<16xi1>, vector<16xi32>
          %add3A_819 = arith.addi %add3A_72, %mul3A_194 : i32
          %add3A_820 = arith.constant 336 : i32
          %add3A_821 = arith.addi %add3A_819, %add3A_820 : i32
          %add3A_822 = vector.broadcast %add3A_821 : i32 to vector<16xi32>
          %add3A_823 = arith.addi %iota3A, %add3A_822 : vector<16xi32>
          %gt3A_824 = arith.cmpf ogt, %get3A_281, %select_n3A_802 : vector<16xf32>
          %select_n3A_825 = arith.select %gt3A_824, %get3A_281, %select_n3A_802 : vector<16xi1>, vector<16xf32>
          %select_n3A_826 = arith.select %gt3A_824, %add3A_823, %select_n3A_803 : vector<16xi1>, vector<16xi32>
          %select_n3A_827 = arith.select %gt3A_824, %select_n3A_802, %get3A_281 : vector<16xi1>, vector<16xf32>
          %select_n3A_828 = arith.select %gt3A_824, %select_n3A_803, %add3A_823 : vector<16xi1>, vector<16xi32>
          %gt3A_829 = arith.cmpf ogt, %select_n3A_827, %select_n3A_807 : vector<16xf32>
          %select_n3A_830 = arith.select %gt3A_829, %select_n3A_827, %select_n3A_807 : vector<16xi1>, vector<16xf32>
          %select_n3A_831 = arith.select %gt3A_829, %select_n3A_828, %select_n3A_808 : vector<16xi1>, vector<16xi32>
          %select_n3A_832 = arith.select %gt3A_829, %select_n3A_807, %select_n3A_827 : vector<16xi1>, vector<16xf32>
          %select_n3A_833 = arith.select %gt3A_829, %select_n3A_808, %select_n3A_828 : vector<16xi1>, vector<16xi32>
          %gt3A_834 = arith.cmpf ogt, %select_n3A_832, %select_n3A_812 : vector<16xf32>
          %select_n3A_835 = arith.select %gt3A_834, %select_n3A_832, %select_n3A_812 : vector<16xi1>, vector<16xf32>
          %select_n3A_836 = arith.select %gt3A_834, %select_n3A_833, %select_n3A_813 : vector<16xi1>, vector<16xi32>
          %select_n3A_837 = arith.select %gt3A_834, %select_n3A_812, %select_n3A_832 : vector<16xi1>, vector<16xf32>
          %select_n3A_838 = arith.select %gt3A_834, %select_n3A_813, %select_n3A_833 : vector<16xi1>, vector<16xi32>
          %gt3A_839 = arith.cmpf ogt, %select_n3A_837, %select_n3A_817 : vector<16xf32>
          %select_n3A_840 = arith.select %gt3A_839, %select_n3A_837, %select_n3A_817 : vector<16xi1>, vector<16xf32>
          %select_n3A_841 = arith.select %gt3A_839, %select_n3A_838, %select_n3A_818 : vector<16xi1>, vector<16xi32>
          %add3A_842 = arith.addi %add3A_72, %mul3A_194 : i32
          %add3A_843 = arith.constant 352 : i32
          %add3A_844 = arith.addi %add3A_842, %add3A_843 : i32
          %add3A_845 = vector.broadcast %add3A_844 : i32 to vector<16xi32>
          %add3A_846 = arith.addi %iota3A, %add3A_845 : vector<16xi32>
          %gt3A_847 = arith.cmpf ogt, %get3A_285, %select_n3A_825 : vector<16xf32>
          %select_n3A_848 = arith.select %gt3A_847, %get3A_285, %select_n3A_825 : vector<16xi1>, vector<16xf32>
          %select_n3A_849 = arith.select %gt3A_847, %add3A_846, %select_n3A_826 : vector<16xi1>, vector<16xi32>
          %select_n3A_850 = arith.select %gt3A_847, %select_n3A_825, %get3A_285 : vector<16xi1>, vector<16xf32>
          %select_n3A_851 = arith.select %gt3A_847, %select_n3A_826, %add3A_846 : vector<16xi1>, vector<16xi32>
          %gt3A_852 = arith.cmpf ogt, %select_n3A_850, %select_n3A_830 : vector<16xf32>
          %select_n3A_853 = arith.select %gt3A_852, %select_n3A_850, %select_n3A_830 : vector<16xi1>, vector<16xf32>
          %select_n3A_854 = arith.select %gt3A_852, %select_n3A_851, %select_n3A_831 : vector<16xi1>, vector<16xi32>
          %select_n3A_855 = arith.select %gt3A_852, %select_n3A_830, %select_n3A_850 : vector<16xi1>, vector<16xf32>
          %select_n3A_856 = arith.select %gt3A_852, %select_n3A_831, %select_n3A_851 : vector<16xi1>, vector<16xi32>
          %gt3A_857 = arith.cmpf ogt, %select_n3A_855, %select_n3A_835 : vector<16xf32>
          %select_n3A_858 = arith.select %gt3A_857, %select_n3A_855, %select_n3A_835 : vector<16xi1>, vector<16xf32>
          %select_n3A_859 = arith.select %gt3A_857, %select_n3A_856, %select_n3A_836 : vector<16xi1>, vector<16xi32>
          %select_n3A_860 = arith.select %gt3A_857, %select_n3A_835, %select_n3A_855 : vector<16xi1>, vector<16xf32>
          %select_n3A_861 = arith.select %gt3A_857, %select_n3A_836, %select_n3A_856 : vector<16xi1>, vector<16xi32>
          %gt3A_862 = arith.cmpf ogt, %select_n3A_860, %select_n3A_840 : vector<16xf32>
          %select_n3A_863 = arith.select %gt3A_862, %select_n3A_860, %select_n3A_840 : vector<16xi1>, vector<16xf32>
          %select_n3A_864 = arith.select %gt3A_862, %select_n3A_861, %select_n3A_841 : vector<16xi1>, vector<16xi32>
          %add3A_865 = arith.addi %add3A_72, %mul3A_194 : i32
          %add3A_866 = arith.constant 368 : i32
          %add3A_867 = arith.addi %add3A_865, %add3A_866 : i32
          %add3A_868 = vector.broadcast %add3A_867 : i32 to vector<16xi32>
          %add3A_869 = arith.addi %iota3A, %add3A_868 : vector<16xi32>
          %gt3A_870 = arith.cmpf ogt, %get3A_289, %select_n3A_848 : vector<16xf32>
          %select_n3A_871 = arith.select %gt3A_870, %get3A_289, %select_n3A_848 : vector<16xi1>, vector<16xf32>
          %select_n3A_872 = arith.select %gt3A_870, %add3A_869, %select_n3A_849 : vector<16xi1>, vector<16xi32>
          %select_n3A_873 = arith.select %gt3A_870, %select_n3A_848, %get3A_289 : vector<16xi1>, vector<16xf32>
          %select_n3A_874 = arith.select %gt3A_870, %select_n3A_849, %add3A_869 : vector<16xi1>, vector<16xi32>
          %gt3A_875 = arith.cmpf ogt, %select_n3A_873, %select_n3A_853 : vector<16xf32>
          %select_n3A_876 = arith.select %gt3A_875, %select_n3A_873, %select_n3A_853 : vector<16xi1>, vector<16xf32>
          %select_n3A_877 = arith.select %gt3A_875, %select_n3A_874, %select_n3A_854 : vector<16xi1>, vector<16xi32>
          %select_n3A_878 = arith.select %gt3A_875, %select_n3A_853, %select_n3A_873 : vector<16xi1>, vector<16xf32>
          %select_n3A_879 = arith.select %gt3A_875, %select_n3A_854, %select_n3A_874 : vector<16xi1>, vector<16xi32>
          %gt3A_880 = arith.cmpf ogt, %select_n3A_878, %select_n3A_858 : vector<16xf32>
          %select_n3A_881 = arith.select %gt3A_880, %select_n3A_878, %select_n3A_858 : vector<16xi1>, vector<16xf32>
          %select_n3A_882 = arith.select %gt3A_880, %select_n3A_879, %select_n3A_859 : vector<16xi1>, vector<16xi32>
          %select_n3A_883 = arith.select %gt3A_880, %select_n3A_858, %select_n3A_878 : vector<16xi1>, vector<16xf32>
          %select_n3A_884 = arith.select %gt3A_880, %select_n3A_859, %select_n3A_879 : vector<16xi1>, vector<16xi32>
          %gt3A_885 = arith.cmpf ogt, %select_n3A_883, %select_n3A_863 : vector<16xf32>
          %select_n3A_886 = arith.select %gt3A_885, %select_n3A_883, %select_n3A_863 : vector<16xi1>, vector<16xf32>
          %select_n3A_887 = arith.select %gt3A_885, %select_n3A_884, %select_n3A_864 : vector<16xi1>, vector<16xi32>
          %swap3A = arith.constant 0 : index
          %swap3A_888 = tpu.vector_load %arg8[%swap3A] {strides = array<i32>} : memref<64xf32, #tpu.memory_space<vmem>>, vector<16xf32>,
          tpu.vector_store %arg8[%swap3A], %select_n3A_871 {strides = array<i32>} : memref<64xf32, #tpu.memory_space<vmem>>, vector<16xf32>,
          %swap3A_889 = arith.constant 16 : index
          %swap3A_890 = tpu.vector_load %arg8[%swap3A_889] {strides = array<i32>} : memref<64xf32, #tpu.memory_space<vmem>>, vector<16xf32>,
          tpu.vector_store %arg8[%swap3A_889], %select_n3A_876 {strides = array<i32>} : memref<64xf32, #tpu.memory_space<vmem>>, vector<16xf32>,
          %swap3A_891 = arith.constant 32 : index
          %swap3A_892 = tpu.vector_load %arg8[%swap3A_891] {strides = array<i32>} : memref<64xf32, #tpu.memory_space<vmem>>, vector<16xf32>,
          tpu.vector_store %arg8[%swap3A_891], %select_n3A_881 {strides = array<i32>} : memref<64xf32, #tpu.memory_space<vmem>>, vector<16xf32>,
          %swap3A_893 = arith.constant 48 : index
          %swap3A_894 = tpu.vector_load %arg8[%swap3A_893] {strides = array<i32>} : memref<64xf32, #tpu.memory_space<vmem>>, vector<16xf32>,
          tpu.vector_store %arg8[%swap3A_893], %select_n3A_886 {strides = array<i32>} : memref<64xf32, #tpu.memory_space<vmem>>, vector<16xf32>,
          %swap3A_895 = arith.constant 0 : index
          %swap3A_896 = tpu.vector_load %arg9[%swap3A_895] {strides = array<i32>} : memref<64xi32, #tpu.memory_space<vmem>>, vector<16xi32>,
          tpu.vector_store %arg9[%swap3A_895], %select_n3A_872 {strides = array<i32>} : memref<64xi32, #tpu.memory_space<vmem>>, vector<16xi32>,
          %swap3A_897 = arith.constant 16 : index
          %swap3A_898 = tpu.vector_load %arg9[%swap3A_897] {strides = array<i32>} : memref<64xi32, #tpu.memory_space<vmem>>, vector<16xi32>,
          tpu.vector_store %arg9[%swap3A_897], %select_n3A_877 {strides = array<i32>} : memref<64xi32, #tpu.memory_space<vmem>>, vector<16xi32>,
          %swap3A_899 = arith.constant 32 : index
          %swap3A_900 = tpu.vector_load %arg9[%swap3A_899] {strides = array<i32>} : memref<64xi32, #tpu.memory_space<vmem>>, vector<16xi32>,
          tpu.vector_store %arg9[%swap3A_899], %select_n3A_882 {strides = array<i32>} : memref<64xi32, #tpu.memory_space<vmem>>, vector<16xi32>,
          %swap3A_901 = arith.constant 48 : index
          %swap3A_902 = tpu.vector_load %arg9[%swap3A_901] {strides = array<i32>} : memref<64xi32, #tpu.memory_space<vmem>>, vector<16xi32>,
          tpu.vector_store %arg9[%swap3A_901], %select_n3A_887 {strides = array<i32>} : memref<64xi32, #tpu.memory_space<vmem>>, vector<16xi32>,
        } else {
        }
        %scan3A_319 = arith.constant 0 : i32
        scf.yield %scan3A_319 : i32
      }
      %scan3A_79 = arith.constant 98 : i32
      %jit3A_80 = arith.constant 4 : i32
      %eq3A_81 = arith.constant 0 : i32
      %eq3A_82 = arith.cmpi eq, %jit3A_80, %eq3A_81 : i32
      %jit3A_83 = arith.constant 1 : i32
      %select_n3A_84 = arith.select %eq3A_82, %jit3A_83, %jit3A_80 : i32
      %rem3A_85 = arith.remsi %mul3A_22, %select_n3A_84 : i32
      %ne3A_86 = arith.constant 0 : i32
      %ne3A_87 = arith.cmpi ne, %rem3A_85, %ne3A_86 : i32
      %lt3A_88 = arith.constant 0 : i32
      %lt3A_89 = arith.cmpi slt, %rem3A_85, %lt3A_88 : i32
      %lt3A_90 = arith.constant 0 : i32
      %lt3A_91 = arith.cmpi slt, %select_n3A_84, %lt3A_90 : i32
      %ne3A_92 = arith.xori %lt3A_89, %lt3A_91 : i1
      %and3A_93 = arith.andi %ne3A_92, %ne3A_87 : i1
      %add3A_94 = arith.addi %rem3A_85, %select_n3A_84 : i32
      %select_n3A_95 = arith.select %and3A_93, %add3A_94, %rem3A_85 : i32
      %eq3A_96 = arith.constant 3 : i32
      %eq3A_97 = arith.cmpi eq, %select_n3A_95, %eq3A_96 : i32
      %convert_element_type3A_98 = arith.extui %eq3A_97 : i1 to i32
      %cond3A_99 = arith.constant 0 : i32
      %cond3A_100 = arith.cmpi ne, %convert_element_type3A_98, %cond3A_99 : i32
      scf.if %cond3A_100 {
        %jit3A_191 = arith.constant 4 : i32
        %div3A = arith.divsi %mul3A_22, %jit3A_191 : i32
        %sign3A = arith.constant 0 : i32
        %sign3A_192 = arith.cmpi sgt, %mul3A_22, %sign3A : i32
        %sign3A_193 = arith.extui %sign3A_192 : i1 to i32
        %sign3A_194 = arith.constant 0 : i32
        %sign3A_195 = arith.cmpi slt, %mul3A_22, %sign3A_194 : i32
        %sign3A_196 = arith.extui %sign3A_195 : i1 to i32
        %sign3A_197 = arith.subi %sign3A_193, %sign3A_196 : i32
        %sign3A_198 = arith.constant 0 : i32
        %sign3A_199 = arith.cmpi sgt, %jit3A_191, %sign3A_198 : i32
        %sign3A_200 = arith.extui %sign3A_199 : i1 to i32
        %sign3A_201 = arith.constant 0 : i32
        %sign3A_202 = arith.cmpi slt, %jit3A_191, %sign3A_201 : i32
        %sign3A_203 = arith.extui %sign3A_202 : i1 to i32
        %sign3A_204 = arith.subi %sign3A_200, %sign3A_203 : i32
        %ne3A_205 = arith.cmpi ne, %sign3A_197, %sign3A_204 : i32
        %rem3A_206 = arith.remsi %mul3A_22, %jit3A_191 : i32
        %ne3A_207 = arith.constant 0 : i32
        %ne3A_208 = arith.cmpi ne, %rem3A_206, %ne3A_207 : i32
        %and3A_209 = arith.andi %ne3A_205, %ne3A_208 : i1
        %sub3A = arith.constant 1 : i32
        %sub3A_210 = arith.subi %div3A, %sub3A : i32
        %select_n3A_211 = arith.select %and3A_209, %sub3A_210, %div3A : i32
        "tpu.region"() ({
          %run_scoped3A = tpu.sem_alloc : memref<!tpu.dma_semaphore, #tpu.memory_space<semaphore_mem>>
          %dma_start3A = arith.constant 0 : i32
          %dma_start3A_212 = tpu.memref_slice %arg3[%select_n3A_211, %add3A, %dma_start3A] : memref<16x32x64xf32, #tpu.memory_space<hbm>> -> memref<1x1x64xf32, #tpu.memory_space<hbm>>
          %dma_start3A_213 = tpu.memref_squeeze %dma_start3A_212 : memref<1x1x64xf32, #tpu.memory_space<hbm>> -> memref<64xf32, #tpu.memory_space<hbm>>
          %dma_start3A_214 = arith.constant 0 : i32
          %dma_start3A_215 = tpu.memref_slice %arg3[%select_n3A_211, %add3A, %dma_start3A_214] : memref<16x32x64xf32, #tpu.memory_space<hbm>> -> memref<1x1x64xf32, #tpu.memory_space<hbm>>
          %dma_start3A_216 = tpu.memref_squeeze %dma_start3A_215 : memref<1x1x64xf32, #tpu.memory_space<hbm>> -> memref<64xf32, #tpu.memory_space<hbm>>
          tpu.enqueue_dma source(%arg8 : memref<64xf32, #tpu.memory_space<vmem>>) target(%dma_start3A_216 : memref<64xf32, #tpu.memory_space<hbm>>) target_semaphore(%run_scoped3A : memref<!tpu.dma_semaphore, #tpu.memory_space<semaphore_mem>>)
          %dma_wait3A = arith.constant 0 : i32
          %dma_wait3A_217 = tpu.memref_slice %arg3[%select_n3A_211, %add3A, %dma_wait3A] : memref<16x32x64xf32, #tpu.memory_space<hbm>> -> memref<1x1x64xf32, #tpu.memory_space<hbm>>
          %dma_wait3A_218 = tpu.memref_squeeze %dma_wait3A_217 : memref<1x1x64xf32, #tpu.memory_space<hbm>> -> memref<64xf32, #tpu.memory_space<hbm>>
          %dma_wait3A_219 = arith.constant 0 : i32
          %dma_wait3A_220 = tpu.memref_slice %arg3[%select_n3A_211, %add3A, %dma_wait3A_219] : memref<16x32x64xf32, #tpu.memory_space<hbm>> -> memref<1x1x64xf32, #tpu.memory_space<hbm>>
          %dma_wait3A_221 = tpu.memref_squeeze %dma_wait3A_220 : memref<1x1x64xf32, #tpu.memory_space<hbm>> -> memref<64xf32, #tpu.memory_space<hbm>>
          tpu.wait_dma2 semaphore(%run_scoped3A : memref<!tpu.dma_semaphore, #tpu.memory_space<semaphore_mem>>) src(%arg8 : memref<64xf32, #tpu.memory_space<vmem>>) dst(%dma_wait3A_221 : memref<64xf32, #tpu.memory_space<hbm>>)
          tpu.yield
        }) : () -> ()
        "tpu.region"() ({
          %run_scoped3A = tpu.sem_alloc : memref<!tpu.dma_semaphore, #tpu.memory_space<semaphore_mem>>
          %dma_start3A = arith.constant 0 : i32
          %dma_start3A_212 = tpu.memref_slice %arg4[%select_n3A_211, %add3A, %dma_start3A] : memref<16x32x64xi32, #tpu.memory_space<hbm>> -> memref<1x1x64xi32, #tpu.memory_space<hbm>>
          %dma_start3A_213 = tpu.memref_squeeze %dma_start3A_212 : memref<1x1x64xi32, #tpu.memory_space<hbm>> -> memref<64xi32, #tpu.memory_space<hbm>>
          %dma_start3A_214 = arith.constant 0 : i32
          %dma_start3A_215 = tpu.memref_slice %arg4[%select_n3A_211, %add3A, %dma_start3A_214] : memref<16x32x64xi32, #tpu.memory_space<hbm>> -> memref<1x1x64xi32, #tpu.memory_space<hbm>>
          %dma_start3A_216 = tpu.memref_squeeze %dma_start3A_215 : memref<1x1x64xi32, #tpu.memory_space<hbm>> -> memref<64xi32, #tpu.memory_space<hbm>>
          tpu.enqueue_dma source(%arg9 : memref<64xi32, #tpu.memory_space<vmem>>) target(%dma_start3A_216 : memref<64xi32, #tpu.memory_space<hbm>>) target_semaphore(%run_scoped3A : memref<!tpu.dma_semaphore, #tpu.memory_space<semaphore_mem>>)
          %dma_wait3A = arith.constant 0 : i32
          %dma_wait3A_217 = tpu.memref_slice %arg4[%select_n3A_211, %add3A, %dma_wait3A] : memref<16x32x64xi32, #tpu.memory_space<hbm>> -> memref<1x1x64xi32, #tpu.memory_space<hbm>>
          %dma_wait3A_218 = tpu.memref_squeeze %dma_wait3A_217 : memref<1x1x64xi32, #tpu.memory_space<hbm>> -> memref<64xi32, #tpu.memory_space<hbm>>
          %dma_wait3A_219 = arith.constant 0 : i32
          %dma_wait3A_220 = tpu.memref_slice %arg4[%select_n3A_211, %add3A, %dma_wait3A_219] : memref<16x32x64xi32, #tpu.memory_space<hbm>> -> memref<1x1x64xi32, #tpu.memory_space<hbm>>
          %dma_wait3A_221 = tpu.memref_squeeze %dma_wait3A_220 : memref<1x1x64xi32, #tpu.memory_space<hbm>> -> memref<64xi32, #tpu.memory_space<hbm>>
          tpu.wait_dma2 semaphore(%run_scoped3A : memref<!tpu.dma_semaphore, #tpu.memory_space<semaphore_mem>>) src(%arg9 : memref<64xi32, #tpu.memory_space<vmem>>) dst(%dma_wait3A_221 : memref<64xi32, #tpu.memory_space<hbm>>)
          tpu.yield
        }) : () -> ()
      } else {
      }
      %mul3A_101 = arith.constant 2 : i32
      %mul3A_102 = arith.muli %mul3A_101, %scan3A_19 : i32
      %add3A_103 = arith.constant 1 : i32
      %add3A_104 = arith.addi %mul3A_102, %add3A_103 : i32
      %jit3A_105 = arith.constant 4 : i32
      %eq3A_106 = arith.constant 0 : i32
      %eq3A_107 = arith.cmpi eq, %jit3A_105, %eq3A_106 : i32
      %jit3A_108 = arith.constant 1 : i32
      %select_n3A_109 = arith.select %eq3A_107, %jit3A_108, %jit3A_105 : i32
      %rem3A_110 = arith.remsi %add3A_104, %select_n3A_109 : i32
      %ne3A_111 = arith.constant 0 : i32
      %ne3A_112 = arith.cmpi ne, %rem3A_110, %ne3A_111 : i32
      %lt3A_113 = arith.constant 0 : i32
      %lt3A_114 = arith.cmpi slt, %rem3A_110, %lt3A_113 : i32
      %lt3A_115 = arith.constant 0 : i32
      %lt3A_116 = arith.cmpi slt, %select_n3A_109, %lt3A_115 : i32
      %ne3A_117 = arith.xori %lt3A_114, %lt3A_116 : i1
      %and3A_118 = arith.andi %ne3A_117, %ne3A_112 : i1
      %add3A_119 = arith.addi %rem3A_110, %select_n3A_109 : i32
      %select_n3A_120 = arith.select %and3A_118, %add3A_119, %rem3A_110 : i32
      %eq3A_121 = arith.constant 0 : i32
      %eq3A_122 = arith.cmpi eq, %select_n3A_120, %eq3A_121 : i32
      %convert_element_type3A_123 = arith.extui %eq3A_122 : i1 to i32
      %cond3A_124 = arith.constant 0 : i32
      %cond3A_125 = arith.cmpi ne, %convert_element_type3A_123, %cond3A_124 : i32
      scf.if %cond3A_125 {
        %swap3A = arith.constant 0 : index
        %swap3A_191 = tpu.vector_load %arg8[%swap3A] {strides = array<i32>} : memref<64xf32, #tpu.memory_space<vmem>>, vector<16xf32>,
        tpu.vector_store %arg8[%swap3A], %broadcast_in_dim3A_1 {strides = array<i32>} : memref<64xf32, #tpu.memory_space<vmem>>, vector<16xf32>,
        %swap3A_192 = arith.constant 0 : index
        %swap3A_193 = tpu.vector_load %arg9[%swap3A_192] {strides = array<i32>} : memref<64xi32, #tpu.memory_space<vmem>>, vector<16xi32>,
        tpu.vector_store %arg9[%swap3A_192], %broadcast_in_dim3A_3 {strides = array<i32>} : memref<64xi32, #tpu.memory_space<vmem>>, vector<16xi32>,
        %swap3A_194 = arith.constant 16 : index
        %swap3A_195 = tpu.vector_load %arg8[%swap3A_194] {strides = array<i32>} : memref<64xf32, #tpu.memory_space<vmem>>, vector<16xf32>,
        tpu.vector_store %arg8[%swap3A_194], %broadcast_in_dim3A_1 {strides = array<i32>} : memref<64xf32, #tpu.memory_space<vmem>>, vector<16xf32>,
        %swap3A_196 = arith.constant 16 : index
        %swap3A_197 = tpu.vector_load %arg9[%swap3A_196] {strides = array<i32>} : memref<64xi32, #tpu.memory_space<vmem>>, vector<16xi32>,
        tpu.vector_store %arg9[%swap3A_196], %broadcast_in_dim3A_3 {strides = array<i32>} : memref<64xi32, #tpu.memory_space<vmem>>, vector<16xi32>,
        %swap3A_198 = arith.constant 32 : index
        %swap3A_199 = tpu.vector_load %arg8[%swap3A_198] {strides = array<i32>} : memref<64xf32, #tpu.memory_space<vmem>>, vector<16xf32>,
        tpu.vector_store %arg8[%swap3A_198], %broadcast_in_dim3A_1 {strides = array<i32>} : memref<64xf32, #tpu.memory_space<vmem>>, vector<16xf32>,
        %swap3A_200 = arith.constant 32 : index
        %swap3A_201 = tpu.vector_load %arg9[%swap3A_200] {strides = array<i32>} : memref<64xi32, #tpu.memory_space<vmem>>, vector<16xi32>,
        tpu.vector_store %arg9[%swap3A_200], %broadcast_in_dim3A_3 {strides = array<i32>} : memref<64xi32, #tpu.memory_space<vmem>>, vector<16xi32>,
        %swap3A_202 = arith.constant 48 : index
        %swap3A_203 = tpu.vector_load %arg8[%swap3A_202] {strides = array<i32>} : memref<64xf32, #tpu.memory_space<vmem>>, vector<16xf32>,
        tpu.vector_store %arg8[%swap3A_202], %broadcast_in_dim3A_1 {strides = array<i32>} : memref<64xf32, #tpu.memory_space<vmem>>, vector<16xf32>,
        %swap3A_204 = arith.constant 48 : index
        %swap3A_205 = tpu.vector_load %arg9[%swap3A_204] {strides = array<i32>} : memref<64xi32, #tpu.memory_space<vmem>>, vector<16xi32>,
        tpu.vector_store %arg9[%swap3A_204], %broadcast_in_dim3A_3 {strides = array<i32>} : memref<64xi32, #tpu.memory_space<vmem>>, vector<16xi32>,
      } else {
      }
      %eq3A_126 = arith.constant 0 : i32
      %eq3A_127 = arith.cmpi eq, %arg1, %eq3A_126 : i32
      %convert_element_type3A_128 = arith.extui %eq3A_127 : i1 to i32
      %cond3A_129 = arith.constant 0 : i32
      %cond3A_130 = arith.cmpi ne, %convert_element_type3A_128, %cond3A_129 : i32
      scf.if %cond3A_130 {
        %jit3A_191 = arith.constant 4 : i32
        %div3A = arith.divsi %add3A_104, %jit3A_191 : i32
        %sign3A = arith.constant 0 : i32
        %sign3A_192 = arith.cmpi sgt, %add3A_104, %sign3A : i32
        %sign3A_193 = arith.extui %sign3A_192 : i1 to i32
        %sign3A_194 = arith.constant 0 : i32
        %sign3A_195 = arith.cmpi slt, %add3A_104, %sign3A_194 : i32
        %sign3A_196 = arith.extui %sign3A_195 : i1 to i32
        %sign3A_197 = arith.subi %sign3A_193, %sign3A_196 : i32
        %sign3A_198 = arith.constant 0 : i32
        %sign3A_199 = arith.cmpi sgt, %jit3A_191, %sign3A_198 : i32
        %sign3A_200 = arith.extui %sign3A_199 : i1 to i32
        %sign3A_201 = arith.constant 0 : i32
        %sign3A_202 = arith.cmpi slt, %jit3A_191, %sign3A_201 : i32
        %sign3A_203 = arith.extui %sign3A_202 : i1 to i32
        %sign3A_204 = arith.subi %sign3A_200, %sign3A_203 : i32
        %ne3A_205 = arith.cmpi ne, %sign3A_197, %sign3A_204 : i32
        %rem3A_206 = arith.remsi %add3A_104, %jit3A_191 : i32
        %ne3A_207 = arith.constant 0 : i32
        %ne3A_208 = arith.cmpi ne, %rem3A_206, %ne3A_207 : i32
        %and3A_209 = arith.andi %ne3A_205, %ne3A_208 : i1
        %sub3A = arith.constant 1 : i32
        %sub3A_210 = arith.subi %div3A, %sub3A : i32
        %select_n3A_211 = arith.select %and3A_209, %sub3A_210, %div3A : i32
        %jit3A_212 = arith.constant 4 : i32
        %eq3A_213 = arith.constant 0 : i32
        %eq3A_214 = arith.cmpi eq, %jit3A_212, %eq3A_213 : i32
        %jit3A_215 = arith.constant 1 : i32
        %select_n3A_216 = arith.select %eq3A_214, %jit3A_215, %jit3A_212 : i32
        %rem3A_217 = arith.remsi %add3A_104, %select_n3A_216 : i32
        %ne3A_218 = arith.constant 0 : i32
        %ne3A_219 = arith.cmpi ne, %rem3A_217, %ne3A_218 : i32
        %lt3A_220 = arith.constant 0 : i32
        %lt3A_221 = arith.cmpi slt, %rem3A_217, %lt3A_220 : i32
        %lt3A_222 = arith.constant 0 : i32
        %lt3A_223 = arith.cmpi slt, %select_n3A_216, %lt3A_222 : i32
        %ne3A_224 = arith.xori %lt3A_221, %lt3A_223 : i1
        %and3A_225 = arith.andi %ne3A_224, %ne3A_219 : i1
        %add3A_226 = arith.addi %rem3A_217, %select_n3A_216 : i32
        %select_n3A_227 = arith.select %and3A_225, %add3A_226, %rem3A_217 : i32
        %mul3A_228 = arith.constant 4816896 : i32
        %mul3A_229 = arith.muli %select_n3A_211, %mul3A_228 : i32
        %add3A_230 = arith.addi %mul3A_229, %mul3A_5 : i32
        %mul3A_231 = arith.constant 602112 : i32
        %mul3A_232 = arith.muli %select_n3A_227, %mul3A_231 : i32
        %add3A_233 = arith.addi %add3A_230, %mul3A_232 : i32
        %dma_wait3A = tpu.memref_slice %arg2[%add3A_233] : memref<77070336xf32, #tpu.memory_space<hbm>> -> memref<602112xf32, #tpu.memory_space<hbm>>
        tpu.wait_dma2 semaphore(%arg11 : memref<!tpu.dma_semaphore, #tpu.memory_space<semaphore_mem>>) src(%dma_wait3A : memref<602112xf32, #tpu.memory_space<hbm>>) dst(%arg6 : memref<602112xf32, #tpu.memory_space<vmem_shared>>)
      } else {
      }
      %barrier3A_131 = arith.constant 0 : index
      tpu.barrier barrier_id(%barrier3A_131)
      %mul3A_132 = arith.constant 37632 : i32
      %mul3A_133 = arith.muli %arg1, %mul3A_132 : i32
      "tpu.region"() ({
        %run_scoped3A = tpu.sem_alloc : memref<!tpu.dma_semaphore, #tpu.memory_space<semaphore_mem>>
        %dma_start3A = tpu.memref_slice %arg6[%mul3A_133] : memref<602112xf32, #tpu.memory_space<vmem_shared>> -> memref<37632xf32, #tpu.memory_space<vmem_shared>>
        %dma_start3A_191 = tpu.memref_slice %arg6[%mul3A_133] : memref<602112xf32, #tpu.memory_space<vmem_shared>> -> memref<37632xf32, #tpu.memory_space<vmem_shared>>
        tpu.enqueue_dma source(%dma_start3A_191 : memref<37632xf32, #tpu.memory_space<vmem_shared>>) target(%arg7 : memref<37632xf32, #tpu.memory_space<vmem>>) target_semaphore(%run_scoped3A : memref<!tpu.dma_semaphore, #tpu.memory_space<semaphore_mem>>)
        %dma_wait3A = tpu.memref_slice %arg6[%mul3A_133] : memref<602112xf32, #tpu.memory_space<vmem_shared>> -> memref<37632xf32, #tpu.memory_space<vmem_shared>>
        %dma_wait3A_192 = tpu.memref_slice %arg6[%mul3A_133] : memref<602112xf32, #tpu.memory_space<vmem_shared>> -> memref<37632xf32, #tpu.memory_space<vmem_shared>>
        tpu.wait_dma2 semaphore(%run_scoped3A : memref<!tpu.dma_semaphore, #tpu.memory_space<semaphore_mem>>) src(%dma_wait3A_192 : memref<37632xf32, #tpu.memory_space<vmem_shared>>) dst(%arg7 : memref<37632xf32, #tpu.memory_space<vmem>>)
        tpu.yield
      }) : () -> ()
      %barrier3A_134 = arith.constant 0 : index
      tpu.barrier barrier_id(%barrier3A_134)
      %eq3A_135 = arith.constant 0 : i32
      %eq3A_136 = arith.cmpi eq, %arg1, %eq3A_135 : i32
      %convert_element_type3A_137 = arith.extui %eq3A_136 : i1 to i32
      %cond3A_138 = arith.constant 0 : i32
      %cond3A_139 = arith.cmpi ne, %convert_element_type3A_137, %cond3A_138 : i32
      scf.if %cond3A_139 {
        %add3A_191 = arith.constant 2 : i32
        %add3A_192 = arith.addi %add3A_104, %add3A_191 : i32
        %min3A = arith.constant 63 : i32
        %min3A_193 = arith.minsi %add3A_192, %min3A : i32
        %jit3A_194 = arith.constant 4 : i32
        %div3A = arith.divsi %min3A_193, %jit3A_194 : i32
        %sign3A = arith.constant 0 : i32
        %sign3A_195 = arith.cmpi sgt, %min3A_193, %sign3A : i32
        %sign3A_196 = arith.extui %sign3A_195 : i1 to i32
        %sign3A_197 = arith.constant 0 : i32
        %sign3A_198 = arith.cmpi slt, %min3A_193, %sign3A_197 : i32
        %sign3A_199 = arith.extui %sign3A_198 : i1 to i32
        %sign3A_200 = arith.subi %sign3A_196, %sign3A_199 : i32
        %sign3A_201 = arith.constant 0 : i32
        %sign3A_202 = arith.cmpi sgt, %jit3A_194, %sign3A_201 : i32
        %sign3A_203 = arith.extui %sign3A_202 : i1 to i32
        %sign3A_204 = arith.constant 0 : i32
        %sign3A_205 = arith.cmpi slt, %jit3A_194, %sign3A_204 : i32
        %sign3A_206 = arith.extui %sign3A_205 : i1 to i32
        %sign3A_207 = arith.subi %sign3A_203, %sign3A_206 : i32
        %ne3A_208 = arith.cmpi ne, %sign3A_200, %sign3A_207 : i32
        %rem3A_209 = arith.remsi %min3A_193, %jit3A_194 : i32
        %ne3A_210 = arith.constant 0 : i32
        %ne3A_211 = arith.cmpi ne, %rem3A_209, %ne3A_210 : i32
        %and3A_212 = arith.andi %ne3A_208, %ne3A_211 : i1
        %sub3A = arith.constant 1 : i32
        %sub3A_213 = arith.subi %div3A, %sub3A : i32
        %select_n3A_214 = arith.select %and3A_212, %sub3A_213, %div3A : i32
        %jit3A_215 = arith.constant 4 : i32
        %eq3A_216 = arith.constant 0 : i32
        %eq3A_217 = arith.cmpi eq, %jit3A_215, %eq3A_216 : i32
        %jit3A_218 = arith.constant 1 : i32
        %select_n3A_219 = arith.select %eq3A_217, %jit3A_218, %jit3A_215 : i32
        %rem3A_220 = arith.remsi %min3A_193, %select_n3A_219 : i32
        %ne3A_221 = arith.constant 0 : i32
        %ne3A_222 = arith.cmpi ne, %rem3A_220, %ne3A_221 : i32
        %lt3A_223 = arith.constant 0 : i32
        %lt3A_224 = arith.cmpi slt, %rem3A_220, %lt3A_223 : i32
        %lt3A_225 = arith.constant 0 : i32
        %lt3A_226 = arith.cmpi slt, %select_n3A_219, %lt3A_225 : i32
        %ne3A_227 = arith.xori %lt3A_224, %lt3A_226 : i1
        %and3A_228 = arith.andi %ne3A_227, %ne3A_222 : i1
        %add3A_229 = arith.addi %rem3A_220, %select_n3A_219 : i32
        %select_n3A_230 = arith.select %and3A_228, %add3A_229, %rem3A_220 : i32
        %mul3A_231 = arith.constant 4816896 : i32
        %mul3A_232 = arith.muli %select_n3A_214, %mul3A_231 : i32
        %add3A_233 = arith.addi %mul3A_232, %mul3A_5 : i32
        %mul3A_234 = arith.constant 602112 : i32
        %mul3A_235 = arith.muli %select_n3A_230, %mul3A_234 : i32
        %add3A_236 = arith.addi %add3A_233, %mul3A_235 : i32
        %dma_start3A = tpu.memref_slice %arg2[%add3A_236] : memref<77070336xf32, #tpu.memory_space<hbm>> -> memref<602112xf32, #tpu.memory_space<hbm>>
        tpu.enqueue_dma source(%dma_start3A : memref<602112xf32, #tpu.memory_space<hbm>>) target(%arg6 : memref<602112xf32, #tpu.memory_space<vmem_shared>>) target_semaphore(%arg11 : memref<!tpu.dma_semaphore, #tpu.memory_space<semaphore_mem>>)
      } else {
      }
      %jit3A_140 = arith.constant 4 : i32
      %eq3A_141 = arith.constant 0 : i32
      %eq3A_142 = arith.cmpi eq, %jit3A_140, %eq3A_141 : i32
      %jit3A_143 = arith.constant 1 : i32
      %select_n3A_144 = arith.select %eq3A_142, %jit3A_143, %jit3A_140 : i32
      %rem3A_145 = arith.remsi %add3A_104, %select_n3A_144 : i32
      %ne3A_146 = arith.constant 0 : i32
      %ne3A_147 = arith.cmpi ne, %rem3A_145, %ne3A_146 : i32
      %lt3A_148 = arith.constant 0 : i32
      %lt3A_149 = arith.cmpi slt, %rem3A_145, %lt3A_148 : i32
      %lt3A_150 = arith.constant 0 : i32
      %lt3A_151 = arith.cmpi slt, %select_n3A_144, %lt3A_150 : i32
      %ne3A_152 = arith.xori %lt3A_149, %lt3A_151 : i1
      %and3A_153 = arith.andi %ne3A_152, %ne3A_147 : i1
      %add3A_154 = arith.addi %rem3A_145, %select_n3A_144 : i32
      %select_n3A_155 = arith.select %and3A_153, %add3A_154, %rem3A_145 : i32
      %mul3A_156 = arith.constant 602112 : i32
      %mul3A_157 = arith.muli %select_n3A_155, %mul3A_156 : i32
      %add3A_158 = arith.addi %mul3A_5, %mul3A_157 : i32
      %mul3A_159 = arith.constant 37632 : i32
      %mul3A_160 = arith.muli %arg1, %mul3A_159 : i32
      %add3A_161 = arith.addi %add3A_158, %mul3A_160 : i32
      %scan3A_162 = arith.constant 0 : i32
      %scan3A_163 = arith.constant 0 : i32
      %scan3A_164 = arith.constant 98 : i32
      %scan3A_165 = arith.addi %scan3A_163, %scan3A_164 : i32
      %scan3A_166 = arith.constant 1 : i32
      %scan3A_167 = scf.for %scan3A_191 = %scan3A_163 to %scan3A_165 step %scan3A_166 iter_args(%scan3A_192 = %scan3A_162) -> (i32)  : i32 {
        %mul3A_193 = arith.constant 384 : i32
        %mul3A_194 = arith.muli %scan3A_191, %mul3A_193 : i32
        %add3A_195 = arith.constant 0 : i32
        %add3A_196 = arith.addi %mul3A_194, %add3A_195 : i32
        %get3A = arith.index_cast %add3A_196 : i32 to index
        %get3A_197 = tpu.vector_load %arg7[%get3A] {strides = array<i32>} : memref<37632xf32, #tpu.memory_space<vmem>>, vector<16xf32>,
        %add3A_198 = arith.constant 16 : i32
        %add3A_199 = arith.addi %mul3A_194, %add3A_198 : i32
        %get3A_200 = arith.index_cast %add3A_199 : i32 to index
        %get3A_201 = tpu.vector_load %arg7[%get3A_200] {strides = array<i32>} : memref<37632xf32, #tpu.memory_space<vmem>>, vector<16xf32>,
        %add3A_202 = arith.constant 32 : i32
        %add3A_203 = arith.addi %mul3A_194, %add3A_202 : i32
        %get3A_204 = arith.index_cast %add3A_203 : i32 to index
        %get3A_205 = tpu.vector_load %arg7[%get3A_204] {strides = array<i32>} : memref<37632xf32, #tpu.memory_space<vmem>>, vector<16xf32>,
        %add3A_206 = arith.constant 48 : i32
        %add3A_207 = arith.addi %mul3A_194, %add3A_206 : i32
        %get3A_208 = arith.index_cast %add3A_207 : i32 to index
        %get3A_209 = tpu.vector_load %arg7[%get3A_208] {strides = array<i32>} : memref<37632xf32, #tpu.memory_space<vmem>>, vector<16xf32>,
        %add3A_210 = arith.constant 64 : i32
        %add3A_211 = arith.addi %mul3A_194, %add3A_210 : i32
        %get3A_212 = arith.index_cast %add3A_211 : i32 to index
        %get3A_213 = tpu.vector_load %arg7[%get3A_212] {strides = array<i32>} : memref<37632xf32, #tpu.memory_space<vmem>>, vector<16xf32>,
        %add3A_214 = arith.constant 80 : i32
        %add3A_215 = arith.addi %mul3A_194, %add3A_214 : i32
        %get3A_216 = arith.index_cast %add3A_215 : i32 to index
        %get3A_217 = tpu.vector_load %arg7[%get3A_216] {strides = array<i32>} : memref<37632xf32, #tpu.memory_space<vmem>>, vector<16xf32>,
        %add3A_218 = arith.constant 96 : i32
        %add3A_219 = arith.addi %mul3A_194, %add3A_218 : i32
        %get3A_220 = arith.index_cast %add3A_219 : i32 to index
        %get3A_221 = tpu.vector_load %arg7[%get3A_220] {strides = array<i32>} : memref<37632xf32, #tpu.memory_space<vmem>>, vector<16xf32>,
        %add3A_222 = arith.constant 112 : i32
        %add3A_223 = arith.addi %mul3A_194, %add3A_222 : i32
        %get3A_224 = arith.index_cast %add3A_223 : i32 to index
        %get3A_225 = tpu.vector_load %arg7[%get3A_224] {strides = array<i32>} : memref<37632xf32, #tpu.memory_space<vmem>>, vector<16xf32>,
        %add3A_226 = arith.constant 128 : i32
        %add3A_227 = arith.addi %mul3A_194, %add3A_226 : i32
        %get3A_228 = arith.index_cast %add3A_227 : i32 to index
        %get3A_229 = tpu.vector_load %arg7[%get3A_228] {strides = array<i32>} : memref<37632xf32, #tpu.memory_space<vmem>>, vector<16xf32>,
        %add3A_230 = arith.constant 144 : i32
        %add3A_231 = arith.addi %mul3A_194, %add3A_230 : i32
        %get3A_232 = arith.index_cast %add3A_231 : i32 to index
        %get3A_233 = tpu.vector_load %arg7[%get3A_232] {strides = array<i32>} : memref<37632xf32, #tpu.memory_space<vmem>>, vector<16xf32>,
        %add3A_234 = arith.constant 160 : i32
        %add3A_235 = arith.addi %mul3A_194, %add3A_234 : i32
        %get3A_236 = arith.index_cast %add3A_235 : i32 to index
        %get3A_237 = tpu.vector_load %arg7[%get3A_236] {strides = array<i32>} : memref<37632xf32, #tpu.memory_space<vmem>>, vector<16xf32>,
        %add3A_238 = arith.constant 176 : i32
        %add3A_239 = arith.addi %mul3A_194, %add3A_238 : i32
        %get3A_240 = arith.index_cast %add3A_239 : i32 to index
        %get3A_241 = tpu.vector_load %arg7[%get3A_240] {strides = array<i32>} : memref<37632xf32, #tpu.memory_space<vmem>>, vector<16xf32>,
        %add3A_242 = arith.constant 192 : i32
        %add3A_243 = arith.addi %mul3A_194, %add3A_242 : i32
        %get3A_244 = arith.index_cast %add3A_243 : i32 to index
        %get3A_245 = tpu.vector_load %arg7[%get3A_244] {strides = array<i32>} : memref<37632xf32, #tpu.memory_space<vmem>>, vector<16xf32>,
        %add3A_246 = arith.constant 208 : i32
        %add3A_247 = arith.addi %mul3A_194, %add3A_246 : i32
        %get3A_248 = arith.index_cast %add3A_247 : i32 to index
        %get3A_249 = tpu.vector_load %arg7[%get3A_248] {strides = array<i32>} : memref<37632xf32, #tpu.memory_space<vmem>>, vector<16xf32>,
        %add3A_250 = arith.constant 224 : i32
        %add3A_251 = arith.addi %mul3A_194, %add3A_250 : i32
        %get3A_252 = arith.index_cast %add3A_251 : i32 to index
        %get3A_253 = tpu.vector_load %arg7[%get3A_252] {strides = array<i32>} : memref<37632xf32, #tpu.memory_space<vmem>>, vector<16xf32>,
        %add3A_254 = arith.constant 240 : i32
        %add3A_255 = arith.addi %mul3A_194, %add3A_254 : i32
        %get3A_256 = arith.index_cast %add3A_255 : i32 to index
        %get3A_257 = tpu.vector_load %arg7[%get3A_256] {strides = array<i32>} : memref<37632xf32, #tpu.memory_space<vmem>>, vector<16xf32>,
        %add3A_258 = arith.constant 256 : i32
        %add3A_259 = arith.addi %mul3A_194, %add3A_258 : i32
        %get3A_260 = arith.index_cast %add3A_259 : i32 to index
        %get3A_261 = tpu.vector_load %arg7[%get3A_260] {strides = array<i32>} : memref<37632xf32, #tpu.memory_space<vmem>>, vector<16xf32>,
        %add3A_262 = arith.constant 272 : i32
        %add3A_263 = arith.addi %mul3A_194, %add3A_262 : i32
        %get3A_264 = arith.index_cast %add3A_263 : i32 to index
        %get3A_265 = tpu.vector_load %arg7[%get3A_264] {strides = array<i32>} : memref<37632xf32, #tpu.memory_space<vmem>>, vector<16xf32>,
        %add3A_266 = arith.constant 288 : i32
        %add3A_267 = arith.addi %mul3A_194, %add3A_266 : i32
        %get3A_268 = arith.index_cast %add3A_267 : i32 to index
        %get3A_269 = tpu.vector_load %arg7[%get3A_268] {strides = array<i32>} : memref<37632xf32, #tpu.memory_space<vmem>>, vector<16xf32>,
        %add3A_270 = arith.constant 304 : i32
        %add3A_271 = arith.addi %mul3A_194, %add3A_270 : i32
        %get3A_272 = arith.index_cast %add3A_271 : i32 to index
        %get3A_273 = tpu.vector_load %arg7[%get3A_272] {strides = array<i32>} : memref<37632xf32, #tpu.memory_space<vmem>>, vector<16xf32>,
        %add3A_274 = arith.constant 320 : i32
        %add3A_275 = arith.addi %mul3A_194, %add3A_274 : i32
        %get3A_276 = arith.index_cast %add3A_275 : i32 to index
        %get3A_277 = tpu.vector_load %arg7[%get3A_276] {strides = array<i32>} : memref<37632xf32, #tpu.memory_space<vmem>>, vector<16xf32>,
        %add3A_278 = arith.constant 336 : i32
        %add3A_279 = arith.addi %mul3A_194, %add3A_278 : i32
        %get3A_280 = arith.index_cast %add3A_279 : i32 to index
        %get3A_281 = tpu.vector_load %arg7[%get3A_280] {strides = array<i32>} : memref<37632xf32, #tpu.memory_space<vmem>>, vector<16xf32>,
        %add3A_282 = arith.constant 352 : i32
        %add3A_283 = arith.addi %mul3A_194, %add3A_282 : i32
        %get3A_284 = arith.index_cast %add3A_283 : i32 to index
        %get3A_285 = tpu.vector_load %arg7[%get3A_284] {strides = array<i32>} : memref<37632xf32, #tpu.memory_space<vmem>>, vector<16xf32>,
        %add3A_286 = arith.constant 368 : i32
        %add3A_287 = arith.addi %mul3A_194, %add3A_286 : i32
        %get3A_288 = arith.index_cast %add3A_287 : i32 to index
        %get3A_289 = tpu.vector_load %arg7[%get3A_288] {strides = array<i32>} : memref<37632xf32, #tpu.memory_space<vmem>>, vector<16xf32>,
        %max3A = arith.maximumf %get3A_197, %get3A_201 : vector<16xf32>
        %max3A_290 = arith.maximumf %max3A, %get3A_205 : vector<16xf32>
        %max3A_291 = arith.maximumf %max3A_290, %get3A_209 : vector<16xf32>
        %max3A_292 = arith.maximumf %max3A_291, %get3A_213 : vector<16xf32>
        %max3A_293 = arith.maximumf %max3A_292, %get3A_217 : vector<16xf32>
        %max3A_294 = arith.maximumf %max3A_293, %get3A_221 : vector<16xf32>
        %max3A_295 = arith.maximumf %max3A_294, %get3A_225 : vector<16xf32>
        %max3A_296 = arith.maximumf %max3A_295, %get3A_229 : vector<16xf32>
        %max3A_297 = arith.maximumf %max3A_296, %get3A_233 : vector<16xf32>
        %max3A_298 = arith.maximumf %max3A_297, %get3A_237 : vector<16xf32>
        %max3A_299 = arith.maximumf %max3A_298, %get3A_241 : vector<16xf32>
        %max3A_300 = arith.maximumf %max3A_299, %get3A_245 : vector<16xf32>
        %max3A_301 = arith.maximumf %max3A_300, %get3A_249 : vector<16xf32>
        %max3A_302 = arith.maximumf %max3A_301, %get3A_253 : vector<16xf32>
        %max3A_303 = arith.maximumf %max3A_302, %get3A_257 : vector<16xf32>
        %max3A_304 = arith.maximumf %max3A_303, %get3A_261 : vector<16xf32>
        %max3A_305 = arith.maximumf %max3A_304, %get3A_265 : vector<16xf32>
        %max3A_306 = arith.maximumf %max3A_305, %get3A_269 : vector<16xf32>
        %max3A_307 = arith.maximumf %max3A_306, %get3A_273 : vector<16xf32>
        %max3A_308 = arith.maximumf %max3A_307, %get3A_277 : vector<16xf32>
        %max3A_309 = arith.maximumf %max3A_308, %get3A_281 : vector<16xf32>
        %max3A_310 = arith.maximumf %max3A_309, %get3A_285 : vector<16xf32>
        %max3A_311 = arith.maximumf %max3A_310, %get3A_289 : vector<16xf32>
        %get3A_312 = arith.constant 48 : index
        %get3A_313 = tpu.vector_load %arg8[%get3A_312] {strides = array<i32>} : memref<64xf32, #tpu.memory_space<vmem>>, vector<16xf32>,
        %gt3A = arith.cmpf ogt, %max3A_311, %get3A_313 : vector<16xf32>
        %all_reduce_population_count3A = tpu.all_reduce %gt3A {dim = 0 : i64, kind = #tpu.reduction_kind<sum>} : vector<16xi1> -> vector<16xi32>
        %slice3A = vector.extract_strided_slice %all_reduce_population_count3A {offsets = [0], sizes = [1], strides = [1]} : vector<16xi32> to vector<1xi32>
        %squeeze3A = vector.extract %slice3A[0] : i32 from vector<1xi32>
        %gt3A_314 = arith.constant 0 : i32
        %gt3A_315 = arith.cmpi sgt, %squeeze3A, %gt3A_314 : i32
        %convert_element_type3A_316 = arith.extui %gt3A_315 : i1 to i32
        %cond3A_317 = arith.constant 0 : i32
        %cond3A_318 = arith.cmpi ne, %convert_element_type3A_316, %cond3A_317 : i32
        scf.if %cond3A_318 {
          %get3A_320 = arith.constant 0 : index
          %get3A_321 = tpu.vector_load %arg8[%get3A_320] {strides = array<i32>} : memref<64xf32, #tpu.memory_space<vmem>>, vector<16xf32>,
          %get3A_322 = arith.constant 16 : index
          %get3A_323 = tpu.vector_load %arg8[%get3A_322] {strides = array<i32>} : memref<64xf32, #tpu.memory_space<vmem>>, vector<16xf32>,
          %get3A_324 = arith.constant 32 : index
          %get3A_325 = tpu.vector_load %arg8[%get3A_324] {strides = array<i32>} : memref<64xf32, #tpu.memory_space<vmem>>, vector<16xf32>,
          %get3A_326 = arith.constant 48 : index
          %get3A_327 = tpu.vector_load %arg8[%get3A_326] {strides = array<i32>} : memref<64xf32, #tpu.memory_space<vmem>>, vector<16xf32>,
          %get3A_328 = arith.constant 0 : index
          %get3A_329 = tpu.vector_load %arg9[%get3A_328] {strides = array<i32>} : memref<64xi32, #tpu.memory_space<vmem>>, vector<16xi32>,
          %get3A_330 = arith.constant 16 : index
          %get3A_331 = tpu.vector_load %arg9[%get3A_330] {strides = array<i32>} : memref<64xi32, #tpu.memory_space<vmem>>, vector<16xi32>,
          %get3A_332 = arith.constant 32 : index
          %get3A_333 = tpu.vector_load %arg9[%get3A_332] {strides = array<i32>} : memref<64xi32, #tpu.memory_space<vmem>>, vector<16xi32>,
          %get3A_334 = arith.constant 48 : index
          %get3A_335 = tpu.vector_load %arg9[%get3A_334] {strides = array<i32>} : memref<64xi32, #tpu.memory_space<vmem>>, vector<16xi32>,
          %add3A_336 = arith.addi %add3A_161, %mul3A_194 : i32
          %add3A_337 = arith.constant 0 : i32
          %add3A_338 = arith.addi %add3A_336, %add3A_337 : i32
          %add3A_339 = vector.broadcast %add3A_338 : i32 to vector<16xi32>
          %add3A_340 = arith.addi %iota3A, %add3A_339 : vector<16xi32>
          %gt3A_341 = arith.cmpf ogt, %get3A_197, %get3A_321 : vector<16xf32>
          %select_n3A_342 = arith.select %gt3A_341, %get3A_197, %get3A_321 : vector<16xi1>, vector<16xf32>
          %select_n3A_343 = arith.select %gt3A_341, %add3A_340, %get3A_329 : vector<16xi1>, vector<16xi32>
          %select_n3A_344 = arith.select %gt3A_341, %get3A_321, %get3A_197 : vector<16xi1>, vector<16xf32>
          %select_n3A_345 = arith.select %gt3A_341, %get3A_329, %add3A_340 : vector<16xi1>, vector<16xi32>
          %gt3A_346 = arith.cmpf ogt, %select_n3A_344, %get3A_323 : vector<16xf32>
          %select_n3A_347 = arith.select %gt3A_346, %select_n3A_344, %get3A_323 : vector<16xi1>, vector<16xf32>
          %select_n3A_348 = arith.select %gt3A_346, %select_n3A_345, %get3A_331 : vector<16xi1>, vector<16xi32>
          %select_n3A_349 = arith.select %gt3A_346, %get3A_323, %select_n3A_344 : vector<16xi1>, vector<16xf32>
          %select_n3A_350 = arith.select %gt3A_346, %get3A_331, %select_n3A_345 : vector<16xi1>, vector<16xi32>
          %gt3A_351 = arith.cmpf ogt, %select_n3A_349, %get3A_325 : vector<16xf32>
          %select_n3A_352 = arith.select %gt3A_351, %select_n3A_349, %get3A_325 : vector<16xi1>, vector<16xf32>
          %select_n3A_353 = arith.select %gt3A_351, %select_n3A_350, %get3A_333 : vector<16xi1>, vector<16xi32>
          %select_n3A_354 = arith.select %gt3A_351, %get3A_325, %select_n3A_349 : vector<16xi1>, vector<16xf32>
          %select_n3A_355 = arith.select %gt3A_351, %get3A_333, %select_n3A_350 : vector<16xi1>, vector<16xi32>
          %gt3A_356 = arith.cmpf ogt, %select_n3A_354, %get3A_327 : vector<16xf32>
          %select_n3A_357 = arith.select %gt3A_356, %select_n3A_354, %get3A_327 : vector<16xi1>, vector<16xf32>
          %select_n3A_358 = arith.select %gt3A_356, %select_n3A_355, %get3A_335 : vector<16xi1>, vector<16xi32>
          %add3A_359 = arith.addi %add3A_161, %mul3A_194 : i32
          %add3A_360 = arith.constant 16 : i32
          %add3A_361 = arith.addi %add3A_359, %add3A_360 : i32
          %add3A_362 = vector.broadcast %add3A_361 : i32 to vector<16xi32>
          %add3A_363 = arith.addi %iota3A, %add3A_362 : vector<16xi32>
          %gt3A_364 = arith.cmpf ogt, %get3A_201, %select_n3A_342 : vector<16xf32>
          %select_n3A_365 = arith.select %gt3A_364, %get3A_201, %select_n3A_342 : vector<16xi1>, vector<16xf32>
          %select_n3A_366 = arith.select %gt3A_364, %add3A_363, %select_n3A_343 : vector<16xi1>, vector<16xi32>
          %select_n3A_367 = arith.select %gt3A_364, %select_n3A_342, %get3A_201 : vector<16xi1>, vector<16xf32>
          %select_n3A_368 = arith.select %gt3A_364, %select_n3A_343, %add3A_363 : vector<16xi1>, vector<16xi32>
          %gt3A_369 = arith.cmpf ogt, %select_n3A_367, %select_n3A_347 : vector<16xf32>
          %select_n3A_370 = arith.select %gt3A_369, %select_n3A_367, %select_n3A_347 : vector<16xi1>, vector<16xf32>
          %select_n3A_371 = arith.select %gt3A_369, %select_n3A_368, %select_n3A_348 : vector<16xi1>, vector<16xi32>
          %select_n3A_372 = arith.select %gt3A_369, %select_n3A_347, %select_n3A_367 : vector<16xi1>, vector<16xf32>
          %select_n3A_373 = arith.select %gt3A_369, %select_n3A_348, %select_n3A_368 : vector<16xi1>, vector<16xi32>
          %gt3A_374 = arith.cmpf ogt, %select_n3A_372, %select_n3A_352 : vector<16xf32>
          %select_n3A_375 = arith.select %gt3A_374, %select_n3A_372, %select_n3A_352 : vector<16xi1>, vector<16xf32>
          %select_n3A_376 = arith.select %gt3A_374, %select_n3A_373, %select_n3A_353 : vector<16xi1>, vector<16xi32>
          %select_n3A_377 = arith.select %gt3A_374, %select_n3A_352, %select_n3A_372 : vector<16xi1>, vector<16xf32>
          %select_n3A_378 = arith.select %gt3A_374, %select_n3A_353, %select_n3A_373 : vector<16xi1>, vector<16xi32>
          %gt3A_379 = arith.cmpf ogt, %select_n3A_377, %select_n3A_357 : vector<16xf32>
          %select_n3A_380 = arith.select %gt3A_379, %select_n3A_377, %select_n3A_357 : vector<16xi1>, vector<16xf32>
          %select_n3A_381 = arith.select %gt3A_379, %select_n3A_378, %select_n3A_358 : vector<16xi1>, vector<16xi32>
          %add3A_382 = arith.addi %add3A_161, %mul3A_194 : i32
          %add3A_383 = arith.constant 32 : i32
          %add3A_384 = arith.addi %add3A_382, %add3A_383 : i32
          %add3A_385 = vector.broadcast %add3A_384 : i32 to vector<16xi32>
          %add3A_386 = arith.addi %iota3A, %add3A_385 : vector<16xi32>
          %gt3A_387 = arith.cmpf ogt, %get3A_205, %select_n3A_365 : vector<16xf32>
          %select_n3A_388 = arith.select %gt3A_387, %get3A_205, %select_n3A_365 : vector<16xi1>, vector<16xf32>
          %select_n3A_389 = arith.select %gt3A_387, %add3A_386, %select_n3A_366 : vector<16xi1>, vector<16xi32>
          %select_n3A_390 = arith.select %gt3A_387, %select_n3A_365, %get3A_205 : vector<16xi1>, vector<16xf32>
          %select_n3A_391 = arith.select %gt3A_387, %select_n3A_366, %add3A_386 : vector<16xi1>, vector<16xi32>
          %gt3A_392 = arith.cmpf ogt, %select_n3A_390, %select_n3A_370 : vector<16xf32>
          %select_n3A_393 = arith.select %gt3A_392, %select_n3A_390, %select_n3A_370 : vector<16xi1>, vector<16xf32>
          %select_n3A_394 = arith.select %gt3A_392, %select_n3A_391, %select_n3A_371 : vector<16xi1>, vector<16xi32>
          %select_n3A_395 = arith.select %gt3A_392, %select_n3A_370, %select_n3A_390 : vector<16xi1>, vector<16xf32>
          %select_n3A_396 = arith.select %gt3A_392, %select_n3A_371, %select_n3A_391 : vector<16xi1>, vector<16xi32>
          %gt3A_397 = arith.cmpf ogt, %select_n3A_395, %select_n3A_375 : vector<16xf32>
          %select_n3A_398 = arith.select %gt3A_397, %select_n3A_395, %select_n3A_375 : vector<16xi1>, vector<16xf32>
          %select_n3A_399 = arith.select %gt3A_397, %select_n3A_396, %select_n3A_376 : vector<16xi1>, vector<16xi32>
          %select_n3A_400 = arith.select %gt3A_397, %select_n3A_375, %select_n3A_395 : vector<16xi1>, vector<16xf32>
          %select_n3A_401 = arith.select %gt3A_397, %select_n3A_376, %select_n3A_396 : vector<16xi1>, vector<16xi32>
          %gt3A_402 = arith.cmpf ogt, %select_n3A_400, %select_n3A_380 : vector<16xf32>
          %select_n3A_403 = arith.select %gt3A_402, %select_n3A_400, %select_n3A_380 : vector<16xi1>, vector<16xf32>
          %select_n3A_404 = arith.select %gt3A_402, %select_n3A_401, %select_n3A_381 : vector<16xi1>, vector<16xi32>
          %add3A_405 = arith.addi %add3A_161, %mul3A_194 : i32
          %add3A_406 = arith.constant 48 : i32
          %add3A_407 = arith.addi %add3A_405, %add3A_406 : i32
          %add3A_408 = vector.broadcast %add3A_407 : i32 to vector<16xi32>
          %add3A_409 = arith.addi %iota3A, %add3A_408 : vector<16xi32>
          %gt3A_410 = arith.cmpf ogt, %get3A_209, %select_n3A_388 : vector<16xf32>
          %select_n3A_411 = arith.select %gt3A_410, %get3A_209, %select_n3A_388 : vector<16xi1>, vector<16xf32>
          %select_n3A_412 = arith.select %gt3A_410, %add3A_409, %select_n3A_389 : vector<16xi1>, vector<16xi32>
          %select_n3A_413 = arith.select %gt3A_410, %select_n3A_388, %get3A_209 : vector<16xi1>, vector<16xf32>
          %select_n3A_414 = arith.select %gt3A_410, %select_n3A_389, %add3A_409 : vector<16xi1>, vector<16xi32>
          %gt3A_415 = arith.cmpf ogt, %select_n3A_413, %select_n3A_393 : vector<16xf32>
          %select_n3A_416 = arith.select %gt3A_415, %select_n3A_413, %select_n3A_393 : vector<16xi1>, vector<16xf32>
          %select_n3A_417 = arith.select %gt3A_415, %select_n3A_414, %select_n3A_394 : vector<16xi1>, vector<16xi32>
          %select_n3A_418 = arith.select %gt3A_415, %select_n3A_393, %select_n3A_413 : vector<16xi1>, vector<16xf32>
          %select_n3A_419 = arith.select %gt3A_415, %select_n3A_394, %select_n3A_414 : vector<16xi1>, vector<16xi32>
          %gt3A_420 = arith.cmpf ogt, %select_n3A_418, %select_n3A_398 : vector<16xf32>
          %select_n3A_421 = arith.select %gt3A_420, %select_n3A_418, %select_n3A_398 : vector<16xi1>, vector<16xf32>
          %select_n3A_422 = arith.select %gt3A_420, %select_n3A_419, %select_n3A_399 : vector<16xi1>, vector<16xi32>
          %select_n3A_423 = arith.select %gt3A_420, %select_n3A_398, %select_n3A_418 : vector<16xi1>, vector<16xf32>
          %select_n3A_424 = arith.select %gt3A_420, %select_n3A_399, %select_n3A_419 : vector<16xi1>, vector<16xi32>
          %gt3A_425 = arith.cmpf ogt, %select_n3A_423, %select_n3A_403 : vector<16xf32>
          %select_n3A_426 = arith.select %gt3A_425, %select_n3A_423, %select_n3A_403 : vector<16xi1>, vector<16xf32>
          %select_n3A_427 = arith.select %gt3A_425, %select_n3A_424, %select_n3A_404 : vector<16xi1>, vector<16xi32>
          %add3A_428 = arith.addi %add3A_161, %mul3A_194 : i32
          %add3A_429 = arith.constant 64 : i32
          %add3A_430 = arith.addi %add3A_428, %add3A_429 : i32
          %add3A_431 = vector.broadcast %add3A_430 : i32 to vector<16xi32>
          %add3A_432 = arith.addi %iota3A, %add3A_431 : vector<16xi32>
          %gt3A_433 = arith.cmpf ogt, %get3A_213, %select_n3A_411 : vector<16xf32>
          %select_n3A_434 = arith.select %gt3A_433, %get3A_213, %select_n3A_411 : vector<16xi1>, vector<16xf32>
          %select_n3A_435 = arith.select %gt3A_433, %add3A_432, %select_n3A_412 : vector<16xi1>, vector<16xi32>
          %select_n3A_436 = arith.select %gt3A_433, %select_n3A_411, %get3A_213 : vector<16xi1>, vector<16xf32>
          %select_n3A_437 = arith.select %gt3A_433, %select_n3A_412, %add3A_432 : vector<16xi1>, vector<16xi32>
          %gt3A_438 = arith.cmpf ogt, %select_n3A_436, %select_n3A_416 : vector<16xf32>
          %select_n3A_439 = arith.select %gt3A_438, %select_n3A_436, %select_n3A_416 : vector<16xi1>, vector<16xf32>
          %select_n3A_440 = arith.select %gt3A_438, %select_n3A_437, %select_n3A_417 : vector<16xi1>, vector<16xi32>
          %select_n3A_441 = arith.select %gt3A_438, %select_n3A_416, %select_n3A_436 : vector<16xi1>, vector<16xf32>
          %select_n3A_442 = arith.select %gt3A_438, %select_n3A_417, %select_n3A_437 : vector<16xi1>, vector<16xi32>
          %gt3A_443 = arith.cmpf ogt, %select_n3A_441, %select_n3A_421 : vector<16xf32>
          %select_n3A_444 = arith.select %gt3A_443, %select_n3A_441, %select_n3A_421 : vector<16xi1>, vector<16xf32>
          %select_n3A_445 = arith.select %gt3A_443, %select_n3A_442, %select_n3A_422 : vector<16xi1>, vector<16xi32>
          %select_n3A_446 = arith.select %gt3A_443, %select_n3A_421, %select_n3A_441 : vector<16xi1>, vector<16xf32>
          %select_n3A_447 = arith.select %gt3A_443, %select_n3A_422, %select_n3A_442 : vector<16xi1>, vector<16xi32>
          %gt3A_448 = arith.cmpf ogt, %select_n3A_446, %select_n3A_426 : vector<16xf32>
          %select_n3A_449 = arith.select %gt3A_448, %select_n3A_446, %select_n3A_426 : vector<16xi1>, vector<16xf32>
          %select_n3A_450 = arith.select %gt3A_448, %select_n3A_447, %select_n3A_427 : vector<16xi1>, vector<16xi32>
          %add3A_451 = arith.addi %add3A_161, %mul3A_194 : i32
          %add3A_452 = arith.constant 80 : i32
          %add3A_453 = arith.addi %add3A_451, %add3A_452 : i32
          %add3A_454 = vector.broadcast %add3A_453 : i32 to vector<16xi32>
          %add3A_455 = arith.addi %iota3A, %add3A_454 : vector<16xi32>
          %gt3A_456 = arith.cmpf ogt, %get3A_217, %select_n3A_434 : vector<16xf32>
          %select_n3A_457 = arith.select %gt3A_456, %get3A_217, %select_n3A_434 : vector<16xi1>, vector<16xf32>
          %select_n3A_458 = arith.select %gt3A_456, %add3A_455, %select_n3A_435 : vector<16xi1>, vector<16xi32>
          %select_n3A_459 = arith.select %gt3A_456, %select_n3A_434, %get3A_217 : vector<16xi1>, vector<16xf32>
          %select_n3A_460 = arith.select %gt3A_456, %select_n3A_435, %add3A_455 : vector<16xi1>, vector<16xi32>
          %gt3A_461 = arith.cmpf ogt, %select_n3A_459, %select_n3A_439 : vector<16xf32>
          %select_n3A_462 = arith.select %gt3A_461, %select_n3A_459, %select_n3A_439 : vector<16xi1>, vector<16xf32>
          %select_n3A_463 = arith.select %gt3A_461, %select_n3A_460, %select_n3A_440 : vector<16xi1>, vector<16xi32>
          %select_n3A_464 = arith.select %gt3A_461, %select_n3A_439, %select_n3A_459 : vector<16xi1>, vector<16xf32>
          %select_n3A_465 = arith.select %gt3A_461, %select_n3A_440, %select_n3A_460 : vector<16xi1>, vector<16xi32>
          %gt3A_466 = arith.cmpf ogt, %select_n3A_464, %select_n3A_444 : vector<16xf32>
          %select_n3A_467 = arith.select %gt3A_466, %select_n3A_464, %select_n3A_444 : vector<16xi1>, vector<16xf32>
          %select_n3A_468 = arith.select %gt3A_466, %select_n3A_465, %select_n3A_445 : vector<16xi1>, vector<16xi32>
          %select_n3A_469 = arith.select %gt3A_466, %select_n3A_444, %select_n3A_464 : vector<16xi1>, vector<16xf32>
          %select_n3A_470 = arith.select %gt3A_466, %select_n3A_445, %select_n3A_465 : vector<16xi1>, vector<16xi32>
          %gt3A_471 = arith.cmpf ogt, %select_n3A_469, %select_n3A_449 : vector<16xf32>
          %select_n3A_472 = arith.select %gt3A_471, %select_n3A_469, %select_n3A_449 : vector<16xi1>, vector<16xf32>
          %select_n3A_473 = arith.select %gt3A_471, %select_n3A_470, %select_n3A_450 : vector<16xi1>, vector<16xi32>
          %add3A_474 = arith.addi %add3A_161, %mul3A_194 : i32
          %add3A_475 = arith.constant 96 : i32
          %add3A_476 = arith.addi %add3A_474, %add3A_475 : i32
          %add3A_477 = vector.broadcast %add3A_476 : i32 to vector<16xi32>
          %add3A_478 = arith.addi %iota3A, %add3A_477 : vector<16xi32>
          %gt3A_479 = arith.cmpf ogt, %get3A_221, %select_n3A_457 : vector<16xf32>
          %select_n3A_480 = arith.select %gt3A_479, %get3A_221, %select_n3A_457 : vector<16xi1>, vector<16xf32>
          %select_n3A_481 = arith.select %gt3A_479, %add3A_478, %select_n3A_458 : vector<16xi1>, vector<16xi32>
          %select_n3A_482 = arith.select %gt3A_479, %select_n3A_457, %get3A_221 : vector<16xi1>, vector<16xf32>
          %select_n3A_483 = arith.select %gt3A_479, %select_n3A_458, %add3A_478 : vector<16xi1>, vector<16xi32>
          %gt3A_484 = arith.cmpf ogt, %select_n3A_482, %select_n3A_462 : vector<16xf32>
          %select_n3A_485 = arith.select %gt3A_484, %select_n3A_482, %select_n3A_462 : vector<16xi1>, vector<16xf32>
          %select_n3A_486 = arith.select %gt3A_484, %select_n3A_483, %select_n3A_463 : vector<16xi1>, vector<16xi32>
          %select_n3A_487 = arith.select %gt3A_484, %select_n3A_462, %select_n3A_482 : vector<16xi1>, vector<16xf32>
          %select_n3A_488 = arith.select %gt3A_484, %select_n3A_463, %select_n3A_483 : vector<16xi1>, vector<16xi32>
          %gt3A_489 = arith.cmpf ogt, %select_n3A_487, %select_n3A_467 : vector<16xf32>
          %select_n3A_490 = arith.select %gt3A_489, %select_n3A_487, %select_n3A_467 : vector<16xi1>, vector<16xf32>
          %select_n3A_491 = arith.select %gt3A_489, %select_n3A_488, %select_n3A_468 : vector<16xi1>, vector<16xi32>
          %select_n3A_492 = arith.select %gt3A_489, %select_n3A_467, %select_n3A_487 : vector<16xi1>, vector<16xf32>
          %select_n3A_493 = arith.select %gt3A_489, %select_n3A_468, %select_n3A_488 : vector<16xi1>, vector<16xi32>
          %gt3A_494 = arith.cmpf ogt, %select_n3A_492, %select_n3A_472 : vector<16xf32>
          %select_n3A_495 = arith.select %gt3A_494, %select_n3A_492, %select_n3A_472 : vector<16xi1>, vector<16xf32>
          %select_n3A_496 = arith.select %gt3A_494, %select_n3A_493, %select_n3A_473 : vector<16xi1>, vector<16xi32>
          %add3A_497 = arith.addi %add3A_161, %mul3A_194 : i32
          %add3A_498 = arith.constant 112 : i32
          %add3A_499 = arith.addi %add3A_497, %add3A_498 : i32
          %add3A_500 = vector.broadcast %add3A_499 : i32 to vector<16xi32>
          %add3A_501 = arith.addi %iota3A, %add3A_500 : vector<16xi32>
          %gt3A_502 = arith.cmpf ogt, %get3A_225, %select_n3A_480 : vector<16xf32>
          %select_n3A_503 = arith.select %gt3A_502, %get3A_225, %select_n3A_480 : vector<16xi1>, vector<16xf32>
          %select_n3A_504 = arith.select %gt3A_502, %add3A_501, %select_n3A_481 : vector<16xi1>, vector<16xi32>
          %select_n3A_505 = arith.select %gt3A_502, %select_n3A_480, %get3A_225 : vector<16xi1>, vector<16xf32>
          %select_n3A_506 = arith.select %gt3A_502, %select_n3A_481, %add3A_501 : vector<16xi1>, vector<16xi32>
          %gt3A_507 = arith.cmpf ogt, %select_n3A_505, %select_n3A_485 : vector<16xf32>
          %select_n3A_508 = arith.select %gt3A_507, %select_n3A_505, %select_n3A_485 : vector<16xi1>, vector<16xf32>
          %select_n3A_509 = arith.select %gt3A_507, %select_n3A_506, %select_n3A_486 : vector<16xi1>, vector<16xi32>
          %select_n3A_510 = arith.select %gt3A_507, %select_n3A_485, %select_n3A_505 : vector<16xi1>, vector<16xf32>
          %select_n3A_511 = arith.select %gt3A_507, %select_n3A_486, %select_n3A_506 : vector<16xi1>, vector<16xi32>
          %gt3A_512 = arith.cmpf ogt, %select_n3A_510, %select_n3A_490 : vector<16xf32>
          %select_n3A_513 = arith.select %gt3A_512, %select_n3A_510, %select_n3A_490 : vector<16xi1>, vector<16xf32>
          %select_n3A_514 = arith.select %gt3A_512, %select_n3A_511, %select_n3A_491 : vector<16xi1>, vector<16xi32>
          %select_n3A_515 = arith.select %gt3A_512, %select_n3A_490, %select_n3A_510 : vector<16xi1>, vector<16xf32>
          %select_n3A_516 = arith.select %gt3A_512, %select_n3A_491, %select_n3A_511 : vector<16xi1>, vector<16xi32>
          %gt3A_517 = arith.cmpf ogt, %select_n3A_515, %select_n3A_495 : vector<16xf32>
          %select_n3A_518 = arith.select %gt3A_517, %select_n3A_515, %select_n3A_495 : vector<16xi1>, vector<16xf32>
          %select_n3A_519 = arith.select %gt3A_517, %select_n3A_516, %select_n3A_496 : vector<16xi1>, vector<16xi32>
          %add3A_520 = arith.addi %add3A_161, %mul3A_194 : i32
          %add3A_521 = arith.constant 128 : i32
          %add3A_522 = arith.addi %add3A_520, %add3A_521 : i32
          %add3A_523 = vector.broadcast %add3A_522 : i32 to vector<16xi32>
          %add3A_524 = arith.addi %iota3A, %add3A_523 : vector<16xi32>
          %gt3A_525 = arith.cmpf ogt, %get3A_229, %select_n3A_503 : vector<16xf32>
          %select_n3A_526 = arith.select %gt3A_525, %get3A_229, %select_n3A_503 : vector<16xi1>, vector<16xf32>
          %select_n3A_527 = arith.select %gt3A_525, %add3A_524, %select_n3A_504 : vector<16xi1>, vector<16xi32>
          %select_n3A_528 = arith.select %gt3A_525, %select_n3A_503, %get3A_229 : vector<16xi1>, vector<16xf32>
          %select_n3A_529 = arith.select %gt3A_525, %select_n3A_504, %add3A_524 : vector<16xi1>, vector<16xi32>
          %gt3A_530 = arith.cmpf ogt, %select_n3A_528, %select_n3A_508 : vector<16xf32>
          %select_n3A_531 = arith.select %gt3A_530, %select_n3A_528, %select_n3A_508 : vector<16xi1>, vector<16xf32>
          %select_n3A_532 = arith.select %gt3A_530, %select_n3A_529, %select_n3A_509 : vector<16xi1>, vector<16xi32>
          %select_n3A_533 = arith.select %gt3A_530, %select_n3A_508, %select_n3A_528 : vector<16xi1>, vector<16xf32>
          %select_n3A_534 = arith.select %gt3A_530, %select_n3A_509, %select_n3A_529 : vector<16xi1>, vector<16xi32>
          %gt3A_535 = arith.cmpf ogt, %select_n3A_533, %select_n3A_513 : vector<16xf32>
          %select_n3A_536 = arith.select %gt3A_535, %select_n3A_533, %select_n3A_513 : vector<16xi1>, vector<16xf32>
          %select_n3A_537 = arith.select %gt3A_535, %select_n3A_534, %select_n3A_514 : vector<16xi1>, vector<16xi32>
          %select_n3A_538 = arith.select %gt3A_535, %select_n3A_513, %select_n3A_533 : vector<16xi1>, vector<16xf32>
          %select_n3A_539 = arith.select %gt3A_535, %select_n3A_514, %select_n3A_534 : vector<16xi1>, vector<16xi32>
          %gt3A_540 = arith.cmpf ogt, %select_n3A_538, %select_n3A_518 : vector<16xf32>
          %select_n3A_541 = arith.select %gt3A_540, %select_n3A_538, %select_n3A_518 : vector<16xi1>, vector<16xf32>
          %select_n3A_542 = arith.select %gt3A_540, %select_n3A_539, %select_n3A_519 : vector<16xi1>, vector<16xi32>
          %add3A_543 = arith.addi %add3A_161, %mul3A_194 : i32
          %add3A_544 = arith.constant 144 : i32
          %add3A_545 = arith.addi %add3A_543, %add3A_544 : i32
          %add3A_546 = vector.broadcast %add3A_545 : i32 to vector<16xi32>
          %add3A_547 = arith.addi %iota3A, %add3A_546 : vector<16xi32>
          %gt3A_548 = arith.cmpf ogt, %get3A_233, %select_n3A_526 : vector<16xf32>
          %select_n3A_549 = arith.select %gt3A_548, %get3A_233, %select_n3A_526 : vector<16xi1>, vector<16xf32>
          %select_n3A_550 = arith.select %gt3A_548, %add3A_547, %select_n3A_527 : vector<16xi1>, vector<16xi32>
          %select_n3A_551 = arith.select %gt3A_548, %select_n3A_526, %get3A_233 : vector<16xi1>, vector<16xf32>
          %select_n3A_552 = arith.select %gt3A_548, %select_n3A_527, %add3A_547 : vector<16xi1>, vector<16xi32>
          %gt3A_553 = arith.cmpf ogt, %select_n3A_551, %select_n3A_531 : vector<16xf32>
          %select_n3A_554 = arith.select %gt3A_553, %select_n3A_551, %select_n3A_531 : vector<16xi1>, vector<16xf32>
          %select_n3A_555 = arith.select %gt3A_553, %select_n3A_552, %select_n3A_532 : vector<16xi1>, vector<16xi32>
          %select_n3A_556 = arith.select %gt3A_553, %select_n3A_531, %select_n3A_551 : vector<16xi1>, vector<16xf32>
          %select_n3A_557 = arith.select %gt3A_553, %select_n3A_532, %select_n3A_552 : vector<16xi1>, vector<16xi32>
          %gt3A_558 = arith.cmpf ogt, %select_n3A_556, %select_n3A_536 : vector<16xf32>
          %select_n3A_559 = arith.select %gt3A_558, %select_n3A_556, %select_n3A_536 : vector<16xi1>, vector<16xf32>
          %select_n3A_560 = arith.select %gt3A_558, %select_n3A_557, %select_n3A_537 : vector<16xi1>, vector<16xi32>
          %select_n3A_561 = arith.select %gt3A_558, %select_n3A_536, %select_n3A_556 : vector<16xi1>, vector<16xf32>
          %select_n3A_562 = arith.select %gt3A_558, %select_n3A_537, %select_n3A_557 : vector<16xi1>, vector<16xi32>
          %gt3A_563 = arith.cmpf ogt, %select_n3A_561, %select_n3A_541 : vector<16xf32>
          %select_n3A_564 = arith.select %gt3A_563, %select_n3A_561, %select_n3A_541 : vector<16xi1>, vector<16xf32>
          %select_n3A_565 = arith.select %gt3A_563, %select_n3A_562, %select_n3A_542 : vector<16xi1>, vector<16xi32>
          %add3A_566 = arith.addi %add3A_161, %mul3A_194 : i32
          %add3A_567 = arith.constant 160 : i32
          %add3A_568 = arith.addi %add3A_566, %add3A_567 : i32
          %add3A_569 = vector.broadcast %add3A_568 : i32 to vector<16xi32>
          %add3A_570 = arith.addi %iota3A, %add3A_569 : vector<16xi32>
          %gt3A_571 = arith.cmpf ogt, %get3A_237, %select_n3A_549 : vector<16xf32>
          %select_n3A_572 = arith.select %gt3A_571, %get3A_237, %select_n3A_549 : vector<16xi1>, vector<16xf32>
          %select_n3A_573 = arith.select %gt3A_571, %add3A_570, %select_n3A_550 : vector<16xi1>, vector<16xi32>
          %select_n3A_574 = arith.select %gt3A_571, %select_n3A_549, %get3A_237 : vector<16xi1>, vector<16xf32>
          %select_n3A_575 = arith.select %gt3A_571, %select_n3A_550, %add3A_570 : vector<16xi1>, vector<16xi32>
          %gt3A_576 = arith.cmpf ogt, %select_n3A_574, %select_n3A_554 : vector<16xf32>
          %select_n3A_577 = arith.select %gt3A_576, %select_n3A_574, %select_n3A_554 : vector<16xi1>, vector<16xf32>
          %select_n3A_578 = arith.select %gt3A_576, %select_n3A_575, %select_n3A_555 : vector<16xi1>, vector<16xi32>
          %select_n3A_579 = arith.select %gt3A_576, %select_n3A_554, %select_n3A_574 : vector<16xi1>, vector<16xf32>
          %select_n3A_580 = arith.select %gt3A_576, %select_n3A_555, %select_n3A_575 : vector<16xi1>, vector<16xi32>
          %gt3A_581 = arith.cmpf ogt, %select_n3A_579, %select_n3A_559 : vector<16xf32>
          %select_n3A_582 = arith.select %gt3A_581, %select_n3A_579, %select_n3A_559 : vector<16xi1>, vector<16xf32>
          %select_n3A_583 = arith.select %gt3A_581, %select_n3A_580, %select_n3A_560 : vector<16xi1>, vector<16xi32>
          %select_n3A_584 = arith.select %gt3A_581, %select_n3A_559, %select_n3A_579 : vector<16xi1>, vector<16xf32>
          %select_n3A_585 = arith.select %gt3A_581, %select_n3A_560, %select_n3A_580 : vector<16xi1>, vector<16xi32>
          %gt3A_586 = arith.cmpf ogt, %select_n3A_584, %select_n3A_564 : vector<16xf32>
          %select_n3A_587 = arith.select %gt3A_586, %select_n3A_584, %select_n3A_564 : vector<16xi1>, vector<16xf32>
          %select_n3A_588 = arith.select %gt3A_586, %select_n3A_585, %select_n3A_565 : vector<16xi1>, vector<16xi32>
          %add3A_589 = arith.addi %add3A_161, %mul3A_194 : i32
          %add3A_590 = arith.constant 176 : i32
          %add3A_591 = arith.addi %add3A_589, %add3A_590 : i32
          %add3A_592 = vector.broadcast %add3A_591 : i32 to vector<16xi32>
          %add3A_593 = arith.addi %iota3A, %add3A_592 : vector<16xi32>
          %gt3A_594 = arith.cmpf ogt, %get3A_241, %select_n3A_572 : vector<16xf32>
          %select_n3A_595 = arith.select %gt3A_594, %get3A_241, %select_n3A_572 : vector<16xi1>, vector<16xf32>
          %select_n3A_596 = arith.select %gt3A_594, %add3A_593, %select_n3A_573 : vector<16xi1>, vector<16xi32>
          %select_n3A_597 = arith.select %gt3A_594, %select_n3A_572, %get3A_241 : vector<16xi1>, vector<16xf32>
          %select_n3A_598 = arith.select %gt3A_594, %select_n3A_573, %add3A_593 : vector<16xi1>, vector<16xi32>
          %gt3A_599 = arith.cmpf ogt, %select_n3A_597, %select_n3A_577 : vector<16xf32>
          %select_n3A_600 = arith.select %gt3A_599, %select_n3A_597, %select_n3A_577 : vector<16xi1>, vector<16xf32>
          %select_n3A_601 = arith.select %gt3A_599, %select_n3A_598, %select_n3A_578 : vector<16xi1>, vector<16xi32>
          %select_n3A_602 = arith.select %gt3A_599, %select_n3A_577, %select_n3A_597 : vector<16xi1>, vector<16xf32>
          %select_n3A_603 = arith.select %gt3A_599, %select_n3A_578, %select_n3A_598 : vector<16xi1>, vector<16xi32>
          %gt3A_604 = arith.cmpf ogt, %select_n3A_602, %select_n3A_582 : vector<16xf32>
          %select_n3A_605 = arith.select %gt3A_604, %select_n3A_602, %select_n3A_582 : vector<16xi1>, vector<16xf32>
          %select_n3A_606 = arith.select %gt3A_604, %select_n3A_603, %select_n3A_583 : vector<16xi1>, vector<16xi32>
          %select_n3A_607 = arith.select %gt3A_604, %select_n3A_582, %select_n3A_602 : vector<16xi1>, vector<16xf32>
          %select_n3A_608 = arith.select %gt3A_604, %select_n3A_583, %select_n3A_603 : vector<16xi1>, vector<16xi32>
          %gt3A_609 = arith.cmpf ogt, %select_n3A_607, %select_n3A_587 : vector<16xf32>
          %select_n3A_610 = arith.select %gt3A_609, %select_n3A_607, %select_n3A_587 : vector<16xi1>, vector<16xf32>
          %select_n3A_611 = arith.select %gt3A_609, %select_n3A_608, %select_n3A_588 : vector<16xi1>, vector<16xi32>
          %add3A_612 = arith.addi %add3A_161, %mul3A_194 : i32
          %add3A_613 = arith.constant 192 : i32
          %add3A_614 = arith.addi %add3A_612, %add3A_613 : i32
          %add3A_615 = vector.broadcast %add3A_614 : i32 to vector<16xi32>
          %add3A_616 = arith.addi %iota3A, %add3A_615 : vector<16xi32>
          %gt3A_617 = arith.cmpf ogt, %get3A_245, %select_n3A_595 : vector<16xf32>
          %select_n3A_618 = arith.select %gt3A_617, %get3A_245, %select_n3A_595 : vector<16xi1>, vector<16xf32>
          %select_n3A_619 = arith.select %gt3A_617, %add3A_616, %select_n3A_596 : vector<16xi1>, vector<16xi32>
          %select_n3A_620 = arith.select %gt3A_617, %select_n3A_595, %get3A_245 : vector<16xi1>, vector<16xf32>
          %select_n3A_621 = arith.select %gt3A_617, %select_n3A_596, %add3A_616 : vector<16xi1>, vector<16xi32>
          %gt3A_622 = arith.cmpf ogt, %select_n3A_620, %select_n3A_600 : vector<16xf32>
          %select_n3A_623 = arith.select %gt3A_622, %select_n3A_620, %select_n3A_600 : vector<16xi1>, vector<16xf32>
          %select_n3A_624 = arith.select %gt3A_622, %select_n3A_621, %select_n3A_601 : vector<16xi1>, vector<16xi32>
          %select_n3A_625 = arith.select %gt3A_622, %select_n3A_600, %select_n3A_620 : vector<16xi1>, vector<16xf32>
          %select_n3A_626 = arith.select %gt3A_622, %select_n3A_601, %select_n3A_621 : vector<16xi1>, vector<16xi32>
          %gt3A_627 = arith.cmpf ogt, %select_n3A_625, %select_n3A_605 : vector<16xf32>
          %select_n3A_628 = arith.select %gt3A_627, %select_n3A_625, %select_n3A_605 : vector<16xi1>, vector<16xf32>
          %select_n3A_629 = arith.select %gt3A_627, %select_n3A_626, %select_n3A_606 : vector<16xi1>, vector<16xi32>
          %select_n3A_630 = arith.select %gt3A_627, %select_n3A_605, %select_n3A_625 : vector<16xi1>, vector<16xf32>
          %select_n3A_631 = arith.select %gt3A_627, %select_n3A_606, %select_n3A_626 : vector<16xi1>, vector<16xi32>
          %gt3A_632 = arith.cmpf ogt, %select_n3A_630, %select_n3A_610 : vector<16xf32>
          %select_n3A_633 = arith.select %gt3A_632, %select_n3A_630, %select_n3A_610 : vector<16xi1>, vector<16xf32>
          %select_n3A_634 = arith.select %gt3A_632, %select_n3A_631, %select_n3A_611 : vector<16xi1>, vector<16xi32>
          %add3A_635 = arith.addi %add3A_161, %mul3A_194 : i32
          %add3A_636 = arith.constant 208 : i32
          %add3A_637 = arith.addi %add3A_635, %add3A_636 : i32
          %add3A_638 = vector.broadcast %add3A_637 : i32 to vector<16xi32>
          %add3A_639 = arith.addi %iota3A, %add3A_638 : vector<16xi32>
          %gt3A_640 = arith.cmpf ogt, %get3A_249, %select_n3A_618 : vector<16xf32>
          %select_n3A_641 = arith.select %gt3A_640, %get3A_249, %select_n3A_618 : vector<16xi1>, vector<16xf32>
          %select_n3A_642 = arith.select %gt3A_640, %add3A_639, %select_n3A_619 : vector<16xi1>, vector<16xi32>
          %select_n3A_643 = arith.select %gt3A_640, %select_n3A_618, %get3A_249 : vector<16xi1>, vector<16xf32>
          %select_n3A_644 = arith.select %gt3A_640, %select_n3A_619, %add3A_639 : vector<16xi1>, vector<16xi32>
          %gt3A_645 = arith.cmpf ogt, %select_n3A_643, %select_n3A_623 : vector<16xf32>
          %select_n3A_646 = arith.select %gt3A_645, %select_n3A_643, %select_n3A_623 : vector<16xi1>, vector<16xf32>
          %select_n3A_647 = arith.select %gt3A_645, %select_n3A_644, %select_n3A_624 : vector<16xi1>, vector<16xi32>
          %select_n3A_648 = arith.select %gt3A_645, %select_n3A_623, %select_n3A_643 : vector<16xi1>, vector<16xf32>
          %select_n3A_649 = arith.select %gt3A_645, %select_n3A_624, %select_n3A_644 : vector<16xi1>, vector<16xi32>
          %gt3A_650 = arith.cmpf ogt, %select_n3A_648, %select_n3A_628 : vector<16xf32>
          %select_n3A_651 = arith.select %gt3A_650, %select_n3A_648, %select_n3A_628 : vector<16xi1>, vector<16xf32>
          %select_n3A_652 = arith.select %gt3A_650, %select_n3A_649, %select_n3A_629 : vector<16xi1>, vector<16xi32>
          %select_n3A_653 = arith.select %gt3A_650, %select_n3A_628, %select_n3A_648 : vector<16xi1>, vector<16xf32>
          %select_n3A_654 = arith.select %gt3A_650, %select_n3A_629, %select_n3A_649 : vector<16xi1>, vector<16xi32>
          %gt3A_655 = arith.cmpf ogt, %select_n3A_653, %select_n3A_633 : vector<16xf32>
          %select_n3A_656 = arith.select %gt3A_655, %select_n3A_653, %select_n3A_633 : vector<16xi1>, vector<16xf32>
          %select_n3A_657 = arith.select %gt3A_655, %select_n3A_654, %select_n3A_634 : vector<16xi1>, vector<16xi32>
          %add3A_658 = arith.addi %add3A_161, %mul3A_194 : i32
          %add3A_659 = arith.constant 224 : i32
          %add3A_660 = arith.addi %add3A_658, %add3A_659 : i32
          %add3A_661 = vector.broadcast %add3A_660 : i32 to vector<16xi32>
          %add3A_662 = arith.addi %iota3A, %add3A_661 : vector<16xi32>
          %gt3A_663 = arith.cmpf ogt, %get3A_253, %select_n3A_641 : vector<16xf32>
          %select_n3A_664 = arith.select %gt3A_663, %get3A_253, %select_n3A_641 : vector<16xi1>, vector<16xf32>
          %select_n3A_665 = arith.select %gt3A_663, %add3A_662, %select_n3A_642 : vector<16xi1>, vector<16xi32>
          %select_n3A_666 = arith.select %gt3A_663, %select_n3A_641, %get3A_253 : vector<16xi1>, vector<16xf32>
          %select_n3A_667 = arith.select %gt3A_663, %select_n3A_642, %add3A_662 : vector<16xi1>, vector<16xi32>
          %gt3A_668 = arith.cmpf ogt, %select_n3A_666, %select_n3A_646 : vector<16xf32>
          %select_n3A_669 = arith.select %gt3A_668, %select_n3A_666, %select_n3A_646 : vector<16xi1>, vector<16xf32>
          %select_n3A_670 = arith.select %gt3A_668, %select_n3A_667, %select_n3A_647 : vector<16xi1>, vector<16xi32>
          %select_n3A_671 = arith.select %gt3A_668, %select_n3A_646, %select_n3A_666 : vector<16xi1>, vector<16xf32>
          %select_n3A_672 = arith.select %gt3A_668, %select_n3A_647, %select_n3A_667 : vector<16xi1>, vector<16xi32>
          %gt3A_673 = arith.cmpf ogt, %select_n3A_671, %select_n3A_651 : vector<16xf32>
          %select_n3A_674 = arith.select %gt3A_673, %select_n3A_671, %select_n3A_651 : vector<16xi1>, vector<16xf32>
          %select_n3A_675 = arith.select %gt3A_673, %select_n3A_672, %select_n3A_652 : vector<16xi1>, vector<16xi32>
          %select_n3A_676 = arith.select %gt3A_673, %select_n3A_651, %select_n3A_671 : vector<16xi1>, vector<16xf32>
          %select_n3A_677 = arith.select %gt3A_673, %select_n3A_652, %select_n3A_672 : vector<16xi1>, vector<16xi32>
          %gt3A_678 = arith.cmpf ogt, %select_n3A_676, %select_n3A_656 : vector<16xf32>
          %select_n3A_679 = arith.select %gt3A_678, %select_n3A_676, %select_n3A_656 : vector<16xi1>, vector<16xf32>
          %select_n3A_680 = arith.select %gt3A_678, %select_n3A_677, %select_n3A_657 : vector<16xi1>, vector<16xi32>
          %add3A_681 = arith.addi %add3A_161, %mul3A_194 : i32
          %add3A_682 = arith.constant 240 : i32
          %add3A_683 = arith.addi %add3A_681, %add3A_682 : i32
          %add3A_684 = vector.broadcast %add3A_683 : i32 to vector<16xi32>
          %add3A_685 = arith.addi %iota3A, %add3A_684 : vector<16xi32>
          %gt3A_686 = arith.cmpf ogt, %get3A_257, %select_n3A_664 : vector<16xf32>
          %select_n3A_687 = arith.select %gt3A_686, %get3A_257, %select_n3A_664 : vector<16xi1>, vector<16xf32>
          %select_n3A_688 = arith.select %gt3A_686, %add3A_685, %select_n3A_665 : vector<16xi1>, vector<16xi32>
          %select_n3A_689 = arith.select %gt3A_686, %select_n3A_664, %get3A_257 : vector<16xi1>, vector<16xf32>
          %select_n3A_690 = arith.select %gt3A_686, %select_n3A_665, %add3A_685 : vector<16xi1>, vector<16xi32>
          %gt3A_691 = arith.cmpf ogt, %select_n3A_689, %select_n3A_669 : vector<16xf32>
          %select_n3A_692 = arith.select %gt3A_691, %select_n3A_689, %select_n3A_669 : vector<16xi1>, vector<16xf32>
          %select_n3A_693 = arith.select %gt3A_691, %select_n3A_690, %select_n3A_670 : vector<16xi1>, vector<16xi32>
          %select_n3A_694 = arith.select %gt3A_691, %select_n3A_669, %select_n3A_689 : vector<16xi1>, vector<16xf32>
          %select_n3A_695 = arith.select %gt3A_691, %select_n3A_670, %select_n3A_690 : vector<16xi1>, vector<16xi32>
          %gt3A_696 = arith.cmpf ogt, %select_n3A_694, %select_n3A_674 : vector<16xf32>
          %select_n3A_697 = arith.select %gt3A_696, %select_n3A_694, %select_n3A_674 : vector<16xi1>, vector<16xf32>
          %select_n3A_698 = arith.select %gt3A_696, %select_n3A_695, %select_n3A_675 : vector<16xi1>, vector<16xi32>
          %select_n3A_699 = arith.select %gt3A_696, %select_n3A_674, %select_n3A_694 : vector<16xi1>, vector<16xf32>
          %select_n3A_700 = arith.select %gt3A_696, %select_n3A_675, %select_n3A_695 : vector<16xi1>, vector<16xi32>
          %gt3A_701 = arith.cmpf ogt, %select_n3A_699, %select_n3A_679 : vector<16xf32>
          %select_n3A_702 = arith.select %gt3A_701, %select_n3A_699, %select_n3A_679 : vector<16xi1>, vector<16xf32>
          %select_n3A_703 = arith.select %gt3A_701, %select_n3A_700, %select_n3A_680 : vector<16xi1>, vector<16xi32>
          %add3A_704 = arith.addi %add3A_161, %mul3A_194 : i32
          %add3A_705 = arith.constant 256 : i32
          %add3A_706 = arith.addi %add3A_704, %add3A_705 : i32
          %add3A_707 = vector.broadcast %add3A_706 : i32 to vector<16xi32>
          %add3A_708 = arith.addi %iota3A, %add3A_707 : vector<16xi32>
          %gt3A_709 = arith.cmpf ogt, %get3A_261, %select_n3A_687 : vector<16xf32>
          %select_n3A_710 = arith.select %gt3A_709, %get3A_261, %select_n3A_687 : vector<16xi1>, vector<16xf32>
          %select_n3A_711 = arith.select %gt3A_709, %add3A_708, %select_n3A_688 : vector<16xi1>, vector<16xi32>
          %select_n3A_712 = arith.select %gt3A_709, %select_n3A_687, %get3A_261 : vector<16xi1>, vector<16xf32>
          %select_n3A_713 = arith.select %gt3A_709, %select_n3A_688, %add3A_708 : vector<16xi1>, vector<16xi32>
          %gt3A_714 = arith.cmpf ogt, %select_n3A_712, %select_n3A_692 : vector<16xf32>
          %select_n3A_715 = arith.select %gt3A_714, %select_n3A_712, %select_n3A_692 : vector<16xi1>, vector<16xf32>
          %select_n3A_716 = arith.select %gt3A_714, %select_n3A_713, %select_n3A_693 : vector<16xi1>, vector<16xi32>
          %select_n3A_717 = arith.select %gt3A_714, %select_n3A_692, %select_n3A_712 : vector<16xi1>, vector<16xf32>
          %select_n3A_718 = arith.select %gt3A_714, %select_n3A_693, %select_n3A_713 : vector<16xi1>, vector<16xi32>
          %gt3A_719 = arith.cmpf ogt, %select_n3A_717, %select_n3A_697 : vector<16xf32>
          %select_n3A_720 = arith.select %gt3A_719, %select_n3A_717, %select_n3A_697 : vector<16xi1>, vector<16xf32>
          %select_n3A_721 = arith.select %gt3A_719, %select_n3A_718, %select_n3A_698 : vector<16xi1>, vector<16xi32>
          %select_n3A_722 = arith.select %gt3A_719, %select_n3A_697, %select_n3A_717 : vector<16xi1>, vector<16xf32>
          %select_n3A_723 = arith.select %gt3A_719, %select_n3A_698, %select_n3A_718 : vector<16xi1>, vector<16xi32>
          %gt3A_724 = arith.cmpf ogt, %select_n3A_722, %select_n3A_702 : vector<16xf32>
          %select_n3A_725 = arith.select %gt3A_724, %select_n3A_722, %select_n3A_702 : vector<16xi1>, vector<16xf32>
          %select_n3A_726 = arith.select %gt3A_724, %select_n3A_723, %select_n3A_703 : vector<16xi1>, vector<16xi32>
          %add3A_727 = arith.addi %add3A_161, %mul3A_194 : i32
          %add3A_728 = arith.constant 272 : i32
          %add3A_729 = arith.addi %add3A_727, %add3A_728 : i32
          %add3A_730 = vector.broadcast %add3A_729 : i32 to vector<16xi32>
          %add3A_731 = arith.addi %iota3A, %add3A_730 : vector<16xi32>
          %gt3A_732 = arith.cmpf ogt, %get3A_265, %select_n3A_710 : vector<16xf32>
          %select_n3A_733 = arith.select %gt3A_732, %get3A_265, %select_n3A_710 : vector<16xi1>, vector<16xf32>
          %select_n3A_734 = arith.select %gt3A_732, %add3A_731, %select_n3A_711 : vector<16xi1>, vector<16xi32>
          %select_n3A_735 = arith.select %gt3A_732, %select_n3A_710, %get3A_265 : vector<16xi1>, vector<16xf32>
          %select_n3A_736 = arith.select %gt3A_732, %select_n3A_711, %add3A_731 : vector<16xi1>, vector<16xi32>
          %gt3A_737 = arith.cmpf ogt, %select_n3A_735, %select_n3A_715 : vector<16xf32>
          %select_n3A_738 = arith.select %gt3A_737, %select_n3A_735, %select_n3A_715 : vector<16xi1>, vector<16xf32>
          %select_n3A_739 = arith.select %gt3A_737, %select_n3A_736, %select_n3A_716 : vector<16xi1>, vector<16xi32>
          %select_n3A_740 = arith.select %gt3A_737, %select_n3A_715, %select_n3A_735 : vector<16xi1>, vector<16xf32>
          %select_n3A_741 = arith.select %gt3A_737, %select_n3A_716, %select_n3A_736 : vector<16xi1>, vector<16xi32>
          %gt3A_742 = arith.cmpf ogt, %select_n3A_740, %select_n3A_720 : vector<16xf32>
          %select_n3A_743 = arith.select %gt3A_742, %select_n3A_740, %select_n3A_720 : vector<16xi1>, vector<16xf32>
          %select_n3A_744 = arith.select %gt3A_742, %select_n3A_741, %select_n3A_721 : vector<16xi1>, vector<16xi32>
          %select_n3A_745 = arith.select %gt3A_742, %select_n3A_720, %select_n3A_740 : vector<16xi1>, vector<16xf32>
          %select_n3A_746 = arith.select %gt3A_742, %select_n3A_721, %select_n3A_741 : vector<16xi1>, vector<16xi32>
          %gt3A_747 = arith.cmpf ogt, %select_n3A_745, %select_n3A_725 : vector<16xf32>
          %select_n3A_748 = arith.select %gt3A_747, %select_n3A_745, %select_n3A_725 : vector<16xi1>, vector<16xf32>
          %select_n3A_749 = arith.select %gt3A_747, %select_n3A_746, %select_n3A_726 : vector<16xi1>, vector<16xi32>
          %add3A_750 = arith.addi %add3A_161, %mul3A_194 : i32
          %add3A_751 = arith.constant 288 : i32
          %add3A_752 = arith.addi %add3A_750, %add3A_751 : i32
          %add3A_753 = vector.broadcast %add3A_752 : i32 to vector<16xi32>
          %add3A_754 = arith.addi %iota3A, %add3A_753 : vector<16xi32>
          %gt3A_755 = arith.cmpf ogt, %get3A_269, %select_n3A_733 : vector<16xf32>
          %select_n3A_756 = arith.select %gt3A_755, %get3A_269, %select_n3A_733 : vector<16xi1>, vector<16xf32>
          %select_n3A_757 = arith.select %gt3A_755, %add3A_754, %select_n3A_734 : vector<16xi1>, vector<16xi32>
          %select_n3A_758 = arith.select %gt3A_755, %select_n3A_733, %get3A_269 : vector<16xi1>, vector<16xf32>
          %select_n3A_759 = arith.select %gt3A_755, %select_n3A_734, %add3A_754 : vector<16xi1>, vector<16xi32>
          %gt3A_760 = arith.cmpf ogt, %select_n3A_758, %select_n3A_738 : vector<16xf32>
          %select_n3A_761 = arith.select %gt3A_760, %select_n3A_758, %select_n3A_738 : vector<16xi1>, vector<16xf32>
          %select_n3A_762 = arith.select %gt3A_760, %select_n3A_759, %select_n3A_739 : vector<16xi1>, vector<16xi32>
          %select_n3A_763 = arith.select %gt3A_760, %select_n3A_738, %select_n3A_758 : vector<16xi1>, vector<16xf32>
          %select_n3A_764 = arith.select %gt3A_760, %select_n3A_739, %select_n3A_759 : vector<16xi1>, vector<16xi32>
          %gt3A_765 = arith.cmpf ogt, %select_n3A_763, %select_n3A_743 : vector<16xf32>
          %select_n3A_766 = arith.select %gt3A_765, %select_n3A_763, %select_n3A_743 : vector<16xi1>, vector<16xf32>
          %select_n3A_767 = arith.select %gt3A_765, %select_n3A_764, %select_n3A_744 : vector<16xi1>, vector<16xi32>
          %select_n3A_768 = arith.select %gt3A_765, %select_n3A_743, %select_n3A_763 : vector<16xi1>, vector<16xf32>
          %select_n3A_769 = arith.select %gt3A_765, %select_n3A_744, %select_n3A_764 : vector<16xi1>, vector<16xi32>
          %gt3A_770 = arith.cmpf ogt, %select_n3A_768, %select_n3A_748 : vector<16xf32>
          %select_n3A_771 = arith.select %gt3A_770, %select_n3A_768, %select_n3A_748 : vector<16xi1>, vector<16xf32>
          %select_n3A_772 = arith.select %gt3A_770, %select_n3A_769, %select_n3A_749 : vector<16xi1>, vector<16xi32>
          %add3A_773 = arith.addi %add3A_161, %mul3A_194 : i32
          %add3A_774 = arith.constant 304 : i32
          %add3A_775 = arith.addi %add3A_773, %add3A_774 : i32
          %add3A_776 = vector.broadcast %add3A_775 : i32 to vector<16xi32>
          %add3A_777 = arith.addi %iota3A, %add3A_776 : vector<16xi32>
          %gt3A_778 = arith.cmpf ogt, %get3A_273, %select_n3A_756 : vector<16xf32>
          %select_n3A_779 = arith.select %gt3A_778, %get3A_273, %select_n3A_756 : vector<16xi1>, vector<16xf32>
          %select_n3A_780 = arith.select %gt3A_778, %add3A_777, %select_n3A_757 : vector<16xi1>, vector<16xi32>
          %select_n3A_781 = arith.select %gt3A_778, %select_n3A_756, %get3A_273 : vector<16xi1>, vector<16xf32>
          %select_n3A_782 = arith.select %gt3A_778, %select_n3A_757, %add3A_777 : vector<16xi1>, vector<16xi32>
          %gt3A_783 = arith.cmpf ogt, %select_n3A_781, %select_n3A_761 : vector<16xf32>
          %select_n3A_784 = arith.select %gt3A_783, %select_n3A_781, %select_n3A_761 : vector<16xi1>, vector<16xf32>
          %select_n3A_785 = arith.select %gt3A_783, %select_n3A_782, %select_n3A_762 : vector<16xi1>, vector<16xi32>
          %select_n3A_786 = arith.select %gt3A_783, %select_n3A_761, %select_n3A_781 : vector<16xi1>, vector<16xf32>
          %select_n3A_787 = arith.select %gt3A_783, %select_n3A_762, %select_n3A_782 : vector<16xi1>, vector<16xi32>
          %gt3A_788 = arith.cmpf ogt, %select_n3A_786, %select_n3A_766 : vector<16xf32>
          %select_n3A_789 = arith.select %gt3A_788, %select_n3A_786, %select_n3A_766 : vector<16xi1>, vector<16xf32>
          %select_n3A_790 = arith.select %gt3A_788, %select_n3A_787, %select_n3A_767 : vector<16xi1>, vector<16xi32>
          %select_n3A_791 = arith.select %gt3A_788, %select_n3A_766, %select_n3A_786 : vector<16xi1>, vector<16xf32>
          %select_n3A_792 = arith.select %gt3A_788, %select_n3A_767, %select_n3A_787 : vector<16xi1>, vector<16xi32>
          %gt3A_793 = arith.cmpf ogt, %select_n3A_791, %select_n3A_771 : vector<16xf32>
          %select_n3A_794 = arith.select %gt3A_793, %select_n3A_791, %select_n3A_771 : vector<16xi1>, vector<16xf32>
          %select_n3A_795 = arith.select %gt3A_793, %select_n3A_792, %select_n3A_772 : vector<16xi1>, vector<16xi32>
          %add3A_796 = arith.addi %add3A_161, %mul3A_194 : i32
          %add3A_797 = arith.constant 320 : i32
          %add3A_798 = arith.addi %add3A_796, %add3A_797 : i32
          %add3A_799 = vector.broadcast %add3A_798 : i32 to vector<16xi32>
          %add3A_800 = arith.addi %iota3A, %add3A_799 : vector<16xi32>
          %gt3A_801 = arith.cmpf ogt, %get3A_277, %select_n3A_779 : vector<16xf32>
          %select_n3A_802 = arith.select %gt3A_801, %get3A_277, %select_n3A_779 : vector<16xi1>, vector<16xf32>
          %select_n3A_803 = arith.select %gt3A_801, %add3A_800, %select_n3A_780 : vector<16xi1>, vector<16xi32>
          %select_n3A_804 = arith.select %gt3A_801, %select_n3A_779, %get3A_277 : vector<16xi1>, vector<16xf32>
          %select_n3A_805 = arith.select %gt3A_801, %select_n3A_780, %add3A_800 : vector<16xi1>, vector<16xi32>
          %gt3A_806 = arith.cmpf ogt, %select_n3A_804, %select_n3A_784 : vector<16xf32>
          %select_n3A_807 = arith.select %gt3A_806, %select_n3A_804, %select_n3A_784 : vector<16xi1>, vector<16xf32>
          %select_n3A_808 = arith.select %gt3A_806, %select_n3A_805, %select_n3A_785 : vector<16xi1>, vector<16xi32>
          %select_n3A_809 = arith.select %gt3A_806, %select_n3A_784, %select_n3A_804 : vector<16xi1>, vector<16xf32>
          %select_n3A_810 = arith.select %gt3A_806, %select_n3A_785, %select_n3A_805 : vector<16xi1>, vector<16xi32>
          %gt3A_811 = arith.cmpf ogt, %select_n3A_809, %select_n3A_789 : vector<16xf32>
          %select_n3A_812 = arith.select %gt3A_811, %select_n3A_809, %select_n3A_789 : vector<16xi1>, vector<16xf32>
          %select_n3A_813 = arith.select %gt3A_811, %select_n3A_810, %select_n3A_790 : vector<16xi1>, vector<16xi32>
          %select_n3A_814 = arith.select %gt3A_811, %select_n3A_789, %select_n3A_809 : vector<16xi1>, vector<16xf32>
          %select_n3A_815 = arith.select %gt3A_811, %select_n3A_790, %select_n3A_810 : vector<16xi1>, vector<16xi32>
          %gt3A_816 = arith.cmpf ogt, %select_n3A_814, %select_n3A_794 : vector<16xf32>
          %select_n3A_817 = arith.select %gt3A_816, %select_n3A_814, %select_n3A_794 : vector<16xi1>, vector<16xf32>
          %select_n3A_818 = arith.select %gt3A_816, %select_n3A_815, %select_n3A_795 : vector<16xi1>, vector<16xi32>
          %add3A_819 = arith.addi %add3A_161, %mul3A_194 : i32
          %add3A_820 = arith.constant 336 : i32
          %add3A_821 = arith.addi %add3A_819, %add3A_820 : i32
          %add3A_822 = vector.broadcast %add3A_821 : i32 to vector<16xi32>
          %add3A_823 = arith.addi %iota3A, %add3A_822 : vector<16xi32>
          %gt3A_824 = arith.cmpf ogt, %get3A_281, %select_n3A_802 : vector<16xf32>
          %select_n3A_825 = arith.select %gt3A_824, %get3A_281, %select_n3A_802 : vector<16xi1>, vector<16xf32>
          %select_n3A_826 = arith.select %gt3A_824, %add3A_823, %select_n3A_803 : vector<16xi1>, vector<16xi32>
          %select_n3A_827 = arith.select %gt3A_824, %select_n3A_802, %get3A_281 : vector<16xi1>, vector<16xf32>
          %select_n3A_828 = arith.select %gt3A_824, %select_n3A_803, %add3A_823 : vector<16xi1>, vector<16xi32>
          %gt3A_829 = arith.cmpf ogt, %select_n3A_827, %select_n3A_807 : vector<16xf32>
          %select_n3A_830 = arith.select %gt3A_829, %select_n3A_827, %select_n3A_807 : vector<16xi1>, vector<16xf32>
          %select_n3A_831 = arith.select %gt3A_829, %select_n3A_828, %select_n3A_808 : vector<16xi1>, vector<16xi32>
          %select_n3A_832 = arith.select %gt3A_829, %select_n3A_807, %select_n3A_827 : vector<16xi1>, vector<16xf32>
          %select_n3A_833 = arith.select %gt3A_829, %select_n3A_808, %select_n3A_828 : vector<16xi1>, vector<16xi32>
          %gt3A_834 = arith.cmpf ogt, %select_n3A_832, %select_n3A_812 : vector<16xf32>
          %select_n3A_835 = arith.select %gt3A_834, %select_n3A_832, %select_n3A_812 : vector<16xi1>, vector<16xf32>
          %select_n3A_836 = arith.select %gt3A_834, %select_n3A_833, %select_n3A_813 : vector<16xi1>, vector<16xi32>
          %select_n3A_837 = arith.select %gt3A_834, %select_n3A_812, %select_n3A_832 : vector<16xi1>, vector<16xf32>
          %select_n3A_838 = arith.select %gt3A_834, %select_n3A_813, %select_n3A_833 : vector<16xi1>, vector<16xi32>
          %gt3A_839 = arith.cmpf ogt, %select_n3A_837, %select_n3A_817 : vector<16xf32>
          %select_n3A_840 = arith.select %gt3A_839, %select_n3A_837, %select_n3A_817 : vector<16xi1>, vector<16xf32>
          %select_n3A_841 = arith.select %gt3A_839, %select_n3A_838, %select_n3A_818 : vector<16xi1>, vector<16xi32>
          %add3A_842 = arith.addi %add3A_161, %mul3A_194 : i32
          %add3A_843 = arith.constant 352 : i32
          %add3A_844 = arith.addi %add3A_842, %add3A_843 : i32
          %add3A_845 = vector.broadcast %add3A_844 : i32 to vector<16xi32>
          %add3A_846 = arith.addi %iota3A, %add3A_845 : vector<16xi32>
          %gt3A_847 = arith.cmpf ogt, %get3A_285, %select_n3A_825 : vector<16xf32>
          %select_n3A_848 = arith.select %gt3A_847, %get3A_285, %select_n3A_825 : vector<16xi1>, vector<16xf32>
          %select_n3A_849 = arith.select %gt3A_847, %add3A_846, %select_n3A_826 : vector<16xi1>, vector<16xi32>
          %select_n3A_850 = arith.select %gt3A_847, %select_n3A_825, %get3A_285 : vector<16xi1>, vector<16xf32>
          %select_n3A_851 = arith.select %gt3A_847, %select_n3A_826, %add3A_846 : vector<16xi1>, vector<16xi32>
          %gt3A_852 = arith.cmpf ogt, %select_n3A_850, %select_n3A_830 : vector<16xf32>
          %select_n3A_853 = arith.select %gt3A_852, %select_n3A_850, %select_n3A_830 : vector<16xi1>, vector<16xf32>
          %select_n3A_854 = arith.select %gt3A_852, %select_n3A_851, %select_n3A_831 : vector<16xi1>, vector<16xi32>
          %select_n3A_855 = arith.select %gt3A_852, %select_n3A_830, %select_n3A_850 : vector<16xi1>, vector<16xf32>
          %select_n3A_856 = arith.select %gt3A_852, %select_n3A_831, %select_n3A_851 : vector<16xi1>, vector<16xi32>
          %gt3A_857 = arith.cmpf ogt, %select_n3A_855, %select_n3A_835 : vector<16xf32>
          %select_n3A_858 = arith.select %gt3A_857, %select_n3A_855, %select_n3A_835 : vector<16xi1>, vector<16xf32>
          %select_n3A_859 = arith.select %gt3A_857, %select_n3A_856, %select_n3A_836 : vector<16xi1>, vector<16xi32>
          %select_n3A_860 = arith.select %gt3A_857, %select_n3A_835, %select_n3A_855 : vector<16xi1>, vector<16xf32>
          %select_n3A_861 = arith.select %gt3A_857, %select_n3A_836, %select_n3A_856 : vector<16xi1>, vector<16xi32>
          %gt3A_862 = arith.cmpf ogt, %select_n3A_860, %select_n3A_840 : vector<16xf32>
          %select_n3A_863 = arith.select %gt3A_862, %select_n3A_860, %select_n3A_840 : vector<16xi1>, vector<16xf32>
          %select_n3A_864 = arith.select %gt3A_862, %select_n3A_861, %select_n3A_841 : vector<16xi1>, vector<16xi32>
          %add3A_865 = arith.addi %add3A_161, %mul3A_194 : i32
          %add3A_866 = arith.constant 368 : i32
          %add3A_867 = arith.addi %add3A_865, %add3A_866 : i32
          %add3A_868 = vector.broadcast %add3A_867 : i32 to vector<16xi32>
          %add3A_869 = arith.addi %iota3A, %add3A_868 : vector<16xi32>
          %gt3A_870 = arith.cmpf ogt, %get3A_289, %select_n3A_848 : vector<16xf32>
          %select_n3A_871 = arith.select %gt3A_870, %get3A_289, %select_n3A_848 : vector<16xi1>, vector<16xf32>
          %select_n3A_872 = arith.select %gt3A_870, %add3A_869, %select_n3A_849 : vector<16xi1>, vector<16xi32>
          %select_n3A_873 = arith.select %gt3A_870, %select_n3A_848, %get3A_289 : vector<16xi1>, vector<16xf32>
          %select_n3A_874 = arith.select %gt3A_870, %select_n3A_849, %add3A_869 : vector<16xi1>, vector<16xi32>
          %gt3A_875 = arith.cmpf ogt, %select_n3A_873, %select_n3A_853 : vector<16xf32>
          %select_n3A_876 = arith.select %gt3A_875, %select_n3A_873, %select_n3A_853 : vector<16xi1>, vector<16xf32>
          %select_n3A_877 = arith.select %gt3A_875, %select_n3A_874, %select_n3A_854 : vector<16xi1>, vector<16xi32>
          %select_n3A_878 = arith.select %gt3A_875, %select_n3A_853, %select_n3A_873 : vector<16xi1>, vector<16xf32>
          %select_n3A_879 = arith.select %gt3A_875, %select_n3A_854, %select_n3A_874 : vector<16xi1>, vector<16xi32>
          %gt3A_880 = arith.cmpf ogt, %select_n3A_878, %select_n3A_858 : vector<16xf32>
          %select_n3A_881 = arith.select %gt3A_880, %select_n3A_878, %select_n3A_858 : vector<16xi1>, vector<16xf32>
          %select_n3A_882 = arith.select %gt3A_880, %select_n3A_879, %select_n3A_859 : vector<16xi1>, vector<16xi32>
          %select_n3A_883 = arith.select %gt3A_880, %select_n3A_858, %select_n3A_878 : vector<16xi1>, vector<16xf32>
          %select_n3A_884 = arith.select %gt3A_880, %select_n3A_859, %select_n3A_879 : vector<16xi1>, vector<16xi32>
          %gt3A_885 = arith.cmpf ogt, %select_n3A_883, %select_n3A_863 : vector<16xf32>
          %select_n3A_886 = arith.select %gt3A_885, %select_n3A_883, %select_n3A_863 : vector<16xi1>, vector<16xf32>
          %select_n3A_887 = arith.select %gt3A_885, %select_n3A_884, %select_n3A_864 : vector<16xi1>, vector<16xi32>
          %swap3A = arith.constant 0 : index
          %swap3A_888 = tpu.vector_load %arg8[%swap3A] {strides = array<i32>} : memref<64xf32, #tpu.memory_space<vmem>>, vector<16xf32>,
          tpu.vector_store %arg8[%swap3A], %select_n3A_871 {strides = array<i32>} : memref<64xf32, #tpu.memory_space<vmem>>, vector<16xf32>,
          %swap3A_889 = arith.constant 16 : index
          %swap3A_890 = tpu.vector_load %arg8[%swap3A_889] {strides = array<i32>} : memref<64xf32, #tpu.memory_space<vmem>>, vector<16xf32>,
          tpu.vector_store %arg8[%swap3A_889], %select_n3A_876 {strides = array<i32>} : memref<64xf32, #tpu.memory_space<vmem>>, vector<16xf32>,
          %swap3A_891 = arith.constant 32 : index
          %swap3A_892 = tpu.vector_load %arg8[%swap3A_891] {strides = array<i32>} : memref<64xf32, #tpu.memory_space<vmem>>, vector<16xf32>,
          tpu.vector_store %arg8[%swap3A_891], %select_n3A_881 {strides = array<i32>} : memref<64xf32, #tpu.memory_space<vmem>>, vector<16xf32>,
          %swap3A_893 = arith.constant 48 : index
          %swap3A_894 = tpu.vector_load %arg8[%swap3A_893] {strides = array<i32>} : memref<64xf32, #tpu.memory_space<vmem>>, vector<16xf32>,
          tpu.vector_store %arg8[%swap3A_893], %select_n3A_886 {strides = array<i32>} : memref<64xf32, #tpu.memory_space<vmem>>, vector<16xf32>,
          %swap3A_895 = arith.constant 0 : index
          %swap3A_896 = tpu.vector_load %arg9[%swap3A_895] {strides = array<i32>} : memref<64xi32, #tpu.memory_space<vmem>>, vector<16xi32>,
          tpu.vector_store %arg9[%swap3A_895], %select_n3A_872 {strides = array<i32>} : memref<64xi32, #tpu.memory_space<vmem>>, vector<16xi32>,
          %swap3A_897 = arith.constant 16 : index
          %swap3A_898 = tpu.vector_load %arg9[%swap3A_897] {strides = array<i32>} : memref<64xi32, #tpu.memory_space<vmem>>, vector<16xi32>,
          tpu.vector_store %arg9[%swap3A_897], %select_n3A_877 {strides = array<i32>} : memref<64xi32, #tpu.memory_space<vmem>>, vector<16xi32>,
          %swap3A_899 = arith.constant 32 : index
          %swap3A_900 = tpu.vector_load %arg9[%swap3A_899] {strides = array<i32>} : memref<64xi32, #tpu.memory_space<vmem>>, vector<16xi32>,
          tpu.vector_store %arg9[%swap3A_899], %select_n3A_882 {strides = array<i32>} : memref<64xi32, #tpu.memory_space<vmem>>, vector<16xi32>,
          %swap3A_901 = arith.constant 48 : index
          %swap3A_902 = tpu.vector_load %arg9[%swap3A_901] {strides = array<i32>} : memref<64xi32, #tpu.memory_space<vmem>>, vector<16xi32>,
          tpu.vector_store %arg9[%swap3A_901], %select_n3A_887 {strides = array<i32>} : memref<64xi32, #tpu.memory_space<vmem>>, vector<16xi32>,
        } else {
        }
        %scan3A_319 = arith.constant 0 : i32
        scf.yield %scan3A_319 : i32
      }
      %scan3A_168 = arith.constant 98 : i32
      %jit3A_169 = arith.constant 4 : i32
      %eq3A_170 = arith.constant 0 : i32
      %eq3A_171 = arith.cmpi eq, %jit3A_169, %eq3A_170 : i32
      %jit3A_172 = arith.constant 1 : i32
      %select_n3A_173 = arith.select %eq3A_171, %jit3A_172, %jit3A_169 : i32
      %rem3A_174 = arith.remsi %add3A_104, %select_n3A_173 : i32
      %ne3A_175 = arith.constant 0 : i32
      %ne3A_176 = arith.cmpi ne, %rem3A_174, %ne3A_175 : i32
      %lt3A_177 = arith.constant 0 : i32
      %lt3A_178 = arith.cmpi slt, %rem3A_174, %lt3A_177 : i32
      %lt3A_179 = arith.constant 0 : i32
      %lt3A_180 = arith.cmpi slt, %select_n3A_173, %lt3A_179 : i32
      %ne3A_181 = arith.xori %lt3A_178, %lt3A_180 : i1
      %and3A_182 = arith.andi %ne3A_181, %ne3A_176 : i1
      %add3A_183 = arith.addi %rem3A_174, %select_n3A_173 : i32
      %select_n3A_184 = arith.select %and3A_182, %add3A_183, %rem3A_174 : i32
      %eq3A_185 = arith.constant 3 : i32
      %eq3A_186 = arith.cmpi eq, %select_n3A_184, %eq3A_185 : i32
      %convert_element_type3A_187 = arith.extui %eq3A_186 : i1 to i32
      %cond3A_188 = arith.constant 0 : i32
      %cond3A_189 = arith.cmpi ne, %convert_element_type3A_187, %cond3A_188 : i32
      scf.if %cond3A_189 {
        %jit3A_191 = arith.constant 4 : i32
        %div3A = arith.divsi %add3A_104, %jit3A_191 : i32
        %sign3A = arith.constant 0 : i32
        %sign3A_192 = arith.cmpi sgt, %add3A_104, %sign3A : i32
        %sign3A_193 = arith.extui %sign3A_192 : i1 to i32
        %sign3A_194 = arith.constant 0 : i32
        %sign3A_195 = arith.cmpi slt, %add3A_104, %sign3A_194 : i32
        %sign3A_196 = arith.extui %sign3A_195 : i1 to i32
        %sign3A_197 = arith.subi %sign3A_193, %sign3A_196 : i32
        %sign3A_198 = arith.constant 0 : i32
        %sign3A_199 = arith.cmpi sgt, %jit3A_191, %sign3A_198 : i32
        %sign3A_200 = arith.extui %sign3A_199 : i1 to i32
        %sign3A_201 = arith.constant 0 : i32
        %sign3A_202 = arith.cmpi slt, %jit3A_191, %sign3A_201 : i32
        %sign3A_203 = arith.extui %sign3A_202 : i1 to i32
        %sign3A_204 = arith.subi %sign3A_200, %sign3A_203 : i32
        %ne3A_205 = arith.cmpi ne, %sign3A_197, %sign3A_204 : i32
        %rem3A_206 = arith.remsi %add3A_104, %jit3A_191 : i32
        %ne3A_207 = arith.constant 0 : i32
        %ne3A_208 = arith.cmpi ne, %rem3A_206, %ne3A_207 : i32
        %and3A_209 = arith.andi %ne3A_205, %ne3A_208 : i1
        %sub3A = arith.constant 1 : i32
        %sub3A_210 = arith.subi %div3A, %sub3A : i32
        %select_n3A_211 = arith.select %and3A_209, %sub3A_210, %div3A : i32
        "tpu.region"() ({
          %run_scoped3A = tpu.sem_alloc : memref<!tpu.dma_semaphore, #tpu.memory_space<semaphore_mem>>
          %dma_start3A = arith.constant 0 : i32
          %dma_start3A_212 = tpu.memref_slice %arg3[%select_n3A_211, %add3A, %dma_start3A] : memref<16x32x64xf32, #tpu.memory_space<hbm>> -> memref<1x1x64xf32, #tpu.memory_space<hbm>>
          %dma_start3A_213 = tpu.memref_squeeze %dma_start3A_212 : memref<1x1x64xf32, #tpu.memory_space<hbm>> -> memref<64xf32, #tpu.memory_space<hbm>>
          %dma_start3A_214 = arith.constant 0 : i32
          %dma_start3A_215 = tpu.memref_slice %arg3[%select_n3A_211, %add3A, %dma_start3A_214] : memref<16x32x64xf32, #tpu.memory_space<hbm>> -> memref<1x1x64xf32, #tpu.memory_space<hbm>>
          %dma_start3A_216 = tpu.memref_squeeze %dma_start3A_215 : memref<1x1x64xf32, #tpu.memory_space<hbm>> -> memref<64xf32, #tpu.memory_space<hbm>>
          tpu.enqueue_dma source(%arg8 : memref<64xf32, #tpu.memory_space<vmem>>) target(%dma_start3A_216 : memref<64xf32, #tpu.memory_space<hbm>>) target_semaphore(%run_scoped3A : memref<!tpu.dma_semaphore, #tpu.memory_space<semaphore_mem>>)
          %dma_wait3A = arith.constant 0 : i32
          %dma_wait3A_217 = tpu.memref_slice %arg3[%select_n3A_211, %add3A, %dma_wait3A] : memref<16x32x64xf32, #tpu.memory_space<hbm>> -> memref<1x1x64xf32, #tpu.memory_space<hbm>>
          %dma_wait3A_218 = tpu.memref_squeeze %dma_wait3A_217 : memref<1x1x64xf32, #tpu.memory_space<hbm>> -> memref<64xf32, #tpu.memory_space<hbm>>
          %dma_wait3A_219 = arith.constant 0 : i32
          %dma_wait3A_220 = tpu.memref_slice %arg3[%select_n3A_211, %add3A, %dma_wait3A_219] : memref<16x32x64xf32, #tpu.memory_space<hbm>> -> memref<1x1x64xf32, #tpu.memory_space<hbm>>
          %dma_wait3A_221 = tpu.memref_squeeze %dma_wait3A_220 : memref<1x1x64xf32, #tpu.memory_space<hbm>> -> memref<64xf32, #tpu.memory_space<hbm>>
          tpu.wait_dma2 semaphore(%run_scoped3A : memref<!tpu.dma_semaphore, #tpu.memory_space<semaphore_mem>>) src(%arg8 : memref<64xf32, #tpu.memory_space<vmem>>) dst(%dma_wait3A_221 : memref<64xf32, #tpu.memory_space<hbm>>)
          tpu.yield
        }) : () -> ()
        "tpu.region"() ({
          %run_scoped3A = tpu.sem_alloc : memref<!tpu.dma_semaphore, #tpu.memory_space<semaphore_mem>>
          %dma_start3A = arith.constant 0 : i32
          %dma_start3A_212 = tpu.memref_slice %arg4[%select_n3A_211, %add3A, %dma_start3A] : memref<16x32x64xi32, #tpu.memory_space<hbm>> -> memref<1x1x64xi32, #tpu.memory_space<hbm>>
          %dma_start3A_213 = tpu.memref_squeeze %dma_start3A_212 : memref<1x1x64xi32, #tpu.memory_space<hbm>> -> memref<64xi32, #tpu.memory_space<hbm>>
          %dma_start3A_214 = arith.constant 0 : i32
          %dma_start3A_215 = tpu.memref_slice %arg4[%select_n3A_211, %add3A, %dma_start3A_214] : memref<16x32x64xi32, #tpu.memory_space<hbm>> -> memref<1x1x64xi32, #tpu.memory_space<hbm>>
          %dma_start3A_216 = tpu.memref_squeeze %dma_start3A_215 : memref<1x1x64xi32, #tpu.memory_space<hbm>> -> memref<64xi32, #tpu.memory_space<hbm>>
          tpu.enqueue_dma source(%arg9 : memref<64xi32, #tpu.memory_space<vmem>>) target(%dma_start3A_216 : memref<64xi32, #tpu.memory_space<hbm>>) target_semaphore(%run_scoped3A : memref<!tpu.dma_semaphore, #tpu.memory_space<semaphore_mem>>)
          %dma_wait3A = arith.constant 0 : i32
          %dma_wait3A_217 = tpu.memref_slice %arg4[%select_n3A_211, %add3A, %dma_wait3A] : memref<16x32x64xi32, #tpu.memory_space<hbm>> -> memref<1x1x64xi32, #tpu.memory_space<hbm>>
          %dma_wait3A_218 = tpu.memref_squeeze %dma_wait3A_217 : memref<1x1x64xi32, #tpu.memory_space<hbm>> -> memref<64xi32, #tpu.memory_space<hbm>>
          %dma_wait3A_219 = arith.constant 0 : i32
          %dma_wait3A_220 = tpu.memref_slice %arg4[%select_n3A_211, %add3A, %dma_wait3A_219] : memref<16x32x64xi32, #tpu.memory_space<hbm>> -> memref<1x1x64xi32, #tpu.memory_space<hbm>>
          %dma_wait3A_221 = tpu.memref_squeeze %dma_wait3A_220 : memref<1x1x64xi32, #tpu.memory_space<hbm>> -> memref<64xi32, #tpu.memory_space<hbm>>
          tpu.wait_dma2 semaphore(%run_scoped3A : memref<!tpu.dma_semaphore, #tpu.memory_space<semaphore_mem>>) src(%arg9 : memref<64xi32, #tpu.memory_space<vmem>>) dst(%dma_wait3A_221 : memref<64xi32, #tpu.memory_space<hbm>>)
          tpu.yield
        }) : () -> ()
      } else {
      }
      %scan3A_190 = arith.constant 0 : i32
      scf.yield %scan3A_190 : i32
    }
    %scan3A_13 = arith.constant 32 : i32
    %eq3A_14 = arith.constant 0 : i32
    %eq3A_15 = arith.cmpi eq, %arg1, %eq3A_14 : i32
    %convert_element_type3A_16 = arith.extui %eq3A_15 : i1 to i32
    %cond3A_17 = arith.constant 0 : i32
    %cond3A_18 = arith.cmpi ne, %convert_element_type3A_16, %cond3A_17 : i32
    scf.if %cond3A_18 {
      %add3A_19 = arith.constant 72253440 : i32
      %add3A_20 = arith.addi %add3A_19, %mul3A_5 : i32
      %add3A_21 = arith.constant 1806336 : i32
      %add3A_22 = arith.addi %add3A_20, %add3A_21 : i32
      %dma_wait3A = tpu.memref_slice %arg2[%add3A_22] : memref<77070336xf32, #tpu.memory_space<hbm>> -> memref<602112xf32, #tpu.memory_space<hbm>>
      tpu.wait_dma2 semaphore(%arg10 : memref<!tpu.dma_semaphore, #tpu.memory_space<semaphore_mem>>) src(%dma_wait3A : memref<602112xf32, #tpu.memory_space<hbm>>) dst(%arg5 : memref<602112xf32, #tpu.memory_space<vmem_shared>>)
      %add3A_23 = arith.constant 72253440 : i32
      %add3A_24 = arith.addi %add3A_23, %mul3A_5 : i32
      %add3A_25 = arith.constant 1806336 : i32
      %add3A_26 = arith.addi %add3A_24, %add3A_25 : i32
      %dma_wait3A_27 = tpu.memref_slice %arg2[%add3A_26] : memref<77070336xf32, #tpu.memory_space<hbm>> -> memref<602112xf32, #tpu.memory_space<hbm>>
      tpu.wait_dma2 semaphore(%arg11 : memref<!tpu.dma_semaphore, #tpu.memory_space<semaphore_mem>>) src(%dma_wait3A_27 : memref<602112xf32, #tpu.memory_space<hbm>>) dst(%arg6 : memref<602112xf32, #tpu.memory_space<vmem_shared>>)
    } else {
    }
    return
  }
}

module attributes {stable_mosaic.version = 14 : i64} {
  func.func @_merge_body(%arg0: memref<16x2048xf32, #tpu.memory_space<vmem>>, %arg1: memref<16x2048xi32, #tpu.memory_space<vmem>>, %arg2: memref<16x4x99xf32, #tpu.memory_space<vmem>>) attributes {dimension_semantics = [], scalar_prefetch = 0 : i64, scratch_operands = 0 : i64, tpu.core_type = #tpu.core_type<tc>} {
    %get3A = arith.constant 0 : index
    %get3A_0 = arith.constant 0 : index
    %get3A_1 = vector.load %arg0[%get3A, %get3A_0] : memref<16x2048xf32, #tpu.memory_space<vmem>>, vector<16x2048xf32>
    %get3A_2 = arith.constant 0 : index
    %get3A_3 = arith.constant 0 : index
    %get3A_4 = vector.load %arg1[%get3A_2, %get3A_3] : memref<16x2048xi32, #tpu.memory_space<vmem>>, vector<16x2048xi32>
    %reduce_max3A = arith.constant dense<0xFF800000> : vector<16xf32>
    %reduce_max3A_5 = vector.multi_reduction <maximumf>, %get3A_1, %reduce_max3A [1] : vector<16x2048xf32> to vector<16xf32>
    %broadcast_in_dim3A = vector.shape_cast %reduce_max3A_5 : vector<16xf32> to vector<16x1xf32>
    %eq3A = vector.broadcast %broadcast_in_dim3A : vector<16x1xf32> to vector<16x2048xf32>
    %eq3A_6 = arith.cmpf oeq, %get3A_1, %eq3A : vector<16x2048xf32>
    %jit3A = arith.constant 2147483647 : i32
    %broadcast_in_dim3A_7 = vector.broadcast %jit3A : i32 to vector<16x2048xi32>
    %select_n3A = arith.select %eq3A_6, %get3A_4, %broadcast_in_dim3A_7 : vector<16x2048xi1>, vector<16x2048xi32>
    %reduce_min3A = arith.constant dense<2147483647> : vector<16xi32>
    %reduce_min3A_8 = vector.multi_reduction <minsi>, %select_n3A, %reduce_min3A [1] : vector<16x2048xi32> to vector<16xi32>
    %broadcast_in_dim3A_9 = vector.shape_cast %reduce_min3A_8 : vector<16xi32> to vector<16x1xi32>
    %eq3A_10 = vector.broadcast %broadcast_in_dim3A_9 : vector<16x1xi32> to vector<16x2048xi32>
    %eq3A_11 = arith.cmpi eq, %get3A_4, %eq3A_10 : vector<16x2048xi32>
    %and3A = arith.andi %eq3A_6, %eq3A_11 : vector<16x2048xi1>
    %jit3A_12 = arith.constant 0xFF800000 : f32
    %broadcast_in_dim3A_13 = vector.broadcast %jit3A_12 : f32 to vector<16x2048xf32>
    %select_n3A_14 = arith.select %and3A, %broadcast_in_dim3A_13, %get3A_1 : vector<16x2048xi1>, vector<16x2048xf32>
    %reduce_max3A_15 = arith.constant dense<0xFF800000> : vector<16xf32>
    %reduce_max3A_16 = vector.multi_reduction <maximumf>, %select_n3A_14, %reduce_max3A_15 [1] : vector<16x2048xf32> to vector<16xf32>
    %broadcast_in_dim3A_17 = vector.shape_cast %reduce_max3A_16 : vector<16xf32> to vector<16x1xf32>
    %eq3A_18 = vector.broadcast %broadcast_in_dim3A_17 : vector<16x1xf32> to vector<16x2048xf32>
    %eq3A_19 = arith.cmpf oeq, %select_n3A_14, %eq3A_18 : vector<16x2048xf32>
    %jit3A_20 = arith.constant 2147483647 : i32
    %broadcast_in_dim3A_21 = vector.broadcast %jit3A_20 : i32 to vector<16x2048xi32>
    %select_n3A_22 = arith.select %eq3A_19, %get3A_4, %broadcast_in_dim3A_21 : vector<16x2048xi1>, vector<16x2048xi32>
    %reduce_min3A_23 = arith.constant dense<2147483647> : vector<16xi32>
    %reduce_min3A_24 = vector.multi_reduction <minsi>, %select_n3A_22, %reduce_min3A_23 [1] : vector<16x2048xi32> to vector<16xi32>
    %broadcast_in_dim3A_25 = vector.shape_cast %reduce_min3A_24 : vector<16xi32> to vector<16x1xi32>
    %eq3A_26 = vector.broadcast %broadcast_in_dim3A_25 : vector<16x1xi32> to vector<16x2048xi32>
    %eq3A_27 = arith.cmpi eq, %get3A_4, %eq3A_26 : vector<16x2048xi32>
    %and3A_28 = arith.andi %eq3A_19, %eq3A_27 : vector<16x2048xi1>
    %jit3A_29 = arith.constant 0xFF800000 : f32
    %broadcast_in_dim3A_30 = vector.broadcast %jit3A_29 : f32 to vector<16x2048xf32>
    %select_n3A_31 = arith.select %and3A_28, %broadcast_in_dim3A_30, %select_n3A_14 : vector<16x2048xi1>, vector<16x2048xf32>
    %reduce_max3A_32 = arith.constant dense<0xFF800000> : vector<16xf32>
    %reduce_max3A_33 = vector.multi_reduction <maximumf>, %select_n3A_31, %reduce_max3A_32 [1] : vector<16x2048xf32> to vector<16xf32>
    %broadcast_in_dim3A_34 = vector.shape_cast %reduce_max3A_33 : vector<16xf32> to vector<16x1xf32>
    %eq3A_35 = vector.broadcast %broadcast_in_dim3A_34 : vector<16x1xf32> to vector<16x2048xf32>
    %eq3A_36 = arith.cmpf oeq, %select_n3A_31, %eq3A_35 : vector<16x2048xf32>
    %jit3A_37 = arith.constant 2147483647 : i32
    %broadcast_in_dim3A_38 = vector.broadcast %jit3A_37 : i32 to vector<16x2048xi32>
    %select_n3A_39 = arith.select %eq3A_36, %get3A_4, %broadcast_in_dim3A_38 : vector<16x2048xi1>, vector<16x2048xi32>
    %reduce_min3A_40 = arith.constant dense<2147483647> : vector<16xi32>
    %reduce_min3A_41 = vector.multi_reduction <minsi>, %select_n3A_39, %reduce_min3A_40 [1] : vector<16x2048xi32> to vector<16xi32>
    %broadcast_in_dim3A_42 = vector.shape_cast %reduce_min3A_41 : vector<16xi32> to vector<16x1xi32>
    %eq3A_43 = vector.broadcast %broadcast_in_dim3A_42 : vector<16x1xi32> to vector<16x2048xi32>
    %eq3A_44 = arith.cmpi eq, %get3A_4, %eq3A_43 : vector<16x2048xi32>
    %and3A_45 = arith.andi %eq3A_36, %eq3A_44 : vector<16x2048xi1>
    %jit3A_46 = arith.constant 0xFF800000 : f32
    %broadcast_in_dim3A_47 = vector.broadcast %jit3A_46 : f32 to vector<16x2048xf32>
    %select_n3A_48 = arith.select %and3A_45, %broadcast_in_dim3A_47, %select_n3A_31 : vector<16x2048xi1>, vector<16x2048xf32>
    %reduce_max3A_49 = arith.constant dense<0xFF800000> : vector<16xf32>
    %reduce_max3A_50 = vector.multi_reduction <maximumf>, %select_n3A_48, %reduce_max3A_49 [1] : vector<16x2048xf32> to vector<16xf32>
    %broadcast_in_dim3A_51 = vector.shape_cast %reduce_max3A_50 : vector<16xf32> to vector<16x1xf32>
    %eq3A_52 = vector.broadcast %broadcast_in_dim3A_51 : vector<16x1xf32> to vector<16x2048xf32>
    %eq3A_53 = arith.cmpf oeq, %select_n3A_48, %eq3A_52 : vector<16x2048xf32>
    %jit3A_54 = arith.constant 2147483647 : i32
    %broadcast_in_dim3A_55 = vector.broadcast %jit3A_54 : i32 to vector<16x2048xi32>
    %select_n3A_56 = arith.select %eq3A_53, %get3A_4, %broadcast_in_dim3A_55 : vector<16x2048xi1>, vector<16x2048xi32>
    %reduce_min3A_57 = arith.constant dense<2147483647> : vector<16xi32>
    %reduce_min3A_58 = vector.multi_reduction <minsi>, %select_n3A_56, %reduce_min3A_57 [1] : vector<16x2048xi32> to vector<16xi32>
    %broadcast_in_dim3A_59 = vector.shape_cast %reduce_min3A_58 : vector<16xi32> to vector<16x1xi32>
    %concatenate3A = tpu.concatenate %broadcast_in_dim3A, %broadcast_in_dim3A_17, %broadcast_in_dim3A_34, %broadcast_in_dim3A_51 in 1 : vector<16x1xf32>, vector<16x1xf32>, vector<16x1xf32>, vector<16x1xf32> -> vector<16x4xf32>
    %concatenate3A_60 = tpu.concatenate %broadcast_in_dim3A_9, %broadcast_in_dim3A_25, %broadcast_in_dim3A_42, %broadcast_in_dim3A_59 in 1 : vector<16x1xi32>, vector<16x1xi32>, vector<16x1xi32>, vector<16x1xi32> -> vector<16x4xi32>
    %jit3A_61 = arith.constant 50176 : i32
    %div3A = vector.broadcast %jit3A_61 : i32 to vector<16x4xi32>
    %div3A_62 = arith.divsi %concatenate3A_60, %div3A : vector<16x4xi32>
    %sign3A = arith.constant 0 : i32
    %sign3A_63 = vector.broadcast %sign3A : i32 to vector<16x4xi32>
    %sign3A_64 = arith.cmpi sgt, %concatenate3A_60, %sign3A_63 : vector<16x4xi32>
    %sign3A_65 = arith.extui %sign3A_64 : vector<16x4xi1> to vector<16x4xi32>
    %sign3A_66 = arith.constant 0 : i32
    %sign3A_67 = vector.broadcast %sign3A_66 : i32 to vector<16x4xi32>
    %sign3A_68 = arith.cmpi slt, %concatenate3A_60, %sign3A_67 : vector<16x4xi32>
    %sign3A_69 = arith.extui %sign3A_68 : vector<16x4xi1> to vector<16x4xi32>
    %sign3A_70 = arith.subi %sign3A_65, %sign3A_69 : vector<16x4xi32>
    %sign3A_71 = arith.constant 0 : i32
    %sign3A_72 = arith.cmpi sgt, %jit3A_61, %sign3A_71 : i32
    %sign3A_73 = arith.extui %sign3A_72 : i1 to i32
    %sign3A_74 = arith.constant 0 : i32
    %sign3A_75 = arith.cmpi slt, %jit3A_61, %sign3A_74 : i32
    %sign3A_76 = arith.extui %sign3A_75 : i1 to i32
    %sign3A_77 = arith.subi %sign3A_73, %sign3A_76 : i32
    %ne3A = vector.broadcast %sign3A_77 : i32 to vector<16x4xi32>
    %ne3A_78 = arith.cmpi ne, %sign3A_70, %ne3A : vector<16x4xi32>
    %rem3A = vector.broadcast %jit3A_61 : i32 to vector<16x4xi32>
    %rem3A_79 = arith.remsi %concatenate3A_60, %rem3A : vector<16x4xi32>
    %ne3A_80 = arith.constant 0 : i32
    %ne3A_81 = vector.broadcast %ne3A_80 : i32 to vector<16x4xi32>
    %ne3A_82 = arith.cmpi ne, %rem3A_79, %ne3A_81 : vector<16x4xi32>
    %and3A_83 = arith.andi %ne3A_78, %ne3A_82 : vector<16x4xi1>
    %sub3A = arith.constant 1 : i32
    %sub3A_84 = vector.broadcast %sub3A : i32 to vector<16x4xi32>
    %sub3A_85 = arith.subi %div3A_62, %sub3A_84 : vector<16x4xi32>
    %select_n3A_86 = arith.select %and3A_83, %sub3A_85, %div3A_62 : vector<16x4xi1>, vector<16x4xi32>
    %jit3A_87 = arith.constant 50176 : i32
    %eq3A_88 = arith.constant 0 : i32
    %eq3A_89 = arith.cmpi eq, %jit3A_87, %eq3A_88 : i32
    %jit3A_90 = arith.constant 1 : i32
    %select_n3A_91 = arith.select %eq3A_89, %jit3A_90, %jit3A_87 : i32
    %rem3A_92 = vector.broadcast %select_n3A_91 : i32 to vector<16x4xi32>
    %rem3A_93 = arith.remsi %concatenate3A_60, %rem3A_92 : vector<16x4xi32>
    %ne3A_94 = arith.constant 0 : i32
    %ne3A_95 = vector.broadcast %ne3A_94 : i32 to vector<16x4xi32>
    %ne3A_96 = arith.cmpi ne, %rem3A_93, %ne3A_95 : vector<16x4xi32>
    %lt3A = arith.constant 0 : i32
    %lt3A_97 = vector.broadcast %lt3A : i32 to vector<16x4xi32>
    %lt3A_98 = arith.cmpi slt, %rem3A_93, %lt3A_97 : vector<16x4xi32>
    %lt3A_99 = arith.constant 0 : i32
    %lt3A_100 = arith.cmpi slt, %select_n3A_91, %lt3A_99 : i32
    %ne3A_101 = vector.broadcast %lt3A_100 : i1 to vector<16x4xi1>
    %ne3A_102 = vector.broadcast %ne3A_101 : vector<16x4xi1> to vector<16x4xi1>
    %ne3A_103 = arith.xori %lt3A_98, %ne3A_102 : vector<16x4xi1>
    %and3A_104 = arith.andi %ne3A_103, %ne3A_96 : vector<16x4xi1>
    %add3A = vector.broadcast %select_n3A_91 : i32 to vector<16x4xi32>
    %add3A_105 = arith.addi %rem3A_93, %add3A : vector<16x4xi32>
    %select_n3A_106 = arith.select %and3A_104, %add3A_105, %rem3A_93 : vector<16x4xi1>, vector<16x4xi32>
    %jit3A_107 = arith.constant 224 : i32
    %eq3A_108 = arith.constant 0 : i32
    %eq3A_109 = arith.cmpi eq, %jit3A_107, %eq3A_108 : i32
    %jit3A_110 = arith.constant 1 : i32
    %select_n3A_111 = arith.select %eq3A_109, %jit3A_110, %jit3A_107 : i32
    %rem3A_112 = vector.broadcast %select_n3A_111 : i32 to vector<16x4xi32>
    %rem3A_113 = arith.remsi %select_n3A_106, %rem3A_112 : vector<16x4xi32>
    %ne3A_114 = arith.constant 0 : i32
    %ne3A_115 = vector.broadcast %ne3A_114 : i32 to vector<16x4xi32>
    %ne3A_116 = arith.cmpi ne, %rem3A_113, %ne3A_115 : vector<16x4xi32>
    %lt3A_117 = arith.constant 0 : i32
    %lt3A_118 = vector.broadcast %lt3A_117 : i32 to vector<16x4xi32>
    %lt3A_119 = arith.cmpi slt, %rem3A_113, %lt3A_118 : vector<16x4xi32>
    %lt3A_120 = arith.constant 0 : i32
    %lt3A_121 = arith.cmpi slt, %select_n3A_111, %lt3A_120 : i32
    %ne3A_122 = vector.broadcast %lt3A_121 : i1 to vector<16x4xi1>
    %ne3A_123 = vector.broadcast %ne3A_122 : vector<16x4xi1> to vector<16x4xi1>
    %ne3A_124 = arith.xori %lt3A_119, %ne3A_123 : vector<16x4xi1>
    %and3A_125 = arith.andi %ne3A_124, %ne3A_116 : vector<16x4xi1>
    %add3A_126 = vector.broadcast %select_n3A_111 : i32 to vector<16x4xi32>
    %add3A_127 = arith.addi %rem3A_113, %add3A_126 : vector<16x4xi32>
    %select_n3A_128 = arith.select %and3A_125, %add3A_127, %rem3A_113 : vector<16x4xi1>, vector<16x4xi32>
    %convert_element_type3A = arith.sitofp %select_n3A_128 : vector<16x4xi32> to vector<16x4xf32>
    %div3A_129 = arith.constant 2.230000e+02 : f32
    %div3A_130 = vector.broadcast %div3A_129 : f32 to vector<16x4xf32>
    %div3A_131 = arith.divf %convert_element_type3A, %div3A_130 : vector<16x4xf32>
    %jit3A_132 = arith.constant 224 : i32
    %div3A_133 = vector.broadcast %jit3A_132 : i32 to vector<16x4xi32>
    %div3A_134 = arith.divsi %select_n3A_106, %div3A_133 : vector<16x4xi32>
    %sign3A_135 = arith.constant 0 : i32
    %sign3A_136 = vector.broadcast %sign3A_135 : i32 to vector<16x4xi32>
    %sign3A_137 = arith.cmpi sgt, %select_n3A_106, %sign3A_136 : vector<16x4xi32>
    %sign3A_138 = arith.extui %sign3A_137 : vector<16x4xi1> to vector<16x4xi32>
    %sign3A_139 = arith.constant 0 : i32
    %sign3A_140 = vector.broadcast %sign3A_139 : i32 to vector<16x4xi32>
    %sign3A_141 = arith.cmpi slt, %select_n3A_106, %sign3A_140 : vector<16x4xi32>
    %sign3A_142 = arith.extui %sign3A_141 : vector<16x4xi1> to vector<16x4xi32>
    %sign3A_143 = arith.subi %sign3A_138, %sign3A_142 : vector<16x4xi32>
    %sign3A_144 = arith.constant 0 : i32
    %sign3A_145 = arith.cmpi sgt, %jit3A_132, %sign3A_144 : i32
    %sign3A_146 = arith.extui %sign3A_145 : i1 to i32
    %sign3A_147 = arith.constant 0 : i32
    %sign3A_148 = arith.cmpi slt, %jit3A_132, %sign3A_147 : i32
    %sign3A_149 = arith.extui %sign3A_148 : i1 to i32
    %sign3A_150 = arith.subi %sign3A_146, %sign3A_149 : i32
    %ne3A_151 = vector.broadcast %sign3A_150 : i32 to vector<16x4xi32>
    %ne3A_152 = arith.cmpi ne, %sign3A_143, %ne3A_151 : vector<16x4xi32>
    %rem3A_153 = vector.broadcast %jit3A_132 : i32 to vector<16x4xi32>
    %rem3A_154 = arith.remsi %select_n3A_106, %rem3A_153 : vector<16x4xi32>
    %ne3A_155 = arith.constant 0 : i32
    %ne3A_156 = vector.broadcast %ne3A_155 : i32 to vector<16x4xi32>
    %ne3A_157 = arith.cmpi ne, %rem3A_154, %ne3A_156 : vector<16x4xi32>
    %and3A_158 = arith.andi %ne3A_152, %ne3A_157 : vector<16x4xi1>
    %sub3A_159 = arith.constant 1 : i32
    %sub3A_160 = vector.broadcast %sub3A_159 : i32 to vector<16x4xi32>
    %sub3A_161 = arith.subi %div3A_134, %sub3A_160 : vector<16x4xi32>
    %select_n3A_162 = arith.select %and3A_158, %sub3A_161, %div3A_134 : vector<16x4xi1>, vector<16x4xi32>
    %convert_element_type3A_163 = arith.sitofp %select_n3A_162 : vector<16x4xi32> to vector<16x4xf32>
    %div3A_164 = arith.constant 2.230000e+02 : f32
    %div3A_165 = vector.broadcast %div3A_164 : f32 to vector<16x4xf32>
    %div3A_166 = arith.divf %convert_element_type3A_163, %div3A_165 : vector<16x4xf32>
    %iota3A = tpu.iota {dimensions = array<i32: 2>} : vector<16x4x99xi32>
    %broadcast_in_dim3A_167 = vector.shape_cast %select_n3A_86 : vector<16x4xi32> to vector<16x4x1xi32>
    %eq3A_168 = vector.broadcast %broadcast_in_dim3A_167 : vector<16x4x1xi32> to vector<16x4x99xi32>
    %eq3A_169 = arith.cmpi eq, %iota3A, %eq3A_168 : vector<16x4x99xi32>
    %convert_element_type3A_170 = arith.extui %eq3A_169 : vector<16x4x99xi1> to vector<16x4x99xi32>
    %convert_element_type3A_171 = arith.sitofp %convert_element_type3A_170 : vector<16x4x99xi32> to vector<16x4x99xf32>
    %eq3A_172 = arith.constant 96 : i32
    %eq3A_173 = vector.broadcast %eq3A_172 : i32 to vector<16x4x99xi32>
    %eq3A_174 = arith.cmpi eq, %iota3A, %eq3A_173 : vector<16x4x99xi32>
    %broadcast_in_dim3A_175 = vector.shape_cast %concatenate3A : vector<16x4xf32> to vector<16x4x1xf32>
    %broadcast_in_dim3A_176 = vector.shape_cast %broadcast_in_dim3A_175 : vector<16x4x1xf32> to vector<16x4x1xf32>
    %broadcast_in_dim3A_177 = vector.broadcast %broadcast_in_dim3A_176 : vector<16x4x1xf32> to vector<16x4x99xf32>
    %select_n3A_178 = arith.select %eq3A_174, %broadcast_in_dim3A_177, %convert_element_type3A_171 : vector<16x4x99xi1>, vector<16x4x99xf32>
    %eq3A_179 = arith.constant 97 : i32
    %eq3A_180 = vector.broadcast %eq3A_179 : i32 to vector<16x4x99xi32>
    %eq3A_181 = arith.cmpi eq, %iota3A, %eq3A_180 : vector<16x4x99xi32>
    %broadcast_in_dim3A_182 = vector.shape_cast %div3A_131 : vector<16x4xf32> to vector<16x4x1xf32>
    %broadcast_in_dim3A_183 = vector.shape_cast %broadcast_in_dim3A_182 : vector<16x4x1xf32> to vector<16x4x1xf32>
    %broadcast_in_dim3A_184 = vector.broadcast %broadcast_in_dim3A_183 : vector<16x4x1xf32> to vector<16x4x99xf32>
    %select_n3A_185 = arith.select %eq3A_181, %broadcast_in_dim3A_184, %select_n3A_178 : vector<16x4x99xi1>, vector<16x4x99xf32>
    %eq3A_186 = arith.constant 98 : i32
    %eq3A_187 = vector.broadcast %eq3A_186 : i32 to vector<16x4x99xi32>
    %eq3A_188 = arith.cmpi eq, %iota3A, %eq3A_187 : vector<16x4x99xi32>
    %broadcast_in_dim3A_189 = vector.shape_cast %div3A_166 : vector<16x4xf32> to vector<16x4x1xf32>
    %broadcast_in_dim3A_190 = vector.shape_cast %broadcast_in_dim3A_189 : vector<16x4x1xf32> to vector<16x4x1xf32>
    %broadcast_in_dim3A_191 = vector.broadcast %broadcast_in_dim3A_190 : vector<16x4x1xf32> to vector<16x4x99xf32>
    %select_n3A_192 = arith.select %eq3A_188, %broadcast_in_dim3A_191, %select_n3A_185 : vector<16x4x99xi1>, vector<16x4x99xf32>
    %swap3A = arith.constant 0 : index
    %swap3A_193 = arith.constant 0 : index
    %swap3A_194 = arith.constant 0 : index
    %swap3A_195 = vector.load %arg2[%swap3A, %swap3A_193, %swap3A_194] : memref<16x4x99xf32, #tpu.memory_space<vmem>>, vector<16x4x99xf32>
    tpu.vector_store %arg2[%swap3A, %swap3A_193, %swap3A_194], %select_n3A_192 {strides = array<i32>} : memref<16x4x99xf32, #tpu.memory_space<vmem>>, vector<16x4x99xf32>,
    return
  }
}

</mosaic_0001>

<sc_bundles>
// kernel: kernel.4.cloned.1.call-start
scs
__scs_entry_jumppad:
0x0: {  	(pc) =	sbr.rel $0x88, $3  }
0x1: {  	(tag) =	ssettag $0x0;
	lr =	simm.s32 $0x1  }
0x2: {  	[smem:$0x3FA0] =	sst lr;
	_ =	strace $0xD0000000  }
0x3: {  	_ = 	snop  }
0x4: {  	_ = 	snop  }
0x5: {  	_ = 	snop  }
0x6: {  	_ = 	snop  }
0x7: {  	_ = 	snop  }
__scs_overlays_trampoline_lowered:
0x8: {  	[smem:$0x3FAF] =	sst s0  }
0x9: {  	[smem:$0x3FB0] =	sst s1  }
0xa: {  	[smem:$0x3FB1] =	sst s2  }
0xb: {  	[smem:$0x3FB2] =	sst s3  }
0xc: {  	[smem:$0x3FB3] =	sst s4  }
0xd: {  	[smem:$0x3FB4] =	sst s5  }
0xe: {  	[smem:$0x3FB5] =	sst s6  }
0xf: {  	[smem:$0x3FB6] =	sst s7  }
0x10: {  	[smem:$0x3FB7] =	sst s8  }
0x11: {  	[smem:$0x3FB8] =	sst s9;
	s0 =	simm.s32 @!p0 $0x0  }
0x12: {  	s1 =	sld [smem:$0x3F9E];
	s0 =	simm.s32 @p0 $0x1  }
0x13: {  	[smem:$0x3FB9] =	sst s0;
	s0 =	simm.s32 @!p1 $0x0  }
0x14: {  	s2 =	sld [smem:$0x3F9D];
	s0 =	simm.s32 @p1 $0x1  }
0x15: {  	[smem:$0x3FBA] =	sst s0;
	s0 =	simm.s32 @!p2 $0x0  }
0x16: {  	s3 =	sld [smem:$0x3FDB];
	s0 =	simm.s32 @p2 $0x1  }
0x17: {  	s4 =	simm.s32 $0x1BF5;
	[smem:$0x3FBC] =	sst s0  }
0x18: {  	s0 =	sld [smem:$0x3F9F];
	_ =	swait.ge [sflag:s4], $0x0  }
0x19: {  	s7 =	sld [smem:$0x3FA0]  }
0x1a: {  	s8 =	sadd.s32 $0xFFFFE003, lr  }
0x1b: {  	s9 =	sadd.s32 $0xFFFFFEF7, lr;
	s5 =	simm.s32 $0xFFFFFFFF;
	p2 =	slt.u32 s8, $0xFFFFF086  }
0x1c: {  	p1 =	slt.u32 s9, $0xF7A;
	s5 =	simm.s32 @!p2 $0x0  }
0x1d: {  	s5 =	simm.s32 @p1 $0x1;
	p0 =	seq.s32 s7, s2  }
0x1e: {  	s7 =	smul.u32 @!p0 $0xF7A, s2;
	p2 =	seq.s32 @!p0 s5, $0x0  }
0x1f: {  	s9 =	smul.u32 $0xF7A, s1;
	s8 =	simm.s32 @!p0 $0x1BF5;
	p2 =	por !p2, p0  }
0x20: {  	[sflag:s8] =	ssyncset.s32 @!p0 $0xFFFFF086;
	s6 =	sadd.s32 @!p0 s3, s7;
	s7 =	simm.s32 @!p0 $0x108  }
0x21: {  	s3 =	sadd.s32 s3, s9;
	s6 =	sadd.s32 @!p0 $0x88, s6;
	s7 =	simm.s32 @p2 $0x1082  }
0x22: {  	[simem:s7], [sflag:s8] =	dma.local @!p0 [hbm:s6], $0xF7A  }
0x23: {  	s9 =	sor.u32 $0xD0000000, s2;
	s6 =	simm.s32 $0x108;
	_ =	swait.ge @!p0 [sflag:s8], $0x0  }
0x24: {  	s3 =	sadd.s32 $0x88, s3;
	s6 =	simm.s32 @!p1 $0x1082;
	[sflag:s4] =	ssyncset.s32 $0xFFFFF086  }
0x25: {  	[simem:s6], [sflag:s4] =	dma.local [hbm:s3], $0xF7A  }
0x26: {  	[smem:$0x3FA0] =	sst s1;
	(tag) =	ssettag s2;
	_ =	strace s9  }
0x27: {  	s1 =	sld [smem:$0x3FB0]  }
0x28: {  	s2 =	sld [smem:$0x3FB1]  }
0x29: {  	s4 =	sld [smem:$0x3FB3]  }
0x2a: {  	p0 =	seq.s32 s5, $0x0;
	s5 =	sld [smem:$0x3FB4]  }
0x2b: {  	s6 =	sld [smem:$0x3FB5]  }
0x2c: {  	s7 =	sld [smem:$0x3FB6]  }
0x2d: {  	s3 =	simm.s32 $0x108;
	s8 =	sld [smem:$0x3FB7]  }
0x2e: {  	s3 =	simm.s32 @!p0 $0x1082;
	s9 =	sld [smem:$0x3FB8]  }
0x2f: {  	lr =	sadd.s32 s0, s3;
	s0 =	sld [smem:$0x3FAF]  }
0x30: {  	s3 =	sld [smem:$0x3FB2]  }
0x31: {  	[smem:$0x3FBB] =	sst s10  }
0x32: {  	s10 =	sld [smem:$0x3FB9];
	_ =	sdelay $0x3  }
0x33: {  	p0 =	seq.s32 s10, $0x1;
	s10 =	sld [smem:$0x3FBB];
	_ =	sdelay $0x3  }
0x34: {  	[smem:$0x3FBB] =	sst s10  }
0x35: {  	s10 =	sld [smem:$0x3FBA];
	_ =	sdelay $0x3  }
0x36: {  	p1 =	seq.s32 s10, $0x1;
	s10 =	sld [smem:$0x3FBB];
	_ =	sdelay $0x3  }
0x37: {  	[smem:$0x3FBB] =	sst s10  }
0x38: {  	s10 =	sld [smem:$0x3FBC]  }
0x39: {  	_ = 	snop;
	(pc) =	sbr.ind lr, $3  }
0x3a: {  	_ = 	snop  }
0x3b: {  	_ = 	snop  }
0x3c: {  	p2 =	seq.s32 s10, $0x1;
	s10 =	sld [smem:$0x3FBB]  }
0x3d: {  	_ =	shalt  }
0x3e: {  	_ =	shalt  }
0x3f: {  	_ =	shalt  }
0x40: {  	_ =	shalt  }
0x41: {  	_ =	shalt  }
0x42: {  	_ =	shalt  }
0x43: {  	_ =	shalt  }
0x44: {  	_ =	shalt  }
0x45: {  	_ =	shalt  }
0x46: {  	_ =	shalt  }
0x47: {  	_ =	shalt  }
0x48: {  	_ =	shalt  }
0x49: {  	_ =	shalt  }
0x4a: {  	_ =	shalt  }
0x4b: {  	_ =	shalt  }
0x4c: {  	_ =	shalt  }
0x4d: {  	_ =	shalt  }
0x4e: {  	_ =	shalt  }
0x4f: {  	_ =	shalt  }
0x50: {  	_ =	shalt  }
0x51: {  	_ =	shalt  }
0x52: {  	_ =	shalt  }
0x53: {  	_ =	shalt  }
0x54: {  	_ =	shalt  }
0x55: {  	_ =	shalt  }
0x56: {  	_ =	shalt  }
0x57: {  	_ =	shalt  }
0x58: {  	_ =	shalt  }
0x59: {  	_ =	shalt  }
0x5a: {  	_ =	shalt  }
0x5b: {  	_ =	shalt  }
0x5c: {  	_ =	shalt  }
0x5d: {  	_ =	shalt  }
0x5e: {  	_ =	shalt  }
0x5f: {  	_ =	shalt  }
0x60: {  	_ =	shalt  }
0x61: {  	_ =	shalt  }
0x62: {  	_ =	shalt  }
0x63: {  	_ =	shalt  }
0x64: {  	_ =	shalt  }
0x65: {  	_ =	shalt  }
0x66: {  	_ =	shalt  }
0x67: {  	_ =	shalt  }
0x68: {  	_ =	shalt  }
0x69: {  	_ =	shalt  }
0x6a: {  	_ =	shalt  }
0x6b: {  	_ =	shalt  }
0x6c: {  	_ =	shalt  }
0x6d: {  	_ =	shalt  }
0x6e: {  	_ =	shalt  }
0x6f: {  	_ =	shalt  }
0x70: {  	_ =	shalt  }
0x71: {  	_ =	shalt  }
0x72: {  	_ =	shalt  }
0x73: {  	_ =	shalt  }
0x74: {  	_ =	shalt  }
0x75: {  	_ =	shalt  }
0x76: {  	_ =	shalt  }
0x77: {  	_ =	shalt  }
0x78: {  	_ =	shalt  }
0x79: {  	_ =	shalt  }
0x7a: {  	_ =	shalt  }
0x7b: {  	_ =	shalt  }
0x7c: {  	_ =	shalt  }
0x7d: {  	_ =	shalt  }
0x7e: {  	_ =	shalt  }
0x7f: {  	_ =	shalt  }
0x80: {  	_ =	shalt  }
0x81: {  	_ =	shalt  }
0x82: {  	_ =	shalt  }
0x83: {  	_ =	shalt  }
0x84: {  	_ =	shalt  }
0x85: {  	_ =	shalt  }
0x86: {  	_ =	shalt  }
0x87: {  	_ =	shalt  }
.Lfunc_end0:
.L_simem_size_0:
called_computation_lowered:
.L_overlay_start_0:
0x88: {  	s2 =	sld [smem:$0x3FD9]  }
0x89: {  	s3 =	sld [smem:$0x3FFE];
	_ =	sdelay $0x1  }
0x8a: {  	s1 =	srdreg.scid  }
0x8b: {  	s0 =	sand.u32 $0x1, s1  }
0x8c: {  	s16 =	sshll.u32 s0, $0xA;
	s2 =	sadd.s32 s3, s2  }
0x8d: {  	s2 =	sadd.s32 s2, s16  }
0x8e: {  	[smem:$0x3FC7] =	sst s2  }
0x8f: {  	_ = 	snop  }
0x90: {  	(tm) =	ssettm $0x1  }
0x91: {  	s17 =	sld [smem:$0x3FFB];
	_ =	sdelay $0x3  }
0x92: {  	_ =	strace s17  }
0x93: {  	s2 =	sld [smem:$0x3FFC];
	_ =	sdelay $0x3  }
0x94: {  	_ =	strace s2  }
0x95: {  	s2 =	sld [smem:$0x3FFD];
	_ =	sdelay $0x3  }
0x96: {  	_ =	strace s2  }
0x97: {  	_ =	strace $0x8FFFFFFF  }
0x98: {  	s18 =	sld [smem:$0x3FDB];
	_ =	sdelay $0x1  }
0x99: {  	s19 =	simm.s32 $_scs_section_size  }
0x9a: {  	s4 =	simm.s32 $_size__tile_overlayer_lowered;
	s5 =	simm.s32 $_tile_overlayer_lowered  }
0x9b: {  	s22 =	simm.s32 $0x1BFF;
	s21 =	sshll.u32 s5, $0x1;
	s2 =	sadd.s32 s19, s18  }
0x9c: {  	s6 =	simm.s32 $0x0;
	s20 =	sshll.u32 s4, $0x1;
	s4 =	sadd.s32 s21, s2  }
0x9d: {  	[timem:s6], [sflag:s22] =	dma.local [hbm:s4], s20  }
0x9e: {  	_ =	swait.ge [sflag:s22], s20  }
0x9f: {  	s3 =	ssub.s32 $0x0, s20;
	[sflag:s22] =	ssyncset.done $0x0  }
0xa0: {  	[sflag:s22] =	ssyncadd.s32 s3;
	_ =	sdelay $0x1  }
0xa1: {  	s23 =	simm.s32 $0x1B8B  }
0xa2: {  	_ =	swait.ge [sflag:s23], $0x1  }
0xa3: {  	[sflag:s23] =	ssyncset.done $0x0  }
0xa4: {  	s25 =	simm.s32 $0x1B8E;
	s24 =	sld [smem:$0x3FFE];
	[sflag:s23] =	ssyncadd.s32 $0xFFFFFFFF  }
0xa5: {  	s26 =	simm.s32 $execute0_lowered;
	[smem:$0x3FD2] =	sst s25  }
0xa6: {  	s4 =	sshll.u32 s26, $0x1;
	_ =	strace $0x80000046;
	[dreg:$0x1] =	wrdreg $0xFFFFFFFF  }
0xa7: {  	s28 =	simm.s32 $_size_execute0_lowered;
	s2 =	sadd.s32 s2, s4;
	[dreg:$0x0] =	wrdreg $0x0  }
0xa8: {  	s4 =	sshll.u32 s28, $0x1;
	[dreg:$0x2] =	wrdreg s2  }
0xa9: {  	[dreg:$0x3] =	wrdreg s4  }
0xaa: {  	[dreg:$0x4] =	wrdreg $0xC0  }
0xab: {  	_ =	task [dreg:s6], $0x5FFFF  }
0xac: {  	[dreg:$0x1] =	wrdreg $0xFFFFFFFF  }
0xad: {  	[dreg:$0x0] =	wrdreg $0x60  }
0xae: {  	[dreg:$0x2] =	wrdreg s24  }
0xaf: {  	[dreg:$0x3] =	wrdreg $0x0  }
0xb0: {  	[dreg:$0x4] =	wrdreg $0x93000  }
0xb1: {  	[dreg:$0x5] =	wrdreg $0x9  }
0xb2: {  	_ =	task.clear_ibuf [dreg:s6], $0x6FFFF;
	_ =	strace $0x90000046  }
0xb3: {  	s29 =	simm.s32 $0x9;
	_ =	strace $0x80000048  }
0xb4: {  	_ =	swait.ge [sflag:s29], $0x1  }
0xb5: {  	[sflag:s29] =	ssyncadd.s32 $0xFFFFFFFF  }
0xb6: {  	_ =	strace $0x90000048  }
0xb7: {  	_ =	sfence  }
0xb8: {  	s30 =	sld [smem:$0x0];
	_ =	sdelay $0x2  }
0xb9: {  	s31 =	sshll.u32 s1, $0xD;
	s1 =	sshrl.u32 s1, $0x2  }
0xba: {  	s3 =	sand.u32 $0x4000, s31;
	s1 =	sadd.s32 s1, s30  }
0xbb: {  	s0 =	sor.u32 s3, s0;
	s1 =	sshll.u32 s1, $0x11  }
0xbc: {  	s0 =	sor.u32 s1, s0  }
0xbd: {  	s0 =	sadd.s32 $0x8F2B, s0  }
0xbe: {  	[sflag:s0] =	ssyncadd.remote.s32 $0x1  }
0xbf: {  	_ =	sfence.sel $0xFFFF  }
0xc0: {  	[dreg:$0x0] =	wrdreg $0xFFFFFFFF;
	(pc) =	sbr.abs _section_cstart, $3  }
0xc1: {  	[dreg:$0x1] =	wrdreg $0xFFFFFFFF  }
0xc2: {  	_ =	task.clear_ibuf [dreg:s6], $0x2FFFF;
	_ =	strace $0x9FFFFFFF  }
0xc3: {  	(tm) =	ssettm $0x7FFFFFFF  }
tec
execute0_lowered:
.L_overlay_start_1:
0x0: {  	(tag) =	ssettag $0x1  }
0x1: {  	s6 =	rddreg [dreg:$0x0]  }
0x2: {  	s13 =	rddreg [dreg:$0x1]  }
0x3: {  	s14 =	rddreg [dreg:$0x2];
	s2 =	srdreg.scid  }
0x4: {  	s0 =	rddreg [dreg:$0x3];
	s1 =	simm.s32 $0x0;
	s11 =	stileid.u32  }
0x5: {  	s10 =	sand.u32 $0x1, s2;
	[smem:$0x7FF] =	sst s1;
	s4 =	sadd.s32 $0x930800, s6  }
0x6: {  	s3 =	sadd.s32 $0x800, s6;
	s12 =	smul.u32 $0x9300, s11;
	s6 =	sadd.s32 $0x932800, s6  }
0x7: {  	s16 =	sshll.u32 s11, $0x5;
	p0 =	sne.s32 s11, $0x0;
	s2 =	smul.u32 $0x24C000, s10  }
0x8: {  	_ =	strace $0x80000047;
	s7 =	ssub.s32 $0x2, s10;
	s17 =	sshll.u32 s10, $0x4  }
.Ltmp0:
0x9: {  	s8 =	sshrl.u32 s7, $0x1;
	s9 =	sadd.s32 s12, s14;
	(pc) =	sbr.rel .LBB2_1-.Ltmp0, $4  }
0xa: {  	s11 =	sor.u32 s17, s16;
	s14 =	sshrl.u32 @!p0 s14, $0x3;
	s16 =	simm.s32 $0x4  }
0xb: {  	s5 =	sshrl.u32 s2, $0x3;
	s15 =	ssub.s32 s7, s8;
	s8 =	sadd.s32 s12, s13  }
0xc: {  	s12 =	sadd.s32 s12, s2;
	s13 =	sshrl.u32 @!p0 s13, $0x3;
	s5 =	sadd.s32 s3, s5  }
0xd: {  	v0 =	vlaneseq.u32;
	s10 =	smax.u32 s15, $0x1;
	s15 =	simm.s32 $0x12600;
	s7 =	sadd.s32 $0x12600, s5  }
.LBB2_11:
0xe: {  	s17 =	simm.s32 @!p0 $0x1;
	s1 =	sadd.s32 $0x1, s1  }
0xf: {  	_ =	swait.ge @!p0 [sflag:s17], $0x12600;
	p1 =	sne.s32 s1, s10  }
.Ltmp1:
0x10: {  	[sflag:s17] =	ssyncset.done @!p0 $0x0;
	(pc) =	sbr.rel @!p1 .LBB2_12-.Ltmp1, $4  }
0x11: {  	[sflag:s17] =	ssyncadd.s32 @!p0 $0xFFFEDA00;
	s17 =	simm.s32 @!p0 $0x2  }
0x12: {  	_ =	swait.ge @!p0 [sflag:s17], $0x12600  }
0x13: {  	[sflag:s17] =	ssyncset.done @!p0 $0x0  }
0x14: {  	[sflag:s17] =	ssyncadd.s32 @!p0 $0xFFFEDA00  }
.LBB2_1:
.Ltmp2:
0x15: {  	(pc) =	sbr.rel .LBB2_2-.Ltmp2, $4  }
0x16: {  	s17 =	simm.s32 @!p0 $0x1C01;
	s18 =	simm.s32 @!p0 $0x1C02  }
0x17: {  	[spmem:s13], [sflag:s17] =	dma.local @!p0 [hbm:s5], $0x12600  }
0x18: {  	[spmem:s14], [sflag:s18] =	dma.local @!p0 [hbm:s7], $0x12600  }
0x19: {  	p1 =	por $0x0, $0x0;
	s18 =	simm.s32 $0x0  }
.LBB2_10:
0x1a: {  	p2 =	seq.s32 s19, $0x0  }
0x1b: {  	s19 =	sshll.u32 @!p2 s18, $0x8  }
0x1c: {  	s19 =	sand.u32 @!p2 $0x1E00, s19  }
0x1d: {  	s19 =	sor.u32 @!p2 s11, s19  }
0x1e: {  	s21 =	simm.s32 @!p2 $0x0;
	s22 =	simm.s32 @!p2 $0x1B900;
	s20 =	sadd.s32 @!p2 s4, s19  }
0x1f: {  	[hbm4b:s20+s21] =	stream.linear.scatter @!p2 [tilespmem:s22], [sflag:$0x4], $0x80, $0x38;
	[tilespmem:$0x1BA00] =	vst v63  }
0x20: {  	s20 =	simm.s32 @!p2 $0x4  }
0x21: {  	s18 =	sadd.s32 $0x1, s18;
	_ =	swait.ge @!p2 [sflag:s20], $0x80  }
0x22: {  	p3 =	sne.s32 s18, $0x20;
	[sflag:s20] =	ssyncset.done @!p2 $0x0  }
0x23: {  	s19 =	sadd.s32 @!p2 s6, s19;
	[sflag:s20] =	ssyncadd.s32 @!p2 $0xFFFFFF80;
	s20 =	simm.s32 @!p2 $0x1B980  }
0x24: {  	[hbm4b:s19+s21] =	stream.linear.scatter @!p2 [tilespmem:s20], [sflag:$0x3], $0x80, $0x38;
	[tilespmem:$0x1BA00] =	vst v63  }
.Ltmp3:
0x25: {  	_ = 	snop;
	(pc) =	sbr.rel @!p3 .LBB2_11-.Ltmp3, $4  }
0x26: {  	s19 =	simm.s32 @!p2 $0x3  }
0x27: {  	_ =	swait.ge @!p2 [sflag:s19], $0x80  }
0x28: {  	[sflag:s19] =	ssyncset.done @!p2 $0x0  }
0x29: {  	p1 =	por !p1, !p1;
	[sflag:s19] =	ssyncadd.s32 @!p2 $0xFFFFFF80  }
.LBB2_2:
0x2a: {  	s21 =	sshll.u32 s18, $0x1  }
0x2b: {  	s19 =	sand.u32 $0x2, s21  }
0x2c: {  	p2 =	sne.s32 s19, $0x0  }
0x2d: {  	v1 =	vimm.f32 @!p2 $-Inf  }
0x2e: {  	v2 =	vimm.s32 @!p2 $0x0;
	[tilespmem:$0x1B900] =	vst @!p2 v1  }
0x2f: {  	[tilespmem:$0x1B980] =	vst @!p2 v2  }
0x30: {  	[tilespmem:$0x1B910] =	vst @!p2 v1  }
0x31: {  	[tilespmem:$0x1B990] =	vst @!p2 v2  }
0x32: {  	[tilespmem:$0x1B920] =	vst @!p2 v1  }
0x33: {  	[tilespmem:$0x1B9A0] =	vst @!p2 v2  }
0x34: {  	[tilespmem:$0x1B930] =	vst @!p2 v1  }
0x35: {  	s20 =	simm.s32 @!p0 $0x1;
	[tilespmem:$0x1B9B0] =	vst @!p2 v2  }
0x36: {  	_ =	swait.ge @!p0 [sflag:s20], $0x12600  }
0x37: {  	[sflag:s20] =	ssyncset.done @!p0 $0x0  }
0x38: {  	[sflag:s20] =	ssyncadd.s32 @!p0 $0xFFFEDA00;
	s20 =	smin.u32 @!p0 s21, $0x3D  }
0x39: {  	[bflag:$0x0] =	sbarrier.arrive $0xFFFF;
	s20 =	sadd.s32 @!p0 $0x2, s20  }
0x3a: {  	[tilespmem:s15], [sflag:$0x4] =	stream.linear.gather [spmem:s8], $0x9300, $0x38;
	[tilespmem:$0x1BA00] =	vst v63  }
0x3b: {  	s22 =	sshrl.u32 @!p0 s20, $0x2  }
0x3c: {  	s20 =	sand.u32 @!p0 $0x3, s20;
	s22 =	smul.u32 @!p0 $0x498000, s22  }
0x3d: {  	s20 =	smul.u32 @!p0 $0x93000, s20  }
0x3e: {  	s23 =	simm.s32 $0x1;
	_ =	swait.ge [sflag:s16], $0x9300;
	s22 =	sadd.s32 @!p0 s2, s22  }
.Ltmp4:
0x3f: {  	[sflag:s16] =	ssyncset.done $0x0;
	s20 =	sadd.s32 @!p0 s20, s22;
	(pc) =	sbr.rel .LBB2_3-.Ltmp4, $4  }
0x40: {  	s23 =	simm.s32 @!p1 $0x0;
	[sflag:s16] =	ssyncadd.s32 $0xFFFF6D00;
	s20 =	sshrl.u32 @!p0 s20, $0x3  }
0x41: {  	s31 =	smul.u32 $0x126000, s23;
	[bflag:$0x0] =	sbarrier.arrive $0xFFFF;
	s20 =	sadd.s32 @!p0 s3, s20  }
0x42: {  	[spmem:s13], [sflag:s17] =	dma.local @!p0 [hbm:s20], $0x12600  }
0x43: {  	s23 =	simm.s32 $0x126C0;
	s22 =	simm.s32 $0x0;
	s20 =	sadd.s32 s31, s12  }
.LBB2_5:
0x44: {  	s22 =	sadd.s32 $0x180, s22  }
0x45: {  	p2 =	sne.s32 s22, $0x9300  }
.Ltmp5:
0x46: {  	_ = 	snop;
	(pc) =	sbr.rel @!p2 .LBB2_6-.Ltmp5, $2  }
0x47: {  	_ =	sdelay $0x2  }
0x48: {  	s23 =	sadd.s32 $0x180, s23  }
.LBB2_3:
0x49: {  	v24 =	vld [tilespmem:s23+$0xFFFFFF40]  }
0x4a: {  	v23 =	vld [tilespmem:s23+$0xFFFFFF50]  }
0x4b: {  	v22 =	vld [tilespmem:s23+$0xFFFFFF60]  }
0x4c: {  	v21 =	vld [tilespmem:s23+$0xFFFFFF70]  }
0x4d: {  	v20 =	vld [tilespmem:s23+$0xFFFFFF80]  }
0x4e: {  	v19 =	vld [tilespmem:s23+$0xFFFFFF90]  }
0x4f: {  	v18 =	vld [tilespmem:s23+$0xFFFFFFA0];
	v1 =	vmax.f32 v24, v23  }
0x50: {  	v17 =	vld [tilespmem:s23+$0xFFFFFFB0];
	v1 =	vmax.f32 v1, v22  }
0x51: {  	v16 =	vld [tilespmem:s23+$0xFFFFFFC0];
	v1 =	vmax.f32 v1, v21  }
0x52: {  	v15 =	vld [tilespmem:s23+$0xFFFFFFD0];
	v1 =	vmax.f32 v1, v20  }
0x53: {  	v14 =	vld [tilespmem:s23+$0xFFFFFFE0];
	v1 =	vmax.f32 v1, v19  }
0x54: {  	v13 =	vld [tilespmem:s23+$0xFFFFFFF0];
	v1 =	vmax.f32 v1, v18  }
0x55: {  	v12 =	vld [tilespmem:s23+$0x0];
	v1 =	vmax.f32 v1, v17  }
0x56: {  	v11 =	vld [tilespmem:s23+$0x10];
	v1 =	vmax.f32 v1, v16  }
0x57: {  	v10 =	vld [tilespmem:s23+$0x20];
	v1 =	vmax.f32 v1, v15  }
0x58: {  	v9 =	vld [tilespmem:s23+$0x30];
	v1 =	vmax.f32 v1, v14  }
0x59: {  	v8 =	vld [tilespmem:s23+$0x40];
	v1 =	vmax.f32 v1, v13  }
0x5a: {  	v7 =	vld [tilespmem:s23+$0x50];
	v1 =	vmax.f32 v1, v12  }
0x5b: {  	v6 =	vld [tilespmem:s23+$0x60];
	v1 =	vmax.f32 v1, v11  }
0x5c: {  	v5 =	vld [tilespmem:s23+$0x70];
	v1 =	vmax.f32 v1, v10  }
0x5d: {  	v4 =	vld [tilespmem:s23+$0x80];
	v1 =	vmax.f32 v1, v9  }
0x5e: {  	v3 =	vld [tilespmem:s23+$0x90];
	v1 =	vmax.f32 v1, v8  }
0x5f: {  	v2 =	vld [tilespmem:s23+$0xA0];
	v25 =	vmax.f32 v1, v7  }
0x60: {  	v1 =	vld [tilespmem:s23+$0xB0];
	v25 =	vmax.f32 v25, v6  }
0x61: {  	v26 =	vmax.f32 v25, v5;
	v25 =	vld [tilespmem:$0x1B930]  }
0x62: {  	v26 =	vmax.f32 v26, v4  }
0x63: {  	v26 =	vmax.f32 v26, v3  }
0x64: {  	v26 =	vmax.f32 v26, v2  }
0x65: {  	v26 =	vmax.f32 v26, v1  }
0x66: {  	vm0 =	vgt.f32 v26, v25  }
0x67: {  	v26 =	vmpcnt.ones.xlane vm0;
	_ =	sdelay $0x1  }
0x68: {  	(v2sf) =	vpush v26, $0x0;
	_ =	sdelay $0xe  }
0x69: {  	s24 =	spop (v2sf)  }
0x6a: {  	p2 =	slt.s32 s24, $0x1  }
.Ltmp6:
0x6b: {  	_ = 	snop;
	(pc) =	sbr.rel @p2 .LBB2_5-.Ltmp6, $1  }
0x6c: {  	_ =	sdelay $0x3  }
0x6d: {  	v26 =	vld [tilespmem:$0x1B900]  }
0x6e: {  	v29 =	vld [tilespmem:$0x1B980]  }
0x6f: {  	v27 =	vld [tilespmem:$0x1B910];
	s24 =	sadd.s32 s22, s20  }
0x70: {  	v30 =	vld [tilespmem:$0x1B990];
	s25 =	sadd.s32 $0x10, s24  }
0x71: {  	v33 =	vor.u32 s24, v0;
	s31 =	sadd.s32 $0x20, s24;
	s26 =	sadd.s32 $0x30, s24;
	v58 =	vor.u32 s25, v0  }
0x72: {  	v28 =	vld [tilespmem:$0x1B920];
	v37 =	vor.u32 s31, v0;
	v46 =	vor.u32 s26, v0;
	vm0 =	vgt.f32 v24, v26  }
0x73: {  	v32 =	vsel vm0, v26, v24;
	v51 =	vsel vm0, v24, v26;
	v34 =	vsel vm0, v33, v29  }
0x74: {  	v31 =	vld [tilespmem:$0x1B9A0];
	v29 =	vsel vm0, v29, v33;
	vm1 =	vgt.f32 v32, v27;
	vm2 =	vgt.f32 v23, v51  }
0x75: {  	v53 =	vsel vm1, v27, v32;
	v27 =	vsel vm1, v32, v27;
	v54 =	vsel vm1, v29, v30  }
0x76: {  	v29 =	vsel vm1, v30, v29;
	v57 =	vsel vm2, v51, v23;
	v59 =	vsel vm2, v23, v51  }
0x77: {  	v60 =	vsel vm2, v58, v34;
	vm11 =	vgt.f32 v53, v28;
	vm13 =	vgt.f32 v57, v27  }
0x78: {  	v52 =	vld [tilespmem:$0x1B9B0];
	vm4 =	vgt.f32 v22, v59;
	v55 =	vsel vm11, v53, v28;
	v28 =	vsel vm11, v28, v53  }
0x79: {  	v56 =	vsel vm11, v29, v31;
	v29 =	vsel vm11, v31, v29;
	v61 =	vsel vm13, v27, v57  }
0x7a: {  	v27 =	vsel vm13, v57, v27;
	v38 =	vsel vm4, v59, v22;
	v39 =	vsel vm4, v22, v59  }
0x7b: {  	v40 =	vsel vm4, v37, v60;
	v24 =	vsel vm4, v60, v37;
	vm12 =	vgt.f32 v28, v25  }
0x7c: {  	vm14 =	vgt.f32 v61, v55;
	vm5 =	vgt.f32 v38, v27;
	vm8 =	vgt.f32 v21, v39  }
0x7d: {  	v25 =	vsel vm12, v28, v25;
	v26 =	vsel vm12, v29, v52;
	v29 =	vsel vm2, v34, v58  }
0x7e: {  	v63 =	vsel vm14, v55, v61;
	v30 =	vsel vm14, v61, v55;
	v41 =	vsel vm5, v38, v27  }
0x7f: {  	s30 =	sadd.s32 $0x60, s24;
	v27 =	vsel vm5, v27, v38;
	v45 =	vsel vm8, v39, v21;
	v47 =	vsel vm8, v21, v39  }
0x80: {  	v48 =	vsel vm8, v46, v40;
	v23 =	vsel vm8, v40, v46;
	v39 =	vor.u32 s30, v0  }
0x81: {  	v62 =	vsel vm13, v29, v54;
	v29 =	vsel vm13, v54, v29;
	vm15 =	vgt.f32 v63, v25  }
0x82: {  	s28 =	sadd.s32 $0x40, s24;
	vm6 =	vgt.f32 v27, v30;
	vm9 =	vgt.f32 v45, v41;
	vm12 =	vgt.f32 v20, v47  }
0x83: {  	v54 =	vor.u32 s28, v0;
	v36 =	vsel vm14, v29, v56;
	v29 =	vsel vm14, v56, v29  }
0x84: {  	v25 =	vsel vm15, v63, v25;
	v42 =	vsel vm5, v24, v62;
	v24 =	vsel vm5, v62, v24  }
0x85: {  	v43 =	vsel vm6, v27, v30;
	v27 =	vsel vm6, v30, v27;
	v49 =	vsel vm9, v41, v45  }
0x86: {  	s29 =	sadd.s32 $0x50, s24;
	s31 =	sadd.s32 $0x70, s24;
	v53 =	vsel vm12, v47, v20;
	v55 =	vsel vm12, v20, v47;
	v56 =	vsel vm12, v54, v48  }
0x87: {  	v22 =	vsel vm12, v48, v54;
	v63 =	vor.u32 s29, v0;
	v47 =	vor.u32 s31, v0  }
0x88: {  	v26 =	vsel vm15, v29, v26;
	v44 =	vsel vm6, v24, v36;
	v24 =	vsel vm6, v36, v24  }
0x89: {  	vm7 =	vgt.f32 v27, v25;
	v50 =	vsel vm9, v23, v42;
	vm10 =	vgt.f32 v49, v43  }
0x8a: {  	v23 =	vsel vm9, v42, v23;
	vm4 =	vgt.f32 v19, v55;
	v25 =	vsel vm7, v27, v25  }
0x8b: {  	v24 =	vsel vm7, v24, v26;
	v26 =	vsel vm9, v45, v41;
	v51 =	vsel vm10, v49, v43  }
0x8c: {  	v27 =	vsel vm10, v43, v49;
	v52 =	vsel vm10, v23, v44;
	v23 =	vsel vm10, v44, v23  }
0x8d: {  	s26 =	sadd.s32 $0x80, s24;
	v31 =	vsel vm4, v55, v19;
	v32 =	vsel vm4, v19, v55;
	v33 =	vsel vm4, v63, v56  }
0x8e: {  	v21 =	vsel vm4, v56, v63;
	v56 =	vor.u32 s26, v0;
	vm11 =	vgt.f32 v27, v25  }
0x8f: {  	vm13 =	vgt.f32 v53, v26;
	vm8 =	vgt.f32 v18, v32;
	v25 =	vsel vm11, v27, v25  }
0x90: {  	v23 =	vsel vm11, v23, v24;
	v57 =	vsel vm13, v26, v53;
	v58 =	vsel vm13, v53, v26  }
0x91: {  	v59 =	vsel vm13, v22, v50;
	v22 =	vsel vm13, v50, v22;
	v38 =	vsel vm8, v32, v18  }
0x92: {  	s28 =	sadd.s32 $0x90, s24;
	v40 =	vsel vm8, v18, v32;
	v41 =	vsel vm8, v39, v33;
	v20 =	vsel vm8, v33, v39  }
0x93: {  	v27 =	vor.u32 s28, v0;
	vm14 =	vgt.f32 v57, v51;
	vm5 =	vgt.f32 v31, v58  }
0x94: {  	vm12 =	vgt.f32 v17, v40;
	v60 =	vsel vm14, v51, v57;
	v61 =	vsel vm14, v57, v51  }
0x95: {  	v62 =	vsel vm14, v22, v52;
	v22 =	vsel vm14, v52, v22;
	v34 =	vsel vm5, v31, v58  }
0x96: {  	v24 =	vsel vm5, v58, v31;
	v35 =	vsel vm5, v21, v59;
	v21 =	vsel vm5, v59, v21  }
0x97: {  	v46 =	vsel vm12, v40, v17;
	v48 =	vsel vm12, v17, v40;
	v49 =	vsel vm12, v47, v41  }
0x98: {  	v19 =	vsel vm12, v41, v47;
	vm15 =	vgt.f32 v60, v25;
	vm6 =	vgt.f32 v24, v61  }
0x99: {  	vm9 =	vgt.f32 v38, v34;
	vm4 =	vgt.f32 v16, v48;
	v25 =	vsel vm15, v60, v25  }
0x9a: {  	v22 =	vsel vm15, v22, v23;
	v36 =	vsel vm6, v24, v61;
	v37 =	vsel vm6, v21, v62  }
0x9b: {  	v24 =	vsel vm6, v61, v24;
	v21 =	vsel vm6, v62, v21;
	v42 =	vsel vm9, v34, v38  }
0x9c: {  	v43 =	vsel vm9, v20, v35;
	v20 =	vsel vm9, v35, v20;
	v57 =	vsel vm4, v48, v16  }
0x9d: {  	s29 =	sadd.s32 $0xA0, s24;
	v58 =	vsel vm4, v16, v48;
	v59 =	vsel vm4, v56, v49;
	v18 =	vsel vm4, v49, v56  }
0x9e: {  	v35 =	vor.u32 s29, v0;
	vm7 =	vgt.f32 v24, v25;
	vm10 =	vgt.f32 v42, v36  }
0x9f: {  	vm8 =	vgt.f32 v15, v58;
	v24 =	vsel vm7, v24, v25;
	v21 =	vsel vm7, v21, v22  }
0xa0: {  	v22 =	vsel vm9, v38, v34;
	v44 =	vsel vm10, v42, v36;
	v25 =	vsel vm10, v36, v42  }
0xa1: {  	v45 =	vsel vm10, v20, v37;
	v20 =	vsel vm10, v37, v20;
	v28 =	vsel vm8, v15, v58  }
0xa2: {  	v29 =	vsel vm8, v27, v59;
	v17 =	vsel vm8, v59, v27;
	vm11 =	vgt.f32 v25, v24  }
0xa3: {  	vm13 =	vgt.f32 v46, v22;
	vm12 =	vgt.f32 v14, v28;
	v24 =	vsel vm11, v25, v24  }
0xa4: {  	v20 =	vsel vm11, v20, v21;
	v50 =	vsel vm13, v22, v46;
	v51 =	vsel vm13, v46, v22  }
0xa5: {  	v52 =	vsel vm13, v19, v43;
	v19 =	vsel vm13, v43, v19;
	v25 =	vsel vm8, v58, v15  }
0xa6: {  	v34 =	vsel vm12, v28, v14;
	v36 =	vsel vm12, v14, v28;
	v37 =	vsel vm12, v35, v29  }
0xa7: {  	v16 =	vsel vm12, v29, v35;
	vm14 =	vgt.f32 v50, v44;
	vm5 =	vgt.f32 v57, v51  }
0xa8: {  	vm4 =	vgt.f32 v13, v36;
	v53 =	vsel vm14, v44, v50;
	v54 =	vsel vm14, v50, v44  }
0xa9: {  	v55 =	vsel vm14, v19, v45;
	v19 =	vsel vm14, v45, v19;
	v60 =	vsel vm5, v57, v51  }
0xaa: {  	s30 =	sadd.s32 $0xB0, s24;
	v21 =	vsel vm5, v51, v57;
	v61 =	vsel vm5, v18, v52;
	v18 =	vsel vm5, v52, v18  }
0xab: {  	v44 =	vor.u32 s30, v0;
	v45 =	vsel vm4, v36, v13;
	v46 =	vsel vm4, v13, v36  }
0xac: {  	vm15 =	vgt.f32 v53, v24;
	vm6 =	vgt.f32 v21, v54;
	vm9 =	vgt.f32 v25, v60  }
0xad: {  	v47 =	vsel vm4, v44, v37;
	v15 =	vsel vm4, v37, v44;
	vm8 =	vgt.f32 v12, v46  }
0xae: {  	v23 =	vsel vm15, v53, v24;
	v19 =	vsel vm15, v19, v20;
	v62 =	vsel vm6, v21, v54  }
0xaf: {  	v63 =	vsel vm6, v18, v55;
	v21 =	vsel vm6, v54, v21;
	v18 =	vsel vm6, v55, v18  }
0xb0: {  	s31 =	sadd.s32 $0xC0, s24;
	v30 =	vsel vm9, v60, v25;
	v31 =	vsel vm9, v17, v61;
	v17 =	vsel vm9, v61, v17  }
0xb1: {  	s26 =	sadd.s32 $0xD0, s24;
	v52 =	vsel vm8, v46, v12;
	v53 =	vor.u32 s31, v0;
	v54 =	vsel vm8, v12, v46  }
0xb2: {  	v61 =	vor.u32 s26, v0;
	vm7 =	vgt.f32 v21, v23;
	vm10 =	vgt.f32 v30, v62  }
0xb3: {  	s30 =	sadd.s32 $0x100, s24;
	v55 =	vsel vm8, v53, v47;
	v14 =	vsel vm8, v47, v53;
	vm12 =	vgt.f32 v11, v54  }
0xb4: {  	v47 =	vor.u32 s30, v0;
	v21 =	vsel vm7, v21, v23;
	v18 =	vsel vm7, v18, v19  }
0xb5: {  	v19 =	vsel vm9, v25, v60;
	v32 =	vsel vm10, v30, v62;
	v22 =	vsel vm10, v62, v30  }
0xb6: {  	v33 =	vsel vm10, v17, v63;
	v17 =	vsel vm10, v63, v17;
	v60 =	vsel vm12, v54, v11  }
0xb7: {  	s28 =	sadd.s32 $0xE0, s24;
	v62 =	vsel vm12, v11, v54;
	v63 =	vsel vm12, v61, v55;
	v13 =	vsel vm12, v55, v61  }
0xb8: {  	v30 =	vor.u32 s28, v0;
	vm11 =	vgt.f32 v22, v21;
	vm13 =	vgt.f32 v34, v19  }
0xb9: {  	vm4 =	vgt.f32 v10, v62;
	v21 =	vsel vm11, v22, v21;
	v17 =	vsel vm11, v17, v18  }
0xba: {  	v38 =	vsel vm13, v19, v34;
	v39 =	vsel vm13, v34, v19;
	v40 =	vsel vm13, v16, v31  }
0xbb: {  	v16 =	vsel vm13, v31, v16;
	v31 =	vsel vm4, v62, v10;
	vm14 =	vgt.f32 v38, v32  }
0xbc: {  	v12 =	vsel vm4, v63, v30;
	vm5 =	vgt.f32 v45, v39;
	v41 =	vsel vm14, v32, v38  }
0xbd: {  	v42 =	vsel vm14, v38, v32;
	v43 =	vsel vm14, v16, v33;
	v16 =	vsel vm14, v33, v16  }
0xbe: {  	v48 =	vsel vm5, v45, v39;
	v18 =	vsel vm5, v39, v45;
	v49 =	vsel vm5, v15, v40  }
0xbf: {  	s29 =	sadd.s32 $0xF0, s24;
	v15 =	vsel vm5, v40, v15;
	v32 =	vsel vm4, v10, v62;
	v33 =	vsel vm4, v30, v63  }
0xc0: {  	v39 =	vor.u32 s29, v0;
	vm15 =	vgt.f32 v41, v21;
	vm6 =	vgt.f32 v18, v42  }
0xc1: {  	vm9 =	vgt.f32 v52, v48;
	vm8 =	vgt.f32 v9, v32;
	v20 =	vsel vm15, v41, v21  }
0xc2: {  	v16 =	vsel vm15, v16, v17;
	v50 =	vsel vm6, v18, v42;
	v51 =	vsel vm6, v15, v43  }
0xc3: {  	v18 =	vsel vm6, v42, v18;
	v15 =	vsel vm6, v43, v15;
	v56 =	vsel vm9, v48, v52  }
0xc4: {  	v57 =	vsel vm9, v14, v49;
	v14 =	vsel vm9, v49, v14;
	v38 =	vsel vm8, v32, v9  }
0xc5: {  	s26 =	sadd.s32 $0x120, s24;
	v40 =	vsel vm8, v9, v32;
	v41 =	vsel vm8, v39, v33;
	v11 =	vsel vm8, v33, v39  }
0xc6: {  	v21 =	vor.u32 s26, v0;
	vm7 =	vgt.f32 v18, v20;
	vm10 =	vgt.f32 v56, v50  }
0xc7: {  	vm12 =	vgt.f32 v8, v40;
	v18 =	vsel vm7, v18, v20;
	v15 =	vsel vm7, v15, v16  }
0xc8: {  	v16 =	vsel vm9, v52, v48;
	v58 =	vsel vm10, v56, v50;
	v19 =	vsel vm10, v50, v56  }
0xc9: {  	v59 =	vsel vm10, v14, v51;
	v14 =	vsel vm10, v51, v14;
	v46 =	vsel vm12, v40, v8  }
0xca: {  	s31 =	sadd.s32 $0x110, s24;
	s30 =	sadd.s32 $0x150, s24;
	v48 =	vsel vm12, v8, v40;
	v49 =	vsel vm12, v47, v41;
	v10 =	vsel vm12, v41, v47  }
0xcb: {  	v56 =	vor.u32 s31, v0;
	v47 =	vor.u32 s30, v0;
	vm11 =	vgt.f32 v19, v18  }
0xcc: {  	vm13 =	vgt.f32 v60, v16;
	vm4 =	vgt.f32 v7, v48;
	v18 =	vsel vm11, v19, v18  }
0xcd: {  	v14 =	vsel vm11, v14, v15;
	v24 =	vsel vm13, v16, v60;
	v25 =	vsel vm13, v60, v16  }
0xce: {  	v26 =	vsel vm13, v13, v57;
	v13 =	vsel vm13, v57, v13;
	v57 =	vsel vm4, v48, v7  }
0xcf: {  	v9 =	vsel vm4, v49, v56;
	vm14 =	vgt.f32 v24, v58;
	vm5 =	vgt.f32 v31, v25  }
0xd0: {  	v27 =	vsel vm14, v58, v24;
	v28 =	vsel vm14, v24, v58;
	v29 =	vsel vm14, v13, v59  }
0xd1: {  	v13 =	vsel vm14, v59, v13;
	v34 =	vsel vm5, v31, v25;
	v15 =	vsel vm5, v25, v31  }
0xd2: {  	v35 =	vsel vm5, v12, v26;
	v12 =	vsel vm5, v26, v12;
	v58 =	vsel vm4, v7, v48  }
0xd3: {  	v59 =	vsel vm4, v56, v49;
	vm15 =	vgt.f32 v27, v18;
	vm6 =	vgt.f32 v15, v28  }
0xd4: {  	vm9 =	vgt.f32 v38, v34;
	vm8 =	vgt.f32 v6, v58;
	v17 =	vsel vm15, v27, v18  }
0xd5: {  	v13 =	vsel vm15, v13, v14;
	v36 =	vsel vm6, v15, v28;
	v37 =	vsel vm6, v12, v29  }
0xd6: {  	v15 =	vsel vm6, v28, v15;
	v12 =	vsel vm6, v29, v12;
	v42 =	vsel vm9, v34, v38  }
0xd7: {  	v43 =	vsel vm9, v11, v35;
	v11 =	vsel vm9, v35, v11;
	v20 =	vsel vm8, v58, v6  }
0xd8: {  	s28 =	sadd.s32 $0x130, s24;
	v22 =	vsel vm8, v6, v58;
	v23 =	vsel vm8, v21, v59;
	v8 =	vsel vm8, v59, v21  }
0xd9: {  	v29 =	vor.u32 s28, v0;
	vm7 =	vgt.f32 v15, v17;
	vm10 =	vgt.f32 v42, v36  }
0xda: {  	vm12 =	vgt.f32 v5, v22;
	v15 =	vsel vm7, v15, v17;
	v12 =	vsel vm7, v12, v13  }
0xdb: {  	v13 =	vsel vm9, v38, v34;
	v44 =	vsel vm10, v42, v36;
	v16 =	vsel vm10, v36, v42  }
0xdc: {  	v45 =	vsel vm10, v11, v37;
	v11 =	vsel vm10, v37, v11;
	v28 =	vsel vm12, v22, v5  }
0xdd: {  	s29 =	sadd.s32 $0x140, s24;
	v30 =	vsel vm12, v5, v22;
	v31 =	vsel vm12, v29, v23;
	v7 =	vsel vm12, v23, v29  }
0xde: {  	v38 =	vor.u32 s29, v0;
	vm11 =	vgt.f32 v16, v15;
	vm13 =	vgt.f32 v46, v13  }
0xdf: {  	vm4 =	vgt.f32 v4, v30;
	v15 =	vsel vm11, v16, v15;
	v11 =	vsel vm11, v11, v12  }
0xe0: {  	v50 =	vsel vm13, v13, v46;
	v51 =	vsel vm13, v46, v13;
	v52 =	vsel vm13, v10, v43  }
0xe1: {  	v10 =	vsel vm13, v43, v10;
	v39 =	vsel vm4, v30, v4;
	v40 =	vsel vm4, v4, v30  }
0xe2: {  	v41 =	vsel vm4, v38, v31;
	v6 =	vsel vm4, v31, v38;
	vm14 =	vgt.f32 v50, v44  }
0xe3: {  	vm5 =	vgt.f32 v57, v51;
	vm8 =	vgt.f32 v3, v40;
	v53 =	vsel vm14, v44, v50  }
0xe4: {  	v54 =	vsel vm14, v50, v44;
	v55 =	vsel vm14, v10, v45;
	v10 =	vsel vm14, v45, v10  }
0xe5: {  	v60 =	vsel vm5, v57, v51;
	v12 =	vsel vm5, v51, v57;
	v61 =	vsel vm5, v9, v52  }
0xe6: {  	v9 =	vsel vm5, v52, v9;
	v46 =	vsel vm8, v40, v3;
	v3 =	vsel vm8, v3, v40  }
0xe7: {  	v48 =	vsel vm8, v47, v41;
	v5 =	vsel vm8, v41, v47;
	vm15 =	vgt.f32 v53, v15  }
0xe8: {  	vm6 =	vgt.f32 v12, v54;
	vm9 =	vgt.f32 v20, v60;
	vm12 =	vgt.f32 v2, v3  }
0xe9: {  	v14 =	vsel vm15, v53, v15;
	v10 =	vsel vm15, v10, v11;
	v62 =	vsel vm6, v12, v54  }
0xea: {  	v63 =	vsel vm6, v9, v55;
	v12 =	vsel vm6, v54, v12;
	v9 =	vsel vm6, v55, v9  }
0xeb: {  	s31 =	sadd.s32 $0x160, s24;
	v24 =	vsel vm9, v60, v20;
	v25 =	vsel vm9, v8, v61;
	v8 =	vsel vm9, v61, v8  }
0xec: {  	v53 =	vor.u32 s31, v0;
	v54 =	vsel vm12, v2, v3;
	v2 =	vsel vm12, v3, v2  }
0xed: {  	vm7 =	vgt.f32 v12, v14;
	vm10 =	vgt.f32 v24, v62;
	v3 =	vsel vm12, v53, v48  }
0xee: {  	v4 =	vsel vm12, v48, v53;
	v12 =	vsel vm7, v12, v14;
	v9 =	vsel vm7, v9, v10  }
0xef: {  	v10 =	vsel vm9, v20, v60;
	v26 =	vsel vm10, v24, v62;
	v13 =	vsel vm10, v62, v24  }
0xf0: {  	s24 =	sadd.s32 $0x170, s24;
	v27 =	vsel vm10, v8, v63;
	v8 =	vsel vm10, v63, v8;
	vm11 =	vgt.f32 v13, v12  }
0xf1: {  	v60 =	vor.u32 s24, v0;
	vm13 =	vgt.f32 v28, v10;
	v12 =	vsel vm11, v13, v12  }
0xf2: {  	v8 =	vsel vm11, v8, v9;
	v32 =	vsel vm13, v10, v28;
	v33 =	vsel vm13, v28, v10  }
0xf3: {  	v34 =	vsel vm13, v7, v25;
	v7 =	vsel vm13, v25, v7;
	vm14 =	vgt.f32 v32, v26  }
0xf4: {  	vm5 =	vgt.f32 v39, v33;
	v35 =	vsel vm14, v26, v32;
	v36 =	vsel vm14, v32, v26  }
0xf5: {  	v37 =	vsel vm14, v7, v27;
	v7 =	vsel vm14, v27, v7;
	v42 =	vsel vm5, v39, v33  }
0xf6: {  	v9 =	vsel vm5, v33, v39;
	v43 =	vsel vm5, v6, v34;
	v6 =	vsel vm5, v34, v6  }
0xf7: {  	vm14 =	vgt.f32 v1, v54;
	vm15 =	vgt.f32 v35, v12;
	vm6 =	vgt.f32 v9, v36  }
0xf8: {  	vm9 =	vgt.f32 v46, v42;
	v56 =	vsel vm14, v54, v1;
	v1 =	vsel vm14, v1, v54  }
0xf9: {  	v61 =	vsel vm14, v60, v3;
	v3 =	vsel vm14, v3, v60;
	v11 =	vsel vm15, v35, v12  }
0xfa: {  	v7 =	vsel vm15, v7, v8;
	v44 =	vsel vm6, v9, v36;
	v45 =	vsel vm6, v6, v37  }
0xfb: {  	v9 =	vsel vm6, v36, v9;
	v6 =	vsel vm6, v37, v6;
	v49 =	vsel vm9, v42, v46  }
0xfc: {  	v50 =	vsel vm9, v5, v43;
	v5 =	vsel vm9, v43, v5;
	vm7 =	vgt.f32 v9, v11  }
0xfd: {  	vm10 =	vgt.f32 v49, v44;
	v9 =	vsel vm7, v9, v11;
	v6 =	vsel vm7, v6, v7  }
0xfe: {  	v7 =	vsel vm9, v46, v42;
	v51 =	vsel vm10, v49, v44;
	v10 =	vsel vm10, v44, v49  }
0xff: {  	v52 =	vsel vm10, v5, v45;
	v5 =	vsel vm10, v45, v5;
	vm13 =	vgt.f32 v2, v7  }
0x100: {  	vm11 =	vgt.f32 v10, v9;
	v55 =	vsel vm13, v2, v7;
	v2 =	vsel vm13, v7, v2  }
0x101: {  	v9 =	vsel vm11, v10, v9;
	vm15 =	vgt.f32 v2, v51;
	vm3 =	vgt.f32 v56, v55  }
0x102: {  	v57 =	vsel vm15, v2, v51;
	v2 =	vsel vm15, v51, v2;
	v58 =	vsel vm3, v55, v56  }
0x103: {  	[tilespmem:$0x1B900] =	vst v1;
	v1 =	vsel vm13, v4, v50;
	vm4 =	vgt.f32 v2, v9;
	vm5 =	vgt.f32 v58, v57  }
0x104: {  	[tilespmem:$0x1B980] =	vst v61;
	v7 =	vsel vm3, v56, v55;
	v2 =	vsel vm4, v2, v9;
	v59 =	vsel vm5, v57, v58  }
0x105: {  	v4 =	vsel vm13, v50, v4;
	v63 =	vsel vm3, v3, v1;
	[tilespmem:$0x1B910] =	vst v7;
	vm6 =	vgt.f32 v59, v2  }
.Ltmp7:
0x106: {  	v5 =	vsel vm11, v5, v6;
	v62 =	vsel vm15, v4, v52;
	[tilespmem:$0x1B990] =	vst v63;
	v2 =	vsel vm6, v59, v2;
	(pc) =	sbr.rel .LBB2_5-.Ltmp7, $4  }
0x107: {  	v1 =	vsel vm3, v1, v3;
	v6 =	vsel vm5, v58, v57;
	[tilespmem:$0x1B930] =	vst v2;
	v2 =	vsel vm15, v52, v4  }
0x108: {  	v3 =	vsel vm5, v1, v62;
	v1 =	vsel vm5, v62, v1;
	[tilespmem:$0x1B920] =	vst v6;
	v2 =	vsel vm4, v2, v5  }
0x109: {  	[tilespmem:$0x1B9A0] =	vst v3;
	v1 =	vsel vm6, v1, v2  }
0x10a: {  	[tilespmem:$0x1B9B0] =	vst v1  }
.LBB2_6:
0x10b: {  	[bflag:$0x0] =	sbarrier.arrive @p0 $0xFFFF;
	s22 =	simm.s32 @p0 $0x12600  }
0x10c: {  	[tilespmem:s22], [sflag:$0x4] =	stream.linear.gather @p0 [spmem:s9], $0x9300, $0x38;
	[tilespmem:$0x1BA00] =	vst v63  }
0x10d: {  	s22 =	simm.s32 @p0 $0x4  }
0x10e: {  	_ =	swait.ge @p0 [sflag:s22], $0x9300  }
0x10f: {  	[sflag:s22] =	ssyncset.done @p0 $0x0  }
0x110: {  	[sflag:s22] =	ssyncadd.s32 @p0 $0xFFFF6D00  }
0x111: {  	s22 =	simm.s32 @!p0 $0x2;
	[bflag:$0x0] =	sbarrier.arrive @p0 $0xFFFF  }
0x112: {  	_ =	swait.ge @!p0 [sflag:s22], $0x12600  }
0x113: {  	[sflag:s22] =	ssyncset.done @!p0 $0x0  }
0x114: {  	s21 =	smin.u32 @!p0 s21, $0x3C;
	[sflag:s22] =	ssyncadd.s32 @!p0 $0xFFFEDA00  }
0x115: {  	s21 =	sadd.s32 @!p0 $0x3, s21;
	s22 =	simm.s32 @!p0 $0x12600;
	[bflag:$0x0] =	sbarrier.arrive @!p0 $0xFFFF  }
0x116: {  	[tilespmem:s22], [sflag:$0x4] =	stream.linear.gather @!p0 [spmem:s9], $0x9300, $0x38;
	[tilespmem:$0x1BA00] =	vst v63  }
0x117: {  	s22 =	sshrl.u32 @!p0 s21, $0x2  }
0x118: {  	s21 =	sand.u32 @!p0 $0x3, s21;
	s22 =	smul.u32 @!p0 $0x498000, s22  }
0x119: {  	s23 =	simm.s32 @!p0 $0x4;
	s21 =	smul.u32 @!p0 $0x93000, s21  }
0x11a: {  	_ =	swait.ge @!p0 [sflag:s23], $0x9300;
	s22 =	sadd.s32 @!p0 s2, s22  }
.Ltmp8:
0x11b: {  	[sflag:s23] =	ssyncset.done @!p0 $0x0;
	s21 =	sadd.s32 @!p0 s21, s22;
	(pc) =	sbr.rel .LBB2_7-.Ltmp8, $4  }
0x11c: {  	[sflag:s23] =	ssyncadd.s32 @!p0 $0xFFFF6D00;
	s21 =	sshrl.u32 @!p0 s21, $0x3  }
0x11d: {  	[bflag:$0x0] =	sbarrier.arrive @!p0 $0xFFFF;
	s22 =	simm.s32 @!p0 $0x1C02;
	s21 =	sadd.s32 @!p0 s3, s21  }
0x11e: {  	[spmem:s14], [sflag:s22] =	dma.local @!p0 [hbm:s21], $0x12600  }
0x11f: {  	s21 =	simm.s32 $0x0;
	s22 =	simm.s32 $0x126C0  }
.LBB2_9:
0x120: {  	s21 =	sadd.s32 $0x180, s21  }
0x121: {  	p2 =	sne.s32 s21, $0x9300  }
.Ltmp9:
0x122: {  	_ = 	snop;
	(pc) =	sbr.rel @!p2 .LBB2_10-.Ltmp9, $2  }
0x123: {  	_ =	sdelay $0x2  }
0x124: {  	s22 =	sadd.s32 $0x180, s22  }
.LBB2_7:
0x125: {  	v24 =	vld [tilespmem:s22+$0xFFFFFF40]  }
0x126: {  	v23 =	vld [tilespmem:s22+$0xFFFFFF50]  }
0x127: {  	v22 =	vld [tilespmem:s22+$0xFFFFFF60]  }
0x128: {  	v21 =	vld [tilespmem:s22+$0xFFFFFF70]  }
0x129: {  	v20 =	vld [tilespmem:s22+$0xFFFFFF80]  }
0x12a: {  	v19 =	vld [tilespmem:s22+$0xFFFFFF90]  }
0x12b: {  	v18 =	vld [tilespmem:s22+$0xFFFFFFA0];
	v1 =	vmax.f32 v24, v23  }
0x12c: {  	v17 =	vld [tilespmem:s22+$0xFFFFFFB0];
	v1 =	vmax.f32 v1, v22  }
0x12d: {  	v16 =	vld [tilespmem:s22+$0xFFFFFFC0];
	v1 =	vmax.f32 v1, v21  }
0x12e: {  	v15 =	vld [tilespmem:s22+$0xFFFFFFD0];
	v1 =	vmax.f32 v1, v20  }
0x12f: {  	v14 =	vld [tilespmem:s22+$0xFFFFFFE0];
	v1 =	vmax.f32 v1, v19  }
0x130: {  	v13 =	vld [tilespmem:s22+$0xFFFFFFF0];
	v1 =	vmax.f32 v1, v18  }
0x131: {  	v12 =	vld [tilespmem:s22+$0x0];
	v1 =	vmax.f32 v1, v17  }
0x132: {  	v11 =	vld [tilespmem:s22+$0x10];
	v1 =	vmax.f32 v1, v16  }
0x133: {  	v10 =	vld [tilespmem:s22+$0x20];
	v1 =	vmax.f32 v1, v15  }
0x134: {  	v9 =	vld [tilespmem:s22+$0x30];
	v1 =	vmax.f32 v1, v14  }
0x135: {  	v8 =	vld [tilespmem:s22+$0x40];
	v1 =	vmax.f32 v1, v13  }
0x136: {  	v7 =	vld [tilespmem:s22+$0x50];
	v1 =	vmax.f32 v1, v12  }
0x137: {  	v6 =	vld [tilespmem:s22+$0x60];
	v1 =	vmax.f32 v1, v11  }
0x138: {  	v5 =	vld [tilespmem:s22+$0x70];
	v1 =	vmax.f32 v1, v10  }
0x139: {  	v4 =	vld [tilespmem:s22+$0x80];
	v1 =	vmax.f32 v1, v9  }
0x13a: {  	v3 =	vld [tilespmem:s22+$0x90];
	v1 =	vmax.f32 v1, v8  }
0x13b: {  	v2 =	vld [tilespmem:s22+$0xA0];
	v25 =	vmax.f32 v1, v7  }
0x13c: {  	v1 =	vld [tilespmem:s22+$0xB0];
	v25 =	vmax.f32 v25, v6  }
0x13d: {  	v26 =	vmax.f32 v25, v5;
	v25 =	vld [tilespmem:$0x1B930]  }
0x13e: {  	v26 =	vmax.f32 v26, v4  }
0x13f: {  	v26 =	vmax.f32 v26, v3  }
0x140: {  	v26 =	vmax.f32 v26, v2  }
0x141: {  	v26 =	vmax.f32 v26, v1  }
0x142: {  	vm0 =	vgt.f32 v26, v25  }
0x143: {  	v26 =	vmpcnt.ones.xlane vm0;
	_ =	sdelay $0x1  }
0x144: {  	(v2sf) =	vpush v26, $0x0;
	_ =	sdelay $0xe  }
0x145: {  	s23 =	spop (v2sf)  }
0x146: {  	p2 =	slt.s32 s23, $0x1  }
.Ltmp10:
0x147: {  	_ = 	snop;
	(pc) =	sbr.rel @p2 .LBB2_9-.Ltmp10, $1  }
0x148: {  	_ =	sdelay $0x3  }
0x149: {  	v26 =	vld [tilespmem:$0x1B900]  }
0x14a: {  	v29 =	vld [tilespmem:$0x1B980]  }
0x14b: {  	v27 =	vld [tilespmem:$0x1B910];
	s23 =	sadd.s32 s21, s20  }
0x14c: {  	v30 =	vld [tilespmem:$0x1B990];
	s24 =	sadd.s32 $0x93000, s23;
	s28 =	sadd.s32 $0x93010, s23  }
0x14d: {  	s29 =	sadd.s32 $0x93020, s23;
	s30 =	sadd.s32 $0x93030, s23;
	v33 =	vor.u32 s24, v0;
	v58 =	vor.u32 s28, v0  }
0x14e: {  	v28 =	vld [tilespmem:$0x1B920];
	v37 =	vor.u32 s29, v0;
	v46 =	vor.u32 s30, v0;
	vm0 =	vgt.f32 v24, v26  }
0x14f: {  	v32 =	vsel vm0, v26, v24;
	v51 =	vsel vm0, v24, v26;
	v34 =	vsel vm0, v33, v29  }
0x150: {  	v31 =	vld [tilespmem:$0x1B9A0];
	v29 =	vsel vm0, v29, v33;
	vm1 =	vgt.f32 v32, v27;
	vm2 =	vgt.f32 v23, v51  }
0x151: {  	v53 =	vsel vm1, v27, v32;
	v27 =	vsel vm1, v32, v27;
	v54 =	vsel vm1, v29, v30  }
0x152: {  	v29 =	vsel vm1, v30, v29;
	v57 =	vsel vm2, v51, v23;
	v59 =	vsel vm2, v23, v51  }
0x153: {  	v60 =	vsel vm2, v58, v34;
	vm11 =	vgt.f32 v53, v28;
	vm13 =	vgt.f32 v57, v27  }
0x154: {  	v52 =	vld [tilespmem:$0x1B9B0];
	vm4 =	vgt.f32 v22, v59;
	v55 =	vsel vm11, v53, v28;
	v28 =	vsel vm11, v28, v53  }
0x155: {  	v56 =	vsel vm11, v29, v31;
	v29 =	vsel vm11, v31, v29;
	v61 =	vsel vm13, v27, v57  }
0x156: {  	v27 =	vsel vm13, v57, v27;
	v38 =	vsel vm4, v59, v22;
	v39 =	vsel vm4, v22, v59  }
0x157: {  	v40 =	vsel vm4, v37, v60;
	v24 =	vsel vm4, v60, v37;
	vm12 =	vgt.f32 v28, v25  }
0x158: {  	vm14 =	vgt.f32 v61, v55;
	vm5 =	vgt.f32 v38, v27;
	vm8 =	vgt.f32 v21, v39  }
0x159: {  	v25 =	vsel vm12, v28, v25;
	v26 =	vsel vm12, v29, v52;
	v29 =	vsel vm2, v34, v58  }
0x15a: {  	v63 =	vsel vm14, v55, v61;
	v30 =	vsel vm14, v61, v55;
	v41 =	vsel vm5, v38, v27  }
0x15b: {  	s26 =	sadd.s32 $0x93060, s23;
	v27 =	vsel vm5, v27, v38;
	v45 =	vsel vm8, v39, v21;
	v47 =	vsel vm8, v21, v39  }
0x15c: {  	v48 =	vsel vm8, v46, v40;
	v23 =	vsel vm8, v40, v46;
	v39 =	vor.u32 s26, v0  }
0x15d: {  	v62 =	vsel vm13, v29, v54;
	v29 =	vsel vm13, v54, v29;
	vm15 =	vgt.f32 v63, v25  }
0x15e: {  	s31 =	sadd.s32 $0x93040, s23;
	vm6 =	vgt.f32 v27, v30;
	vm9 =	vgt.f32 v45, v41;
	vm12 =	vgt.f32 v20, v47  }
0x15f: {  	v54 =	vor.u32 s31, v0;
	v36 =	vsel vm14, v29, v56;
	v29 =	vsel vm14, v56, v29  }
0x160: {  	v25 =	vsel vm15, v63, v25;
	v42 =	vsel vm5, v24, v62;
	v24 =	vsel vm5, v62, v24  }
0x161: {  	v43 =	vsel vm6, v27, v30;
	v27 =	vsel vm6, v30, v27;
	v49 =	vsel vm9, v41, v45  }
0x162: {  	s25 =	sadd.s32 $0x93050, s23;
	s28 =	sadd.s32 $0x93070, s23;
	v53 =	vsel vm12, v47, v20;
	v55 =	vsel vm12, v20, v47;
	v56 =	vsel vm12, v54, v48  }
0x163: {  	v22 =	vsel vm12, v48, v54;
	v63 =	vor.u32 s25, v0;
	v47 =	vor.u32 s28, v0  }
0x164: {  	v26 =	vsel vm15, v29, v26;
	v44 =	vsel vm6, v24, v36;
	v24 =	vsel vm6, v36, v24  }
0x165: {  	vm7 =	vgt.f32 v27, v25;
	v50 =	vsel vm9, v23, v42;
	vm10 =	vgt.f32 v49, v43  }
0x166: {  	v23 =	vsel vm9, v42, v23;
	vm4 =	vgt.f32 v19, v55;
	v25 =	vsel vm7, v27, v25  }
0x167: {  	v24 =	vsel vm7, v24, v26;
	v26 =	vsel vm9, v45, v41;
	v51 =	vsel vm10, v49, v43  }
0x168: {  	v27 =	vsel vm10, v43, v49;
	v52 =	vsel vm10, v23, v44;
	v23 =	vsel vm10, v44, v23  }
0x169: {  	s29 =	sadd.s32 $0x93080, s23;
	v31 =	vsel vm4, v55, v19;
	v32 =	vsel vm4, v19, v55;
	v33 =	vsel vm4, v63, v56  }
0x16a: {  	v21 =	vsel vm4, v56, v63;
	v56 =	vor.u32 s29, v0;
	vm11 =	vgt.f32 v27, v25  }
0x16b: {  	vm13 =	vgt.f32 v53, v26;
	vm8 =	vgt.f32 v18, v32;
	v25 =	vsel vm11, v27, v25  }
0x16c: {  	v23 =	vsel vm11, v23, v24;
	v57 =	vsel vm13, v26, v53;
	v58 =	vsel vm13, v53, v26  }
0x16d: {  	v59 =	vsel vm13, v22, v50;
	v22 =	vsel vm13, v50, v22;
	v38 =	vsel vm8, v32, v18  }
0x16e: {  	s30 =	sadd.s32 $0x93090, s23;
	v40 =	vsel vm8, v18, v32;
	v41 =	vsel vm8, v39, v33;
	v20 =	vsel vm8, v33, v39  }
0x16f: {  	v27 =	vor.u32 s30, v0;
	vm14 =	vgt.f32 v57, v51;
	vm5 =	vgt.f32 v31, v58  }
0x170: {  	vm12 =	vgt.f32 v17, v40;
	v60 =	vsel vm14, v51, v57;
	v61 =	vsel vm14, v57, v51  }
0x171: {  	v62 =	vsel vm14, v22, v52;
	v22 =	vsel vm14, v52, v22;
	v34 =	vsel vm5, v31, v58  }
0x172: {  	v24 =	vsel vm5, v58, v31;
	v35 =	vsel vm5, v21, v59;
	v21 =	vsel vm5, v59, v21  }
0x173: {  	v46 =	vsel vm12, v40, v17;
	v48 =	vsel vm12, v17, v40;
	v49 =	vsel vm12, v47, v41  }
0x174: {  	v19 =	vsel vm12, v41, v47;
	vm15 =	vgt.f32 v60, v25;
	vm6 =	vgt.f32 v24, v61  }
0x175: {  	vm9 =	vgt.f32 v38, v34;
	vm4 =	vgt.f32 v16, v48;
	v25 =	vsel vm15, v60, v25  }
0x176: {  	v22 =	vsel vm15, v22, v23;
	v36 =	vsel vm6, v24, v61;
	v37 =	vsel vm6, v21, v62  }
0x177: {  	v24 =	vsel vm6, v61, v24;
	v21 =	vsel vm6, v62, v21;
	v42 =	vsel vm9, v34, v38  }
0x178: {  	v43 =	vsel vm9, v20, v35;
	v20 =	vsel vm9, v35, v20;
	v57 =	vsel vm4, v48, v16  }
0x179: {  	s31 =	sadd.s32 $0x930A0, s23;
	v58 =	vsel vm4, v16, v48;
	v59 =	vsel vm4, v56, v49;
	v18 =	vsel vm4, v49, v56  }
0x17a: {  	v35 =	vor.u32 s31, v0;
	vm7 =	vgt.f32 v24, v25;
	vm10 =	vgt.f32 v42, v36  }
0x17b: {  	vm8 =	vgt.f32 v15, v58;
	v24 =	vsel vm7, v24, v25;
	v21 =	vsel vm7, v21, v22  }
0x17c: {  	v22 =	vsel vm9, v38, v34;
	v44 =	vsel vm10, v42, v36;
	v25 =	vsel vm10, v36, v42  }
0x17d: {  	v45 =	vsel vm10, v20, v37;
	v20 =	vsel vm10, v37, v20;
	v28 =	vsel vm8, v15, v58  }
0x17e: {  	v29 =	vsel vm8, v27, v59;
	v17 =	vsel vm8, v59, v27;
	vm11 =	vgt.f32 v25, v24  }
0x17f: {  	vm13 =	vgt.f32 v46, v22;
	vm12 =	vgt.f32 v14, v28;
	v24 =	vsel vm11, v25, v24  }
0x180: {  	v20 =	vsel vm11, v20, v21;
	v50 =	vsel vm13, v22, v46;
	v51 =	vsel vm13, v46, v22  }
0x181: {  	v52 =	vsel vm13, v19, v43;
	v19 =	vsel vm13, v43, v19;
	v25 =	vsel vm8, v58, v15  }
0x182: {  	v34 =	vsel vm12, v28, v14;
	v36 =	vsel vm12, v14, v28;
	v37 =	vsel vm12, v35, v29  }
0x183: {  	v16 =	vsel vm12, v29, v35;
	vm14 =	vgt.f32 v50, v44;
	vm5 =	vgt.f32 v57, v51  }
0x184: {  	vm4 =	vgt.f32 v13, v36;
	v53 =	vsel vm14, v44, v50;
	v54 =	vsel vm14, v50, v44  }
0x185: {  	v55 =	vsel vm14, v19, v45;
	v19 =	vsel vm14, v45, v19;
	v60 =	vsel vm5, v57, v51  }
0x186: {  	s25 =	sadd.s32 $0x930B0, s23;
	v21 =	vsel vm5, v51, v57;
	v61 =	vsel vm5, v18, v52;
	v18 =	vsel vm5, v52, v18  }
0x187: {  	v44 =	vor.u32 s25, v0;
	v45 =	vsel vm4, v36, v13;
	v46 =	vsel vm4, v13, v36  }
0x188: {  	vm15 =	vgt.f32 v53, v24;
	vm6 =	vgt.f32 v21, v54;
	vm9 =	vgt.f32 v25, v60  }
0x189: {  	v47 =	vsel vm4, v44, v37;
	v15 =	vsel vm4, v37, v44;
	vm8 =	vgt.f32 v12, v46  }
0x18a: {  	v23 =	vsel vm15, v53, v24;
	v19 =	vsel vm15, v19, v20;
	v62 =	vsel vm6, v21, v54  }
0x18b: {  	v63 =	vsel vm6, v18, v55;
	v21 =	vsel vm6, v54, v21;
	v18 =	vsel vm6, v55, v18  }
0x18c: {  	s26 =	sadd.s32 $0x930C0, s23;
	v30 =	vsel vm9, v60, v25;
	v31 =	vsel vm9, v17, v61;
	v17 =	vsel vm9, v61, v17  }
0x18d: {  	s28 =	sadd.s32 $0x930D0, s23;
	v52 =	vsel vm8, v46, v12;
	v53 =	vor.u32 s26, v0;
	v54 =	vsel vm8, v12, v46  }
0x18e: {  	v61 =	vor.u32 s28, v0;
	vm7 =	vgt.f32 v21, v23;
	vm10 =	vgt.f32 v30, v62  }
0x18f: {  	s31 =	sadd.s32 $0x93100, s23;
	v55 =	vsel vm8, v53, v47;
	v14 =	vsel vm8, v47, v53;
	vm12 =	vgt.f32 v11, v54  }
0x190: {  	v47 =	vor.u32 s31, v0;
	v21 =	vsel vm7, v21, v23;
	v18 =	vsel vm7, v18, v19  }
0x191: {  	v19 =	vsel vm9, v25, v60;
	v32 =	vsel vm10, v30, v62;
	v22 =	vsel vm10, v62, v30  }
0x192: {  	v33 =	vsel vm10, v17, v63;
	v17 =	vsel vm10, v63, v17;
	v60 =	vsel vm12, v54, v11  }
0x193: {  	s29 =	sadd.s32 $0x930E0, s23;
	v62 =	vsel vm12, v11, v54;
	v63 =	vsel vm12, v61, v55;
	v13 =	vsel vm12, v55, v61  }
0x194: {  	v30 =	vor.u32 s29, v0;
	vm11 =	vgt.f32 v22, v21;
	vm13 =	vgt.f32 v34, v19  }
0x195: {  	vm4 =	vgt.f32 v10, v62;
	v21 =	vsel vm11, v22, v21;
	v17 =	vsel vm11, v17, v18  }
0x196: {  	v38 =	vsel vm13, v19, v34;
	v39 =	vsel vm13, v34, v19;
	v40 =	vsel vm13, v16, v31  }
0x197: {  	v16 =	vsel vm13, v31, v16;
	v31 =	vsel vm4, v62, v10;
	vm14 =	vgt.f32 v38, v32  }
0x198: {  	v12 =	vsel vm4, v63, v30;
	vm5 =	vgt.f32 v45, v39;
	v41 =	vsel vm14, v32, v38  }
0x199: {  	v42 =	vsel vm14, v38, v32;
	v43 =	vsel vm14, v16, v33;
	v16 =	vsel vm14, v33, v16  }
0x19a: {  	v48 =	vsel vm5, v45, v39;
	v18 =	vsel vm5, v39, v45;
	v49 =	vsel vm5, v15, v40  }
0x19b: {  	s30 =	sadd.s32 $0x930F0, s23;
	v15 =	vsel vm5, v40, v15;
	v32 =	vsel vm4, v10, v62;
	v33 =	vsel vm4, v30, v63  }
0x19c: {  	v39 =	vor.u32 s30, v0;
	vm15 =	vgt.f32 v41, v21;
	vm6 =	vgt.f32 v18, v42  }
0x19d: {  	vm9 =	vgt.f32 v52, v48;
	vm8 =	vgt.f32 v9, v32;
	v20 =	vsel vm15, v41, v21  }
0x19e: {  	v16 =	vsel vm15, v16, v17;
	v50 =	vsel vm6, v18, v42;
	v51 =	vsel vm6, v15, v43  }
0x19f: {  	v18 =	vsel vm6, v42, v18;
	v15 =	vsel vm6, v43, v15;
	v56 =	vsel vm9, v48, v52  }
0x1a0: {  	v57 =	vsel vm9, v14, v49;
	v14 =	vsel vm9, v49, v14;
	v38 =	vsel vm8, v32, v9  }
0x1a1: {  	s26 =	sadd.s32 $0x93120, s23;
	v40 =	vsel vm8, v9, v32;
	v41 =	vsel vm8, v39, v33;
	v11 =	vsel vm8, v33, v39  }
0x1a2: {  	v21 =	vor.u32 s26, v0;
	vm7 =	vgt.f32 v18, v20;
	vm10 =	vgt.f32 v56, v50  }
0x1a3: {  	vm12 =	vgt.f32 v8, v40;
	v18 =	vsel vm7, v18, v20;
	v15 =	vsel vm7, v15, v16  }
0x1a4: {  	v16 =	vsel vm9, v52, v48;
	v58 =	vsel vm10, v56, v50;
	v19 =	vsel vm10, v50, v56  }
0x1a5: {  	v59 =	vsel vm10, v14, v51;
	v14 =	vsel vm10, v51, v14;
	v46 =	vsel vm12, v40, v8  }
0x1a6: {  	s25 =	sadd.s32 $0x93110, s23;
	s30 =	sadd.s32 $0x93150, s23;
	v48 =	vsel vm12, v8, v40;
	v49 =	vsel vm12, v47, v41;
	v10 =	vsel vm12, v41, v47  }
0x1a7: {  	v56 =	vor.u32 s25, v0;
	v47 =	vor.u32 s30, v0;
	vm11 =	vgt.f32 v19, v18  }
0x1a8: {  	vm13 =	vgt.f32 v60, v16;
	vm4 =	vgt.f32 v7, v48;
	v18 =	vsel vm11, v19, v18  }
0x1a9: {  	v14 =	vsel vm11, v14, v15;
	v24 =	vsel vm13, v16, v60;
	v25 =	vsel vm13, v60, v16  }
0x1aa: {  	v26 =	vsel vm13, v13, v57;
	v13 =	vsel vm13, v57, v13;
	v57 =	vsel vm4, v48, v7  }
0x1ab: {  	v9 =	vsel vm4, v49, v56;
	vm14 =	vgt.f32 v24, v58;
	vm5 =	vgt.f32 v31, v25  }
0x1ac: {  	v27 =	vsel vm14, v58, v24;
	v28 =	vsel vm14, v24, v58;
	v29 =	vsel vm14, v13, v59  }
0x1ad: {  	v13 =	vsel vm14, v59, v13;
	v34 =	vsel vm5, v31, v25;
	v15 =	vsel vm5, v25, v31  }
0x1ae: {  	v35 =	vsel vm5, v12, v26;
	v12 =	vsel vm5, v26, v12;
	v58 =	vsel vm4, v7, v48  }
0x1af: {  	v59 =	vsel vm4, v56, v49;
	vm15 =	vgt.f32 v27, v18;
	vm6 =	vgt.f32 v15, v28  }
0x1b0: {  	vm9 =	vgt.f32 v38, v34;
	vm8 =	vgt.f32 v6, v58;
	v17 =	vsel vm15, v27, v18  }
0x1b1: {  	v13 =	vsel vm15, v13, v14;
	v36 =	vsel vm6, v15, v28;
	v37 =	vsel vm6, v12, v29  }
0x1b2: {  	v15 =	vsel vm6, v28, v15;
	v12 =	vsel vm6, v29, v12;
	v42 =	vsel vm9, v34, v38  }
0x1b3: {  	v43 =	vsel vm9, v11, v35;
	v11 =	vsel vm9, v35, v11;
	v20 =	vsel vm8, v58, v6  }
0x1b4: {  	s28 =	sadd.s32 $0x93130, s23;
	v22 =	vsel vm8, v6, v58;
	v23 =	vsel vm8, v21, v59;
	v8 =	vsel vm8, v59, v21  }
0x1b5: {  	v29 =	vor.u32 s28, v0;
	vm7 =	vgt.f32 v15, v17;
	vm10 =	vgt.f32 v42, v36  }
0x1b6: {  	vm12 =	vgt.f32 v5, v22;
	v15 =	vsel vm7, v15, v17;
	v12 =	vsel vm7, v12, v13  }
0x1b7: {  	v13 =	vsel vm9, v38, v34;
	v44 =	vsel vm10, v42, v36;
	v16 =	vsel vm10, v36, v42  }
0x1b8: {  	v45 =	vsel vm10, v11, v37;
	v11 =	vsel vm10, v37, v11;
	v28 =	vsel vm12, v22, v5  }
0x1b9: {  	s29 =	sadd.s32 $0x93140, s23;
	v30 =	vsel vm12, v5, v22;
	v31 =	vsel vm12, v29, v23;
	v7 =	vsel vm12, v23, v29  }
0x1ba: {  	v38 =	vor.u32 s29, v0;
	vm11 =	vgt.f32 v16, v15;
	vm13 =	vgt.f32 v46, v13  }
0x1bb: {  	vm4 =	vgt.f32 v4, v30;
	v15 =	vsel vm11, v16, v15;
	v11 =	vsel vm11, v11, v12  }
0x1bc: {  	v50 =	vsel vm13, v13, v46;
	v51 =	vsel vm13, v46, v13;
	v52 =	vsel vm13, v10, v43  }
0x1bd: {  	v10 =	vsel vm13, v43, v10;
	v39 =	vsel vm4, v30, v4;
	v40 =	vsel vm4, v4, v30  }
0x1be: {  	v41 =	vsel vm4, v38, v31;
	v6 =	vsel vm4, v31, v38;
	vm14 =	vgt.f32 v50, v44  }
0x1bf: {  	vm5 =	vgt.f32 v57, v51;
	vm8 =	vgt.f32 v3, v40;
	v53 =	vsel vm14, v44, v50  }
0x1c0: {  	v54 =	vsel vm14, v50, v44;
	v55 =	vsel vm14, v10, v45;
	v10 =	vsel vm14, v45, v10  }
0x1c1: {  	v60 =	vsel vm5, v57, v51;
	v12 =	vsel vm5, v51, v57;
	v61 =	vsel vm5, v9, v52  }
0x1c2: {  	v9 =	vsel vm5, v52, v9;
	v46 =	vsel vm8, v40, v3;
	v3 =	vsel vm8, v3, v40  }
0x1c3: {  	v48 =	vsel vm8, v47, v41;
	v5 =	vsel vm8, v41, v47;
	vm15 =	vgt.f32 v53, v15  }
0x1c4: {  	vm6 =	vgt.f32 v12, v54;
	vm9 =	vgt.f32 v20, v60;
	vm12 =	vgt.f32 v2, v3  }
0x1c5: {  	v14 =	vsel vm15, v53, v15;
	v10 =	vsel vm15, v10, v11;
	v62 =	vsel vm6, v12, v54  }
0x1c6: {  	v63 =	vsel vm6, v9, v55;
	v12 =	vsel vm6, v54, v12;
	v9 =	vsel vm6, v55, v9  }
0x1c7: {  	s31 =	sadd.s32 $0x93160, s23;
	v24 =	vsel vm9, v60, v20;
	v25 =	vsel vm9, v8, v61;
	v8 =	vsel vm9, v61, v8  }
0x1c8: {  	v53 =	vor.u32 s31, v0;
	v54 =	vsel vm12, v2, v3;
	v2 =	vsel vm12, v3, v2  }
0x1c9: {  	vm7 =	vgt.f32 v12, v14;
	vm10 =	vgt.f32 v24, v62;
	v3 =	vsel vm12, v53, v48  }
0x1ca: {  	v4 =	vsel vm12, v48, v53;
	v12 =	vsel vm7, v12, v14;
	v9 =	vsel vm7, v9, v10  }
0x1cb: {  	v10 =	vsel vm9, v20, v60;
	v26 =	vsel vm10, v24, v62;
	v13 =	vsel vm10, v62, v24  }
0x1cc: {  	s23 =	sadd.s32 $0x93170, s23;
	v27 =	vsel vm10, v8, v63;
	v8 =	vsel vm10, v63, v8;
	vm11 =	vgt.f32 v13, v12  }
0x1cd: {  	v60 =	vor.u32 s23, v0;
	vm13 =	vgt.f32 v28, v10;
	v12 =	vsel vm11, v13, v12  }
0x1ce: {  	v8 =	vsel vm11, v8, v9;
	v32 =	vsel vm13, v10, v28;
	v33 =	vsel vm13, v28, v10  }
0x1cf: {  	v34 =	vsel vm13, v7, v25;
	v7 =	vsel vm13, v25, v7;
	vm14 =	vgt.f32 v32, v26  }
0x1d0: {  	vm5 =	vgt.f32 v39, v33;
	v35 =	vsel vm14, v26, v32;
	v36 =	vsel vm14, v32, v26  }
0x1d1: {  	v37 =	vsel vm14, v7, v27;
	v7 =	vsel vm14, v27, v7;
	v42 =	vsel vm5, v39, v33  }
0x1d2: {  	v9 =	vsel vm5, v33, v39;
	v43 =	vsel vm5, v6, v34;
	v6 =	vsel vm5, v34, v6  }
0x1d3: {  	vm14 =	vgt.f32 v1, v54;
	vm15 =	vgt.f32 v35, v12;
	vm6 =	vgt.f32 v9, v36  }
0x1d4: {  	vm9 =	vgt.f32 v46, v42;
	v56 =	vsel vm14, v54, v1;
	v1 =	vsel vm14, v1, v54  }
0x1d5: {  	v61 =	vsel vm14, v60, v3;
	v3 =	vsel vm14, v3, v60;
	v11 =	vsel vm15, v35, v12  }
0x1d6: {  	v7 =	vsel vm15, v7, v8;
	v44 =	vsel vm6, v9, v36;
	v45 =	vsel vm6, v6, v37  }
0x1d7: {  	v9 =	vsel vm6, v36, v9;
	v6 =	vsel vm6, v37, v6;
	v49 =	vsel vm9, v42, v46  }
0x1d8: {  	v50 =	vsel vm9, v5, v43;
	v5 =	vsel vm9, v43, v5;
	vm7 =	vgt.f32 v9, v11  }
0x1d9: {  	vm10 =	vgt.f32 v49, v44;
	v9 =	vsel vm7, v9, v11;
	v6 =	vsel vm7, v6, v7  }
0x1da: {  	v7 =	vsel vm9, v46, v42;
	v51 =	vsel vm10, v49, v44;
	v10 =	vsel vm10, v44, v49  }
0x1db: {  	v52 =	vsel vm10, v5, v45;
	v5 =	vsel vm10, v45, v5;
	vm13 =	vgt.f32 v2, v7  }
0x1dc: {  	vm11 =	vgt.f32 v10, v9;
	v55 =	vsel vm13, v2, v7;
	v2 =	vsel vm13, v7, v2  }
0x1dd: {  	v9 =	vsel vm11, v10, v9;
	vm15 =	vgt.f32 v2, v51;
	vm3 =	vgt.f32 v56, v55  }
0x1de: {  	v57 =	vsel vm15, v2, v51;
	v2 =	vsel vm15, v51, v2;
	v58 =	vsel vm3, v55, v56  }
0x1df: {  	[tilespmem:$0x1B900] =	vst v1;
	v1 =	vsel vm13, v4, v50;
	vm4 =	vgt.f32 v2, v9;
	vm5 =	vgt.f32 v58, v57  }
0x1e0: {  	[tilespmem:$0x1B980] =	vst v61;
	v7 =	vsel vm3, v56, v55;
	v2 =	vsel vm4, v2, v9;
	v59 =	vsel vm5, v57, v58  }
0x1e1: {  	v4 =	vsel vm13, v50, v4;
	v63 =	vsel vm3, v3, v1;
	[tilespmem:$0x1B910] =	vst v7;
	vm6 =	vgt.f32 v59, v2  }
.Ltmp11:
0x1e2: {  	v5 =	vsel vm11, v5, v6;
	v62 =	vsel vm15, v4, v52;
	[tilespmem:$0x1B990] =	vst v63;
	v2 =	vsel vm6, v59, v2;
	(pc) =	sbr.rel .LBB2_9-.Ltmp11, $4  }
0x1e3: {  	v1 =	vsel vm3, v1, v3;
	v6 =	vsel vm5, v58, v57;
	[tilespmem:$0x1B930] =	vst v2;
	v2 =	vsel vm15, v52, v4  }
0x1e4: {  	v3 =	vsel vm5, v1, v62;
	v1 =	vsel vm5, v62, v1;
	[tilespmem:$0x1B920] =	vst v6;
	v2 =	vsel vm4, v2, v5  }
0x1e5: {  	[tilespmem:$0x1B9A0] =	vst v3;
	v1 =	vsel vm6, v1, v2  }
0x1e6: {  	[tilespmem:$0x1B9B0] =	vst v1  }
.LBB2_12:
0x1e7: {  	_ =	sfence.sel $0x180000  }
0x1e8: {  	[bflag:$0x0] =	sbarrier.arrive $0xFFFF  }
0x1e9: {  	_ =	strace $0x90000047  }
0x1ea: {  	s0 =	sadd.s32 @!p0 $0x100000, s0;
	[bflag:$0x2] =	sbarrier.arrive $0xFFFF  }
0x1eb: {  	[sflag:s0] =	ssyncadd.tile.s32 @!p0 $0x1;
	_ =	shalt  }
.Lfunc_end2:
_tile_overlayer_lowered:
.L_overlay_start_2:
0x1ec: {  	(tag) =	ssettag $0x2  }
0x1ed: {  	s0 =	rddreg [dreg:$0x0];
	s2 =	stileid.u32  }
0x1ee: {  	s1 =	rddreg [dreg:$0x1];
	p0 =	sne.s32 s2, $0x0  }
0x1ef: {  	s3 =	rddreg [dreg:$0x2];
	[bflag:$0x3] =	sbarrier.arrive $0xFFFF;
	s2 =	simm.s32 @!p0 $0x1C03  }
0x1f0: {  	[timem:s3], [sflag:s2] =	dma.local @!p0 [hbm:s0], s1  }
0x1f1: {  	s0 =	simm.s32 @!p0 $0x3  }
0x1f2: {  	_ =	swait.ge @!p0 [sflag:s0], s1  }
0x1f3: {  	s1 =	ssub.s32 @!p0 $0x0, s1;
	[sflag:s0] =	ssyncset.done @!p0 $0x0  }
0x1f4: {  	[sflag:s0] =	ssyncadd.s32 @!p0 s1  }
0x1f5: {  	[bflag:$0x3] =	sbarrier.arrive $0xFFFF  }
0x1f6: {  	_ =	shalt  }

</sc_bundles>
